<compile_context>
chip_gen: v7x
topology: tpu7x:2x2x1
jax: 0.10.2.dev20260603
libtpu: 0.0.44.dev20260713+nightly
codegen_flags: <defaults>
</compile_context>

<pallas_src>
import jax
import jax.numpy as jnp
from jax import lax
from jax.experimental import pallas as pl
from jax.experimental.pallas import tpu as pltpu
from jax.experimental.pallas import tpu_sc as plsc

B = 16
L = 4096
D = 1024
NC = 2
NS = 16
DH = D // NC
CHUNK = 32
NLANE = 16
NCG = DH // NLANE

TROWS = 512
KMAX = L // TROWS


def _sc_body(features, s_hbm, out, s_v, buf, part, red, shared, final, sems):
    c = lax.axis_index("c")
    s = lax.axis_index("s")
    col0 = c * DH

    pltpu.sync_copy(s_hbm, s_v)

    iota = lax.iota(jnp.int32, NLANE)
    s_vec = s_v[...]
    zero = jnp.zeros((NLANE,), jnp.float32)

    def zero_row(i, _):
        def zero_cg(g, _):
            part[i, pl.ds(g * NLANE, NLANE)] = zero
            return 0
        return lax.fori_loop(0, NCG, zero_cg, 0)

    lax.fori_loop(0, B, zero_row, 0)

    nblk_v = s_vec // 8
    r0_v = 8 * ((s * nblk_v) // NS)
    rb1_v = 8 * (((s + 1) * nblk_v) // NS)
    nch_v = (rb1_v - r0_v + CHUNK - 1) // CHUNK
    total = jnp.sum(nch_v)

    def geti(v, i):
        return jnp.sum(jnp.where(iota == i, v, 0))

    def advance(i, k):
        def cond(st):
            i_, k_ = st
            return (i_ < B) & (k_ >= geti(nch_v, i_))

        def step(st):
            i_, _ = st
            return (i_ + 1, 0)

        return lax.while_loop(cond, step, (i, k))

    def chunk_start(i, k):
        r0 = geti(r0_v, i)
        rb1 = geti(rb1_v, i)
        islast = k == geti(nch_v, i) - 1
        start = jnp.where(
            islast, jnp.maximum(rb1 - CHUNK, 0), r0 + k * CHUNK
        )
        return pl.multiple_of(start, 8)

    def issue(i, k, par):
        return pltpu.async_copy(
            features.at[i, pl.ds(chunk_start(i, k), CHUNK), pl.ds(col0, DH)],
            buf.at[par],
            sems.at[par],
        )

    c0 = advance(0, 0)
    c1 = advance(c0[0], c0[1] + 1)
    c2 = advance(c1[0], c1[1] + 1)
    c3 = advance(c2[0], c2[1] + 1)
    for depth, cc in enumerate((c0, c1, c2)):
        @pl.when(total > depth)
        def _(cc=cc, depth=depth):
            issue(cc[0], cc[1], depth)

    def chunk_step(m, st):
        i, k, n1, n2, n3 = st
        par = m & 3

        @pl.when(m + 3 < total)
        def _():
            issue(n3[0], n3[1], (m + 3) & 3)

        pltpu.make_async_copy(
            features.at[i, pl.ds(chunk_start(i, k), CHUNK), pl.ds(col0, DH)],
            buf.at[par],
            sems.at[par],
        ).wait()

        islast = k == geti(nch_v, i) - 1

        @pl.when(jnp.logical_not(islast))
        def _():
            def per_cg(g, _):
                base = g * NLANE
                acc = part[i, pl.ds(base, NLANE)]
                for j in range(CHUNK):
                    acc = acc + buf[par, j, pl.ds(base, NLANE)]
                part[i, pl.ds(base, NLANE)] = acc
                return 0

            lax.fori_loop(0, NCG, per_cg, 0)

        @pl.when(islast)
        def _():
            start = chunk_start(i, k)
            lo = geti(r0_v, i) + k * CHUNK
            hi = geti(rb1_v, i)
            scales = [
                jnp.where((start + j >= lo) & (start + j < hi), 1.0, 0.0)
                for j in range(CHUNK)
            ]

            def per_cg(g, _):
                base = g * NLANE
                acc = part[i, pl.ds(base, NLANE)]
                for j in range(CHUNK):
                    acc = acc + buf[par, j, pl.ds(base, NLANE)] * scales[j]
                part[i, pl.ds(base, NLANE)] = acc
                return 0

            lax.fori_loop(0, NCG, per_cg, 0)

        return (n1[0], n1[1], n2, n3, advance(n3[0], n3[1] + 1))

    lax.fori_loop(0, total, chunk_step, (c0[0], c0[1], c1, c2, c3))

    pltpu.sync_copy(part, shared.at[s])
    plsc.subcore_barrier()

    pltpu.sync_copy(shared.at[:, s], part)

    def red_cg(g, _):
        base = g * NLANE
        acc = part[0, pl.ds(base, NLANE)]
        for w in range(1, NS):
            acc = acc + part[w, pl.ds(base, NLANE)]
        red[pl.ds(base, NLANE)] = acc
        return 0

    lax.fori_loop(0, NCG, red_cg, 0)

    pltpu.sync_copy(red, final.at[s])
    plsc.subcore_barrier()

    @pl.when(s == 0)
    def _():
        pltpu.sync_copy(final, out.at[:, pl.ds(col0, DH)])


def _tc_body(lob, hib, effs, feats_ref, out_ref):
    k = pl.program_id(1)
    i = pl.program_id(0)

    @pl.when(k == 0)
    def _():
        out_ref[...] = jnp.zeros(out_ref.shape, out_ref.dtype)

    lo = lob[i]
    hi = hib[i]

    @pl.when(lo + k < hi)
    def _():
        bidx = lo + k
        rows = bidx * TROWS + lax.broadcasted_iota(jnp.int32, (1, TROWS), 1)
        mask = (rows < effs[i]).astype(jnp.float32)
        out_ref[...] += jnp.dot(
            mask, feats_ref[0], preferred_element_type=jnp.float32
        )[None]


def _combine_body(a_ref, b_ref, inv_ref, o_ref):
    o_ref[...] = (a_ref[...] + b_ref[...]) * inv_ref[...]


@jax.jit
def kernel(features, lengths):
    eff = jnp.minimum(jnp.where(lengths <= 0, L, lengths), L).astype(jnp.int32)
    inv = 1.0 / eff.astype(jnp.float32)
    sblk = jnp.minimum((6 * eff + 5 * TROWS) // (10 * TROWS), eff // TROWS)
    s_rows = (TROWS // 8 * sblk) * 8

    mesh = plsc.VectorSubcoreMesh(core_axis_name="c", subcore_axis_name="s")
    sc_run = pl.kernel(
        _sc_body,
        out_type=jax.ShapeDtypeStruct((B, D), jnp.float32),
        mesh=mesh,
        scratch_types=[
            pltpu.VMEM((B,), jnp.int32),
            pltpu.VMEM((4, CHUNK, DH), jnp.float32),
            pltpu.VMEM((B, DH), jnp.float32),
            pltpu.VMEM((DH,), jnp.float32),
            pltpu.VMEM_SHARED((NS, B, DH), jnp.float32),
            pltpu.VMEM_SHARED((B, DH), jnp.float32),
            pltpu.SemaphoreType.DMA((4,)),
        ],
        compiler_params=pltpu.CompilerParams(needs_layout_passes=False),
    )
    sc_sums = sc_run(features, s_rows)

    hib = (eff + TROWS - 1) // TROWS
    tc_sums = pl.pallas_call(
        _tc_body,
        grid_spec=pltpu.PrefetchScalarGridSpec(
            num_scalar_prefetch=3,
            grid=(B, KMAX),
            in_specs=[
                pl.BlockSpec(
                    (1, TROWS, D),
                    lambda i, k, lob, hib, effs: (
                        i,
                        jnp.maximum(jnp.minimum(lob[i] + k, hib[i] - 1), 0),
                        0,
                    ),
                )
            ],
            out_specs=pl.BlockSpec(
                (1, 1, D), lambda i, k, lob, hib, effs: (i, 0, 0)
            ),
        ),
        out_shape=jax.ShapeDtypeStruct((B, 1, D), jnp.float32),
        compiler_params=pltpu.CompilerParams(
            dimension_semantics=("arbitrary", "arbitrary")
        ),
    )(sblk, hib, eff, features)
    tc_sums = tc_sums.reshape(B, D)

    out = pl.pallas_call(
        _combine_body,
        out_shape=jax.ShapeDtypeStruct((B, D), jnp.float32),
    )(sc_sums, tc_sums, inv[:, None])
    return out

# --- scband reference (transcript-rebuilt; emitter-appended) ---
"""Pipeline reference for scband-avg-pooling-variable-10806137717253 (READ-ONLY COPY).

The authoritative reference and input builder live on the scoring server;
editing this copy changes nothing except your own understanding.
"""

import jax, jax.numpy as jnp
import numpy as np


def setup_inputs(seed: int = 0) -> dict:
    key = jax.random.key(seed)
    k1, k2 = jax.random.split(key)
    features = jax.random.normal(k1, (16, 4096, 1024), dtype=jnp.float32)
    lengths = jax.random.randint(k2, (16,), 0, 4096)
    return {"features": features, "lengths": lengths}


def reference(features, lengths):
    # Faithful translation of avg_pool1d_var with dim=1:
    # for each batch element, mean over the first lengths[i] tokens along axis 0
    # of features[i] (shape [L, D]); if lengths[i] <= 0, mean over all L tokens.
    B, L, D = features.shape
    eff = jnp.where(lengths <= 0, L, lengths)  # effective token count per example
    # torch.split(...)[0] takes min(lengths[i], L) tokens; mask enforces that too
    eff = jnp.minimum(eff, L)
    mask = (jnp.arange(L)[None, :] < eff[:, None]).astype(features.dtype)  # [B, L]
    summed = jnp.sum(features * mask[:, :, None], axis=1)  # [B, D]
    pooled = summed / eff[:, None].astype(features.dtype)
    # Original module returns (pooled_features, None); return the array output.
    return pooled

if __name__ == "__main__":
    import jax
    _d = setup_inputs()
    print(jax.jit(kernel)(*tuple(_d.values())))

</pallas_src>

<mosaic_0001>
#map = affine_map<(d0, d1) -> (0, 0, 0)>
#map1 = affine_map<(d0, d1) -> (0)>
#map2 = affine_map<(d0, d1) -> (0, 0)>
module attributes {stable_mosaic.version = 14 : i64} {
  func.func @_sc_body(%arg0: i32, %arg1: i32, %arg2: memref<16x4096x1024xf32, #tpu.memory_space<hbm>>, %arg3: memref<16xi32, #tpu.memory_space<hbm>>, %arg4: memref<16x1024xf32, #tpu.memory_space<hbm>>, %arg5: memref<16xi32, #tpu.memory_space<vmem>>, %arg6: memref<4x32x512xf32, #tpu.memory_space<vmem>>, %arg7: memref<16x512xf32, #tpu.memory_space<vmem>>, %arg8: memref<512xf32, #tpu.memory_space<vmem>>, %arg9: memref<16x16x512xf32, #tpu.memory_space<vmem_shared>>, %arg10: memref<16x512xf32, #tpu.memory_space<vmem_shared>>, %arg11: memref<4x!tpu.dma_semaphore, #tpu.memory_space<semaphore_mem>>) attributes {dimension_semantics = [#tpu.dimension_semantics<core_parallel>, #tpu.dimension_semantics<subcore_parallel>], iteration_bounds = array<i64: 2, 16>, scalar_prefetch = 0 : i64, scratch_operands = 7 : i64, tpu.core_type = #tpu.core_type<sc_vector_subcore>, window_params = [{transform_indices = #map}, {transform_indices = #map1}, {transform_indices = #map2}]} {
    %mul3A = arith.constant 512 : i32
    %mul3A_0 = arith.muli %arg0, %mul3A : i32
    "tpu.region"() ({
      %run_scoped3A = tpu.sem_alloc : memref<!tpu.dma_semaphore, #tpu.memory_space<semaphore_mem>>
      tpu.enqueue_dma source(%arg3 : memref<16xi32, #tpu.memory_space<hbm>>) target(%arg5 : memref<16xi32, #tpu.memory_space<vmem>>) target_semaphore(%run_scoped3A : memref<!tpu.dma_semaphore, #tpu.memory_space<semaphore_mem>>)
      tpu.wait_dma2 semaphore(%run_scoped3A : memref<!tpu.dma_semaphore, #tpu.memory_space<semaphore_mem>>) src(%arg3 : memref<16xi32, #tpu.memory_space<hbm>>) dst(%arg5 : memref<16xi32, #tpu.memory_space<vmem>>)
      tpu.yield
    }) : () -> ()
    %iota3A = tpu.iota {dimensions = array<i32: 0>} : vector<16xi32>
    %get3A = arith.constant 0 : index
    %get3A_1 = tpu.vector_load %arg5[%get3A] {strides = array<i32>} : memref<16xi32, #tpu.memory_space<vmem>>, vector<16xi32>,
    %broadcast_in_dim3A = arith.constant 0.000000e+00 : f32
    %broadcast_in_dim3A_2 = vector.broadcast %broadcast_in_dim3A : f32 to vector<16xf32>
    %scan3A = arith.constant 0 : i32
    %scan3A_3 = arith.constant 0 : i32
    %scan3A_4 = arith.constant 16 : i32
    %scan3A_5 = arith.addi %scan3A_3, %scan3A_4 : i32
    %scan3A_6 = arith.constant 1 : i32
    %scan3A_7 = scf.for %scan3A_192 = %scan3A_3 to %scan3A_5 step %scan3A_6 iter_args(%scan3A_193 = %scan3A) -> (i32)  : i32 {
      %scan3A_194 = arith.constant 0 : i32
      %scan3A_195 = arith.constant 0 : i32
      %scan3A_196 = arith.constant 32 : i32
      %scan3A_197 = arith.addi %scan3A_195, %scan3A_196 : i32
      %scan3A_198 = arith.constant 1 : i32
      %scan3A_199 = scf.for %scan3A_201 = %scan3A_195 to %scan3A_197 step %scan3A_198 iter_args(%scan3A_202 = %scan3A_194) -> (i32)  : i32 {
        %mul3A_203 = arith.constant 16 : i32
        %mul3A_204 = arith.muli %scan3A_201, %mul3A_203 : i32
        %swap3A = arith.index_cast %scan3A_192 : i32 to index
        %swap3A_205 = arith.index_cast %mul3A_204 : i32 to index
        %swap3A_206 = tpu.vector_load %arg7[%swap3A, %swap3A_205] {strides = array<i32>} : memref<16x512xf32, #tpu.memory_space<vmem>>, vector<16xf32>,
        tpu.vector_store %arg7[%swap3A, %swap3A_205], %broadcast_in_dim3A_2 {strides = array<i32>} : memref<16x512xf32, #tpu.memory_space<vmem>>, vector<16xf32>,
        %scan3A_207 = arith.constant 0 : i32
        scf.yield %scan3A_207 : i32
      }
      %scan3A_200 = arith.constant 32 : i32
      scf.yield %scan3A_199 : i32
    }
    %scan3A_8 = arith.constant 16 : i32
    %jit3A = arith.constant 8 : i32
    %div3A = vector.broadcast %jit3A : i32 to vector<16xi32>
    %div3A_9 = arith.divsi %get3A_1, %div3A : vector<16xi32>
    %sign3A = arith.constant 0 : i32
    %sign3A_10 = vector.broadcast %sign3A : i32 to vector<16xi32>
    %sign3A_11 = arith.cmpi sgt, %get3A_1, %sign3A_10 : vector<16xi32>
    %sign3A_12 = arith.extui %sign3A_11 : vector<16xi1> to vector<16xi32>
    %sign3A_13 = arith.constant 0 : i32
    %sign3A_14 = vector.broadcast %sign3A_13 : i32 to vector<16xi32>
    %sign3A_15 = arith.cmpi slt, %get3A_1, %sign3A_14 : vector<16xi32>
    %sign3A_16 = arith.extui %sign3A_15 : vector<16xi1> to vector<16xi32>
    %sign3A_17 = arith.subi %sign3A_12, %sign3A_16 : vector<16xi32>
    %sign3A_18 = arith.constant 0 : i32
    %sign3A_19 = arith.cmpi sgt, %jit3A, %sign3A_18 : i32
    %sign3A_20 = arith.extui %sign3A_19 : i1 to i32
    %sign3A_21 = arith.constant 0 : i32
    %sign3A_22 = arith.cmpi slt, %jit3A, %sign3A_21 : i32
    %sign3A_23 = arith.extui %sign3A_22 : i1 to i32
    %sign3A_24 = arith.subi %sign3A_20, %sign3A_23 : i32
    %ne3A = vector.broadcast %sign3A_24 : i32 to vector<16xi32>
    %ne3A_25 = arith.cmpi ne, %sign3A_17, %ne3A : vector<16xi32>
    %rem3A = vector.broadcast %jit3A : i32 to vector<16xi32>
    %rem3A_26 = arith.remsi %get3A_1, %rem3A : vector<16xi32>
    %ne3A_27 = arith.constant 0 : i32
    %ne3A_28 = vector.broadcast %ne3A_27 : i32 to vector<16xi32>
    %ne3A_29 = arith.cmpi ne, %rem3A_26, %ne3A_28 : vector<16xi32>
    %and3A = arith.andi %ne3A_25, %ne3A_29 : vector<16xi1>
    %sub3A = arith.constant 1 : i32
    %sub3A_30 = vector.broadcast %sub3A : i32 to vector<16xi32>
    %sub3A_31 = arith.subi %div3A_9, %sub3A_30 : vector<16xi32>
    %select_n3A = arith.select %and3A, %sub3A_31, %div3A_9 : vector<16xi1>, vector<16xi32>
    %mul3A_32 = vector.broadcast %arg1 : i32 to vector<16xi32>
    %mul3A_33 = arith.muli %mul3A_32, %select_n3A : vector<16xi32>
    %jit3A_34 = arith.constant 16 : i32
    %div3A_35 = vector.broadcast %jit3A_34 : i32 to vector<16xi32>
    %div3A_36 = arith.divsi %mul3A_33, %div3A_35 : vector<16xi32>
    %sign3A_37 = arith.constant 0 : i32
    %sign3A_38 = vector.broadcast %sign3A_37 : i32 to vector<16xi32>
    %sign3A_39 = arith.cmpi sgt, %mul3A_33, %sign3A_38 : vector<16xi32>
    %sign3A_40 = arith.extui %sign3A_39 : vector<16xi1> to vector<16xi32>
    %sign3A_41 = arith.constant 0 : i32
    %sign3A_42 = vector.broadcast %sign3A_41 : i32 to vector<16xi32>
    %sign3A_43 = arith.cmpi slt, %mul3A_33, %sign3A_42 : vector<16xi32>
    %sign3A_44 = arith.extui %sign3A_43 : vector<16xi1> to vector<16xi32>
    %sign3A_45 = arith.subi %sign3A_40, %sign3A_44 : vector<16xi32>
    %sign3A_46 = arith.constant 0 : i32
    %sign3A_47 = arith.cmpi sgt, %jit3A_34, %sign3A_46 : i32
    %sign3A_48 = arith.extui %sign3A_47 : i1 to i32
    %sign3A_49 = arith.constant 0 : i32
    %sign3A_50 = arith.cmpi slt, %jit3A_34, %sign3A_49 : i32
    %sign3A_51 = arith.extui %sign3A_50 : i1 to i32
    %sign3A_52 = arith.subi %sign3A_48, %sign3A_51 : i32
    %ne3A_53 = vector.broadcast %sign3A_52 : i32 to vector<16xi32>
    %ne3A_54 = arith.cmpi ne, %sign3A_45, %ne3A_53 : vector<16xi32>
    %rem3A_55 = vector.broadcast %jit3A_34 : i32 to vector<16xi32>
    %rem3A_56 = arith.remsi %mul3A_33, %rem3A_55 : vector<16xi32>
    %ne3A_57 = arith.constant 0 : i32
    %ne3A_58 = vector.broadcast %ne3A_57 : i32 to vector<16xi32>
    %ne3A_59 = arith.cmpi ne, %rem3A_56, %ne3A_58 : vector<16xi32>
    %and3A_60 = arith.andi %ne3A_54, %ne3A_59 : vector<16xi1>
    %sub3A_61 = arith.constant 1 : i32
    %sub3A_62 = vector.broadcast %sub3A_61 : i32 to vector<16xi32>
    %sub3A_63 = arith.subi %div3A_36, %sub3A_62 : vector<16xi32>
    %select_n3A_64 = arith.select %and3A_60, %sub3A_63, %div3A_36 : vector<16xi1>, vector<16xi32>
    %mul3A_65 = arith.constant 8 : i32
    %mul3A_66 = vector.broadcast %mul3A_65 : i32 to vector<16xi32>
    %mul3A_67 = arith.muli %mul3A_66, %select_n3A_64 : vector<16xi32>
    %add3A = arith.constant 1 : i32
    %add3A_68 = arith.addi %arg1, %add3A : i32
    %mul3A_69 = vector.broadcast %add3A_68 : i32 to vector<16xi32>
    %mul3A_70 = arith.muli %mul3A_69, %select_n3A : vector<16xi32>
    %jit3A_71 = arith.constant 16 : i32
    %div3A_72 = vector.broadcast %jit3A_71 : i32 to vector<16xi32>
    %div3A_73 = arith.divsi %mul3A_70, %div3A_72 : vector<16xi32>
    %sign3A_74 = arith.constant 0 : i32
    %sign3A_75 = vector.broadcast %sign3A_74 : i32 to vector<16xi32>
    %sign3A_76 = arith.cmpi sgt, %mul3A_70, %sign3A_75 : vector<16xi32>
    %sign3A_77 = arith.extui %sign3A_76 : vector<16xi1> to vector<16xi32>
    %sign3A_78 = arith.constant 0 : i32
    %sign3A_79 = vector.broadcast %sign3A_78 : i32 to vector<16xi32>
    %sign3A_80 = arith.cmpi slt, %mul3A_70, %sign3A_79 : vector<16xi32>
    %sign3A_81 = arith.extui %sign3A_80 : vector<16xi1> to vector<16xi32>
    %sign3A_82 = arith.subi %sign3A_77, %sign3A_81 : vector<16xi32>
    %sign3A_83 = arith.constant 0 : i32
    %sign3A_84 = arith.cmpi sgt, %jit3A_71, %sign3A_83 : i32
    %sign3A_85 = arith.extui %sign3A_84 : i1 to i32
    %sign3A_86 = arith.constant 0 : i32
    %sign3A_87 = arith.cmpi slt, %jit3A_71, %sign3A_86 : i32
    %sign3A_88 = arith.extui %sign3A_87 : i1 to i32
    %sign3A_89 = arith.subi %sign3A_85, %sign3A_88 : i32
    %ne3A_90 = vector.broadcast %sign3A_89 : i32 to vector<16xi32>
    %ne3A_91 = arith.cmpi ne, %sign3A_82, %ne3A_90 : vector<16xi32>
    %rem3A_92 = vector.broadcast %jit3A_71 : i32 to vector<16xi32>
    %rem3A_93 = arith.remsi %mul3A_70, %rem3A_92 : vector<16xi32>
    %ne3A_94 = arith.constant 0 : i32
    %ne3A_95 = vector.broadcast %ne3A_94 : i32 to vector<16xi32>
    %ne3A_96 = arith.cmpi ne, %rem3A_93, %ne3A_95 : vector<16xi32>
    %and3A_97 = arith.andi %ne3A_91, %ne3A_96 : vector<16xi1>
    %sub3A_98 = arith.constant 1 : i32
    %sub3A_99 = vector.broadcast %sub3A_98 : i32 to vector<16xi32>
    %sub3A_100 = arith.subi %div3A_73, %sub3A_99 : vector<16xi32>
    %select_n3A_101 = arith.select %and3A_97, %sub3A_100, %div3A_73 : vector<16xi1>, vector<16xi32>
    %mul3A_102 = arith.constant 8 : i32
    %mul3A_103 = vector.broadcast %mul3A_102 : i32 to vector<16xi32>
    %mul3A_104 = arith.muli %mul3A_103, %select_n3A_101 : vector<16xi32>
    %sub3A_105 = arith.subi %mul3A_104, %mul3A_67 : vector<16xi32>
    %add3A_106 = arith.constant 32 : i32
    %add3A_107 = vector.broadcast %add3A_106 : i32 to vector<16xi32>
    %add3A_108 = arith.addi %sub3A_105, %add3A_107 : vector<16xi32>
    %sub3A_109 = arith.constant 1 : i32
    %sub3A_110 = vector.broadcast %sub3A_109 : i32 to vector<16xi32>
    %sub3A_111 = arith.subi %add3A_108, %sub3A_110 : vector<16xi32>
    %jit3A_112 = arith.constant 32 : i32
    %div3A_113 = vector.broadcast %jit3A_112 : i32 to vector<16xi32>
    %div3A_114 = arith.divsi %sub3A_111, %div3A_113 : vector<16xi32>
    %sign3A_115 = arith.constant 0 : i32
    %sign3A_116 = vector.broadcast %sign3A_115 : i32 to vector<16xi32>
    %sign3A_117 = arith.cmpi sgt, %sub3A_111, %sign3A_116 : vector<16xi32>
    %sign3A_118 = arith.extui %sign3A_117 : vector<16xi1> to vector<16xi32>
    %sign3A_119 = arith.constant 0 : i32
    %sign3A_120 = vector.broadcast %sign3A_119 : i32 to vector<16xi32>
    %sign3A_121 = arith.cmpi slt, %sub3A_111, %sign3A_120 : vector<16xi32>
    %sign3A_122 = arith.extui %sign3A_121 : vector<16xi1> to vector<16xi32>
    %sign3A_123 = arith.subi %sign3A_118, %sign3A_122 : vector<16xi32>
    %sign3A_124 = arith.constant 0 : i32
    %sign3A_125 = arith.cmpi sgt, %jit3A_112, %sign3A_124 : i32
    %sign3A_126 = arith.extui %sign3A_125 : i1 to i32
    %sign3A_127 = arith.constant 0 : i32
    %sign3A_128 = arith.cmpi slt, %jit3A_112, %sign3A_127 : i32
    %sign3A_129 = arith.extui %sign3A_128 : i1 to i32
    %sign3A_130 = arith.subi %sign3A_126, %sign3A_129 : i32
    %ne3A_131 = vector.broadcast %sign3A_130 : i32 to vector<16xi32>
    %ne3A_132 = arith.cmpi ne, %sign3A_123, %ne3A_131 : vector<16xi32>
    %rem3A_133 = vector.broadcast %jit3A_112 : i32 to vector<16xi32>
    %rem3A_134 = arith.remsi %sub3A_111, %rem3A_133 : vector<16xi32>
    %ne3A_135 = arith.constant 0 : i32
    %ne3A_136 = vector.broadcast %ne3A_135 : i32 to vector<16xi32>
    %ne3A_137 = arith.cmpi ne, %rem3A_134, %ne3A_136 : vector<16xi32>
    %and3A_138 = arith.andi %ne3A_132, %ne3A_137 : vector<16xi1>
    %sub3A_139 = arith.constant 1 : i32
    %sub3A_140 = vector.broadcast %sub3A_139 : i32 to vector<16xi32>
    %sub3A_141 = arith.subi %div3A_114, %sub3A_140 : vector<16xi32>
    %select_n3A_142 = arith.select %and3A_138, %sub3A_141, %div3A_114 : vector<16xi1>, vector<16xi32>
    %reduce_sum3A = arith.constant true
    %reduce_sum3A_143 = vector.broadcast %reduce_sum3A : i1 to vector<16xi1>
    %reduce_sum3A_144 = tpu.scan <sum>, %select_n3A_142 masked %reduce_sum3A_143 : vector<16xi32>, vector<16xi1> -> vector<16xi32>
    %reduce_sum3A_145 = vector.extract %reduce_sum3A_144[15] : i32 from vector<16xi32>
    %while3A = arith.constant 0 : i32
    %while3A_146 = arith.constant 0 : i32
    %while3A_147:2 = scf.while (%while3A_192 = %while3A, %while3A_193 = %while3A_146) : (i32, i32) -> (i32, i32) {
      %lt3A = arith.constant 16 : i32
      %lt3A_194 = arith.cmpi slt, %while3A_192, %lt3A : i32
      %eq3A_195 = vector.broadcast %while3A_192 : i32 to vector<16xi32>
      %eq3A_196 = arith.cmpi eq, %iota3A, %eq3A_195 : vector<16xi32>
      %jit3A_197 = arith.constant 0 : i32
      %broadcast_in_dim3A_198 = vector.broadcast %jit3A_197 : i32 to vector<16xi32>
      %select_n3A_199 = arith.select %eq3A_196, %select_n3A_142, %broadcast_in_dim3A_198 : vector<16xi1>, vector<16xi32>
      %reduce_sum3A_200 = arith.constant true
      %reduce_sum3A_201 = vector.broadcast %reduce_sum3A_200 : i1 to vector<16xi1>
      %reduce_sum3A_202 = tpu.scan <sum>, %select_n3A_199 masked %reduce_sum3A_201 : vector<16xi32>, vector<16xi1> -> vector<16xi32>
      %reduce_sum3A_203 = vector.extract %reduce_sum3A_202[15] : i32 from vector<16xi32>
      %ge3A = arith.cmpi sge, %while3A_193, %reduce_sum3A_203 : i32
      %and3A_204 = arith.andi %lt3A_194, %ge3A : i1
      scf.condition(%and3A_204) %while3A_192, %while3A_193 : i32, i32
    } do {
    ^bb0(%while3A_192: i32, %while3A_193: i32):
      %add3A_194 = arith.constant 1 : i32
      %add3A_195 = arith.addi %while3A_192, %add3A_194 : i32
      %while3A_196 = arith.constant 0 : i32
      scf.yield %add3A_195, %while3A_196 : i32, i32
    }
    %add3A_148 = arith.constant 1 : i32
    %add3A_149 = arith.addi %while3A_147#1, %add3A_148 : i32
    %while3A_150:2 = scf.while (%while3A_192 = %while3A_147#0, %while3A_193 = %add3A_149) : (i32, i32) -> (i32, i32) {
      %lt3A = arith.constant 16 : i32
      %lt3A_194 = arith.cmpi slt, %while3A_192, %lt3A : i32
      %eq3A_195 = vector.broadcast %while3A_192 : i32 to vector<16xi32>
      %eq3A_196 = arith.cmpi eq, %iota3A, %eq3A_195 : vector<16xi32>
      %jit3A_197 = arith.constant 0 : i32
      %broadcast_in_dim3A_198 = vector.broadcast %jit3A_197 : i32 to vector<16xi32>
      %select_n3A_199 = arith.select %eq3A_196, %select_n3A_142, %broadcast_in_dim3A_198 : vector<16xi1>, vector<16xi32>
      %reduce_sum3A_200 = arith.constant true
      %reduce_sum3A_201 = vector.broadcast %reduce_sum3A_200 : i1 to vector<16xi1>
      %reduce_sum3A_202 = tpu.scan <sum>, %select_n3A_199 masked %reduce_sum3A_201 : vector<16xi32>, vector<16xi1> -> vector<16xi32>
      %reduce_sum3A_203 = vector.extract %reduce_sum3A_202[15] : i32 from vector<16xi32>
      %ge3A = arith.cmpi sge, %while3A_193, %reduce_sum3A_203 : i32
      %and3A_204 = arith.andi %lt3A_194, %ge3A : i1
      scf.condition(%and3A_204) %while3A_192, %while3A_193 : i32, i32
    } do {
    ^bb0(%while3A_192: i32, %while3A_193: i32):
      %add3A_194 = arith.constant 1 : i32
      %add3A_195 = arith.addi %while3A_192, %add3A_194 : i32
      %while3A_196 = arith.constant 0 : i32
      scf.yield %add3A_195, %while3A_196 : i32, i32
    }
    %add3A_151 = arith.constant 1 : i32
    %add3A_152 = arith.addi %while3A_150#1, %add3A_151 : i32
    %while3A_153:2 = scf.while (%while3A_192 = %while3A_150#0, %while3A_193 = %add3A_152) : (i32, i32) -> (i32, i32) {
      %lt3A = arith.constant 16 : i32
      %lt3A_194 = arith.cmpi slt, %while3A_192, %lt3A : i32
      %eq3A_195 = vector.broadcast %while3A_192 : i32 to vector<16xi32>
      %eq3A_196 = arith.cmpi eq, %iota3A, %eq3A_195 : vector<16xi32>
      %jit3A_197 = arith.constant 0 : i32
      %broadcast_in_dim3A_198 = vector.broadcast %jit3A_197 : i32 to vector<16xi32>
      %select_n3A_199 = arith.select %eq3A_196, %select_n3A_142, %broadcast_in_dim3A_198 : vector<16xi1>, vector<16xi32>
      %reduce_sum3A_200 = arith.constant true
      %reduce_sum3A_201 = vector.broadcast %reduce_sum3A_200 : i1 to vector<16xi1>
      %reduce_sum3A_202 = tpu.scan <sum>, %select_n3A_199 masked %reduce_sum3A_201 : vector<16xi32>, vector<16xi1> -> vector<16xi32>
      %reduce_sum3A_203 = vector.extract %reduce_sum3A_202[15] : i32 from vector<16xi32>
      %ge3A = arith.cmpi sge, %while3A_193, %reduce_sum3A_203 : i32
      %and3A_204 = arith.andi %lt3A_194, %ge3A : i1
      scf.condition(%and3A_204) %while3A_192, %while3A_193 : i32, i32
    } do {
    ^bb0(%while3A_192: i32, %while3A_193: i32):
      %add3A_194 = arith.constant 1 : i32
      %add3A_195 = arith.addi %while3A_192, %add3A_194 : i32
      %while3A_196 = arith.constant 0 : i32
      scf.yield %add3A_195, %while3A_196 : i32, i32
    }
    %add3A_154 = arith.constant 1 : i32
    %add3A_155 = arith.addi %while3A_153#1, %add3A_154 : i32
    %while3A_156:2 = scf.while (%while3A_192 = %while3A_153#0, %while3A_193 = %add3A_155) : (i32, i32) -> (i32, i32) {
      %lt3A = arith.constant 16 : i32
      %lt3A_194 = arith.cmpi slt, %while3A_192, %lt3A : i32
      %eq3A_195 = vector.broadcast %while3A_192 : i32 to vector<16xi32>
      %eq3A_196 = arith.cmpi eq, %iota3A, %eq3A_195 : vector<16xi32>
      %jit3A_197 = arith.constant 0 : i32
      %broadcast_in_dim3A_198 = vector.broadcast %jit3A_197 : i32 to vector<16xi32>
      %select_n3A_199 = arith.select %eq3A_196, %select_n3A_142, %broadcast_in_dim3A_198 : vector<16xi1>, vector<16xi32>
      %reduce_sum3A_200 = arith.constant true
      %reduce_sum3A_201 = vector.broadcast %reduce_sum3A_200 : i1 to vector<16xi1>
      %reduce_sum3A_202 = tpu.scan <sum>, %select_n3A_199 masked %reduce_sum3A_201 : vector<16xi32>, vector<16xi1> -> vector<16xi32>
      %reduce_sum3A_203 = vector.extract %reduce_sum3A_202[15] : i32 from vector<16xi32>
      %ge3A = arith.cmpi sge, %while3A_193, %reduce_sum3A_203 : i32
      %and3A_204 = arith.andi %lt3A_194, %ge3A : i1
      scf.condition(%and3A_204) %while3A_192, %while3A_193 : i32, i32
    } do {
    ^bb0(%while3A_192: i32, %while3A_193: i32):
      %add3A_194 = arith.constant 1 : i32
      %add3A_195 = arith.addi %while3A_192, %add3A_194 : i32
      %while3A_196 = arith.constant 0 : i32
      scf.yield %add3A_195, %while3A_196 : i32, i32
    }
    %gt3A = arith.constant 0 : i32
    %gt3A_157 = arith.cmpi sgt, %reduce_sum3A_145, %gt3A : i32
    %convert_element_type3A = arith.extui %gt3A_157 : i1 to i32
    %cond3A = arith.constant 0 : i32
    %cond3A_158 = arith.cmpi ne, %convert_element_type3A, %cond3A : i32
    scf.if %cond3A_158 {
      %eq3A_192 = vector.broadcast %while3A_147#0 : i32 to vector<16xi32>
      %eq3A_193 = arith.cmpi eq, %iota3A, %eq3A_192 : vector<16xi32>
      %jit3A_194 = arith.constant 0 : i32
      %broadcast_in_dim3A_195 = vector.broadcast %jit3A_194 : i32 to vector<16xi32>
      %select_n3A_196 = arith.select %eq3A_193, %mul3A_67, %broadcast_in_dim3A_195 : vector<16xi1>, vector<16xi32>
      %reduce_sum3A_197 = arith.constant true
      %reduce_sum3A_198 = vector.broadcast %reduce_sum3A_197 : i1 to vector<16xi1>
      %reduce_sum3A_199 = tpu.scan <sum>, %select_n3A_196 masked %reduce_sum3A_198 : vector<16xi32>, vector<16xi1> -> vector<16xi32>
      %reduce_sum3A_200 = vector.extract %reduce_sum3A_199[15] : i32 from vector<16xi32>
      %eq3A_201 = vector.broadcast %while3A_147#0 : i32 to vector<16xi32>
      %eq3A_202 = arith.cmpi eq, %iota3A, %eq3A_201 : vector<16xi32>
      %jit3A_203 = arith.constant 0 : i32
      %broadcast_in_dim3A_204 = vector.broadcast %jit3A_203 : i32 to vector<16xi32>
      %select_n3A_205 = arith.select %eq3A_202, %mul3A_104, %broadcast_in_dim3A_204 : vector<16xi1>, vector<16xi32>
      %reduce_sum3A_206 = arith.constant true
      %reduce_sum3A_207 = vector.broadcast %reduce_sum3A_206 : i1 to vector<16xi1>
      %reduce_sum3A_208 = tpu.scan <sum>, %select_n3A_205 masked %reduce_sum3A_207 : vector<16xi32>, vector<16xi1> -> vector<16xi32>
      %reduce_sum3A_209 = vector.extract %reduce_sum3A_208[15] : i32 from vector<16xi32>
      %eq3A_210 = vector.broadcast %while3A_147#0 : i32 to vector<16xi32>
      %eq3A_211 = arith.cmpi eq, %iota3A, %eq3A_210 : vector<16xi32>
      %jit3A_212 = arith.constant 0 : i32
      %broadcast_in_dim3A_213 = vector.broadcast %jit3A_212 : i32 to vector<16xi32>
      %select_n3A_214 = arith.select %eq3A_211, %select_n3A_142, %broadcast_in_dim3A_213 : vector<16xi1>, vector<16xi32>
      %reduce_sum3A_215 = arith.constant true
      %reduce_sum3A_216 = vector.broadcast %reduce_sum3A_215 : i1 to vector<16xi1>
      %reduce_sum3A_217 = tpu.scan <sum>, %select_n3A_214 masked %reduce_sum3A_216 : vector<16xi32>, vector<16xi1> -> vector<16xi32>
      %reduce_sum3A_218 = vector.extract %reduce_sum3A_217[15] : i32 from vector<16xi32>
      %sub3A_219 = arith.constant 1 : i32
      %sub3A_220 = arith.subi %reduce_sum3A_218, %sub3A_219 : i32
      %eq3A_221 = arith.cmpi eq, %while3A_147#1, %sub3A_220 : i32
      %sub3A_222 = arith.constant 32 : i32
      %sub3A_223 = arith.subi %reduce_sum3A_209, %sub3A_222 : i32
      %max3A = arith.constant 0 : i32
      %max3A_224 = arith.maxsi %sub3A_223, %max3A : i32
      %mul3A_225 = arith.constant 32 : i32
      %mul3A_226 = arith.muli %while3A_147#1, %mul3A_225 : i32
      %add3A_227 = arith.addi %reduce_sum3A_200, %mul3A_226 : i32
      %select_n3A_228 = arith.select %eq3A_221, %max3A_224, %add3A_227 : i32
      %multiple_of3A = tpu.assume_multiple %select_n3A_228, 8 : i32
      %dma_start3A = arith.constant 0 : i32
      %dma_start3A_229 = arith.constant 0 : i32
      %dma_start3A_230 = arith.constant 0 : i32
      %dma_start3A_231 = arith.constant 0 : i32
      %dma_start3A_232 = tpu.memref_slice %arg6[%dma_start3A, %dma_start3A_230, %dma_start3A_231] : memref<4x32x512xf32, #tpu.memory_space<vmem>> -> memref<1x32x512xf32, #tpu.memory_space<vmem>>
      %dma_start3A_233 = tpu.memref_squeeze %dma_start3A_232 : memref<1x32x512xf32, #tpu.memory_space<vmem>> -> memref<32x512xf32, #tpu.memory_space<vmem>>
      %dma_start3A_234 = tpu.memref_slice %arg2[%while3A_147#0, %multiple_of3A, %mul3A_0] : memref<16x4096x1024xf32, #tpu.memory_space<hbm>> -> memref<1x32x512xf32, #tpu.memory_space<hbm>>
      %dma_start3A_235 = tpu.memref_squeeze %dma_start3A_234 : memref<1x32x512xf32, #tpu.memory_space<hbm>> -> memref<32x512xf32, #tpu.memory_space<hbm>>
      %dma_start3A_236 = tpu.memref_slice %arg11[%dma_start3A_229] : memref<4x!tpu.dma_semaphore, #tpu.memory_space<semaphore_mem>> -> memref<1x!tpu.dma_semaphore, #tpu.memory_space<semaphore_mem>>
      %dma_start3A_237 = tpu.memref_squeeze %dma_start3A_236 : memref<1x!tpu.dma_semaphore, #tpu.memory_space<semaphore_mem>> -> memref<!tpu.dma_semaphore, #tpu.memory_space<semaphore_mem>>
      %dma_start3A_238 = arith.constant 0 : i32
      %dma_start3A_239 = arith.constant 0 : i32
      %dma_start3A_240 = tpu.memref_slice %arg6[%dma_start3A, %dma_start3A_238, %dma_start3A_239] : memref<4x32x512xf32, #tpu.memory_space<vmem>> -> memref<1x32x512xf32, #tpu.memory_space<vmem>>
      %dma_start3A_241 = tpu.memref_squeeze %dma_start3A_240 : memref<1x32x512xf32, #tpu.memory_space<vmem>> -> memref<32x512xf32, #tpu.memory_space<vmem>>
      %dma_start3A_242 = tpu.memref_slice %arg2[%while3A_147#0, %multiple_of3A, %mul3A_0] : memref<16x4096x1024xf32, #tpu.memory_space<hbm>> -> memref<1x32x512xf32, #tpu.memory_space<hbm>>
      %dma_start3A_243 = tpu.memref_squeeze %dma_start3A_242 : memref<1x32x512xf32, #tpu.memory_space<hbm>> -> memref<32x512xf32, #tpu.memory_space<hbm>>
      tpu.enqueue_dma source(%dma_start3A_243 : memref<32x512xf32, #tpu.memory_space<hbm>>) target(%dma_start3A_241 : memref<32x512xf32, #tpu.memory_space<vmem>>) target_semaphore(%dma_start3A_237 : memref<!tpu.dma_semaphore, #tpu.memory_space<semaphore_mem>>)
    } else {
    }
    %gt3A_159 = arith.constant 1 : i32
    %gt3A_160 = arith.cmpi sgt, %reduce_sum3A_145, %gt3A_159 : i32
    %convert_element_type3A_161 = arith.extui %gt3A_160 : i1 to i32
    %cond3A_162 = arith.constant 0 : i32
    %cond3A_163 = arith.cmpi ne, %convert_element_type3A_161, %cond3A_162 : i32
    scf.if %cond3A_163 {
      %eq3A_192 = vector.broadcast %while3A_150#0 : i32 to vector<16xi32>
      %eq3A_193 = arith.cmpi eq, %iota3A, %eq3A_192 : vector<16xi32>
      %jit3A_194 = arith.constant 0 : i32
      %broadcast_in_dim3A_195 = vector.broadcast %jit3A_194 : i32 to vector<16xi32>
      %select_n3A_196 = arith.select %eq3A_193, %mul3A_67, %broadcast_in_dim3A_195 : vector<16xi1>, vector<16xi32>
      %reduce_sum3A_197 = arith.constant true
      %reduce_sum3A_198 = vector.broadcast %reduce_sum3A_197 : i1 to vector<16xi1>
      %reduce_sum3A_199 = tpu.scan <sum>, %select_n3A_196 masked %reduce_sum3A_198 : vector<16xi32>, vector<16xi1> -> vector<16xi32>
      %reduce_sum3A_200 = vector.extract %reduce_sum3A_199[15] : i32 from vector<16xi32>
      %eq3A_201 = vector.broadcast %while3A_150#0 : i32 to vector<16xi32>
      %eq3A_202 = arith.cmpi eq, %iota3A, %eq3A_201 : vector<16xi32>
      %jit3A_203 = arith.constant 0 : i32
      %broadcast_in_dim3A_204 = vector.broadcast %jit3A_203 : i32 to vector<16xi32>
      %select_n3A_205 = arith.select %eq3A_202, %mul3A_104, %broadcast_in_dim3A_204 : vector<16xi1>, vector<16xi32>
      %reduce_sum3A_206 = arith.constant true
      %reduce_sum3A_207 = vector.broadcast %reduce_sum3A_206 : i1 to vector<16xi1>
      %reduce_sum3A_208 = tpu.scan <sum>, %select_n3A_205 masked %reduce_sum3A_207 : vector<16xi32>, vector<16xi1> -> vector<16xi32>
      %reduce_sum3A_209 = vector.extract %reduce_sum3A_208[15] : i32 from vector<16xi32>
      %eq3A_210 = vector.broadcast %while3A_150#0 : i32 to vector<16xi32>
      %eq3A_211 = arith.cmpi eq, %iota3A, %eq3A_210 : vector<16xi32>
      %jit3A_212 = arith.constant 0 : i32
      %broadcast_in_dim3A_213 = vector.broadcast %jit3A_212 : i32 to vector<16xi32>
      %select_n3A_214 = arith.select %eq3A_211, %select_n3A_142, %broadcast_in_dim3A_213 : vector<16xi1>, vector<16xi32>
      %reduce_sum3A_215 = arith.constant true
      %reduce_sum3A_216 = vector.broadcast %reduce_sum3A_215 : i1 to vector<16xi1>
      %reduce_sum3A_217 = tpu.scan <sum>, %select_n3A_214 masked %reduce_sum3A_216 : vector<16xi32>, vector<16xi1> -> vector<16xi32>
      %reduce_sum3A_218 = vector.extract %reduce_sum3A_217[15] : i32 from vector<16xi32>
      %sub3A_219 = arith.constant 1 : i32
      %sub3A_220 = arith.subi %reduce_sum3A_218, %sub3A_219 : i32
      %eq3A_221 = arith.cmpi eq, %while3A_150#1, %sub3A_220 : i32
      %sub3A_222 = arith.constant 32 : i32
      %sub3A_223 = arith.subi %reduce_sum3A_209, %sub3A_222 : i32
      %max3A = arith.constant 0 : i32
      %max3A_224 = arith.maxsi %sub3A_223, %max3A : i32
      %mul3A_225 = arith.constant 32 : i32
      %mul3A_226 = arith.muli %while3A_150#1, %mul3A_225 : i32
      %add3A_227 = arith.addi %reduce_sum3A_200, %mul3A_226 : i32
      %select_n3A_228 = arith.select %eq3A_221, %max3A_224, %add3A_227 : i32
      %multiple_of3A = tpu.assume_multiple %select_n3A_228, 8 : i32
      %dma_start3A = arith.constant 1 : i32
      %dma_start3A_229 = arith.constant 1 : i32
      %dma_start3A_230 = arith.constant 0 : i32
      %dma_start3A_231 = arith.constant 0 : i32
      %dma_start3A_232 = tpu.memref_slice %arg6[%dma_start3A, %dma_start3A_230, %dma_start3A_231] : memref<4x32x512xf32, #tpu.memory_space<vmem>> -> memref<1x32x512xf32, #tpu.memory_space<vmem>>
      %dma_start3A_233 = tpu.memref_squeeze %dma_start3A_232 : memref<1x32x512xf32, #tpu.memory_space<vmem>> -> memref<32x512xf32, #tpu.memory_space<vmem>>
      %dma_start3A_234 = tpu.memref_slice %arg2[%while3A_150#0, %multiple_of3A, %mul3A_0] : memref<16x4096x1024xf32, #tpu.memory_space<hbm>> -> memref<1x32x512xf32, #tpu.memory_space<hbm>>
      %dma_start3A_235 = tpu.memref_squeeze %dma_start3A_234 : memref<1x32x512xf32, #tpu.memory_space<hbm>> -> memref<32x512xf32, #tpu.memory_space<hbm>>
      %dma_start3A_236 = tpu.memref_slice %arg11[%dma_start3A_229] : memref<4x!tpu.dma_semaphore, #tpu.memory_space<semaphore_mem>> -> memref<1x!tpu.dma_semaphore, #tpu.memory_space<semaphore_mem>>
      %dma_start3A_237 = tpu.memref_squeeze %dma_start3A_236 : memref<1x!tpu.dma_semaphore, #tpu.memory_space<semaphore_mem>> -> memref<!tpu.dma_semaphore, #tpu.memory_space<semaphore_mem>>
      %dma_start3A_238 = arith.constant 0 : i32
      %dma_start3A_239 = arith.constant 0 : i32
      %dma_start3A_240 = tpu.memref_slice %arg6[%dma_start3A, %dma_start3A_238, %dma_start3A_239] : memref<4x32x512xf32, #tpu.memory_space<vmem>> -> memref<1x32x512xf32, #tpu.memory_space<vmem>>
      %dma_start3A_241 = tpu.memref_squeeze %dma_start3A_240 : memref<1x32x512xf32, #tpu.memory_space<vmem>> -> memref<32x512xf32, #tpu.memory_space<vmem>>
      %dma_start3A_242 = tpu.memref_slice %arg2[%while3A_150#0, %multiple_of3A, %mul3A_0] : memref<16x4096x1024xf32, #tpu.memory_space<hbm>> -> memref<1x32x512xf32, #tpu.memory_space<hbm>>
      %dma_start3A_243 = tpu.memref_squeeze %dma_start3A_242 : memref<1x32x512xf32, #tpu.memory_space<hbm>> -> memref<32x512xf32, #tpu.memory_space<hbm>>
      tpu.enqueue_dma source(%dma_start3A_243 : memref<32x512xf32, #tpu.memory_space<hbm>>) target(%dma_start3A_241 : memref<32x512xf32, #tpu.memory_space<vmem>>) target_semaphore(%dma_start3A_237 : memref<!tpu.dma_semaphore, #tpu.memory_space<semaphore_mem>>)
    } else {
    }
    %gt3A_164 = arith.constant 2 : i32
    %gt3A_165 = arith.cmpi sgt, %reduce_sum3A_145, %gt3A_164 : i32
    %convert_element_type3A_166 = arith.extui %gt3A_165 : i1 to i32
    %cond3A_167 = arith.constant 0 : i32
    %cond3A_168 = arith.cmpi ne, %convert_element_type3A_166, %cond3A_167 : i32
    scf.if %cond3A_168 {
      %eq3A_192 = vector.broadcast %while3A_153#0 : i32 to vector<16xi32>
      %eq3A_193 = arith.cmpi eq, %iota3A, %eq3A_192 : vector<16xi32>
      %jit3A_194 = arith.constant 0 : i32
      %broadcast_in_dim3A_195 = vector.broadcast %jit3A_194 : i32 to vector<16xi32>
      %select_n3A_196 = arith.select %eq3A_193, %mul3A_67, %broadcast_in_dim3A_195 : vector<16xi1>, vector<16xi32>
      %reduce_sum3A_197 = arith.constant true
      %reduce_sum3A_198 = vector.broadcast %reduce_sum3A_197 : i1 to vector<16xi1>
      %reduce_sum3A_199 = tpu.scan <sum>, %select_n3A_196 masked %reduce_sum3A_198 : vector<16xi32>, vector<16xi1> -> vector<16xi32>
      %reduce_sum3A_200 = vector.extract %reduce_sum3A_199[15] : i32 from vector<16xi32>
      %eq3A_201 = vector.broadcast %while3A_153#0 : i32 to vector<16xi32>
      %eq3A_202 = arith.cmpi eq, %iota3A, %eq3A_201 : vector<16xi32>
      %jit3A_203 = arith.constant 0 : i32
      %broadcast_in_dim3A_204 = vector.broadcast %jit3A_203 : i32 to vector<16xi32>
      %select_n3A_205 = arith.select %eq3A_202, %mul3A_104, %broadcast_in_dim3A_204 : vector<16xi1>, vector<16xi32>
      %reduce_sum3A_206 = arith.constant true
      %reduce_sum3A_207 = vector.broadcast %reduce_sum3A_206 : i1 to vector<16xi1>
      %reduce_sum3A_208 = tpu.scan <sum>, %select_n3A_205 masked %reduce_sum3A_207 : vector<16xi32>, vector<16xi1> -> vector<16xi32>
      %reduce_sum3A_209 = vector.extract %reduce_sum3A_208[15] : i32 from vector<16xi32>
      %eq3A_210 = vector.broadcast %while3A_153#0 : i32 to vector<16xi32>
      %eq3A_211 = arith.cmpi eq, %iota3A, %eq3A_210 : vector<16xi32>
      %jit3A_212 = arith.constant 0 : i32
      %broadcast_in_dim3A_213 = vector.broadcast %jit3A_212 : i32 to vector<16xi32>
      %select_n3A_214 = arith.select %eq3A_211, %select_n3A_142, %broadcast_in_dim3A_213 : vector<16xi1>, vector<16xi32>
      %reduce_sum3A_215 = arith.constant true
      %reduce_sum3A_216 = vector.broadcast %reduce_sum3A_215 : i1 to vector<16xi1>
      %reduce_sum3A_217 = tpu.scan <sum>, %select_n3A_214 masked %reduce_sum3A_216 : vector<16xi32>, vector<16xi1> -> vector<16xi32>
      %reduce_sum3A_218 = vector.extract %reduce_sum3A_217[15] : i32 from vector<16xi32>
      %sub3A_219 = arith.constant 1 : i32
      %sub3A_220 = arith.subi %reduce_sum3A_218, %sub3A_219 : i32
      %eq3A_221 = arith.cmpi eq, %while3A_153#1, %sub3A_220 : i32
      %sub3A_222 = arith.constant 32 : i32
      %sub3A_223 = arith.subi %reduce_sum3A_209, %sub3A_222 : i32
      %max3A = arith.constant 0 : i32
      %max3A_224 = arith.maxsi %sub3A_223, %max3A : i32
      %mul3A_225 = arith.constant 32 : i32
      %mul3A_226 = arith.muli %while3A_153#1, %mul3A_225 : i32
      %add3A_227 = arith.addi %reduce_sum3A_200, %mul3A_226 : i32
      %select_n3A_228 = arith.select %eq3A_221, %max3A_224, %add3A_227 : i32
      %multiple_of3A = tpu.assume_multiple %select_n3A_228, 8 : i32
      %dma_start3A = arith.constant 2 : i32
      %dma_start3A_229 = arith.constant 2 : i32
      %dma_start3A_230 = arith.constant 0 : i32
      %dma_start3A_231 = arith.constant 0 : i32
      %dma_start3A_232 = tpu.memref_slice %arg6[%dma_start3A, %dma_start3A_230, %dma_start3A_231] : memref<4x32x512xf32, #tpu.memory_space<vmem>> -> memref<1x32x512xf32, #tpu.memory_space<vmem>>
      %dma_start3A_233 = tpu.memref_squeeze %dma_start3A_232 : memref<1x32x512xf32, #tpu.memory_space<vmem>> -> memref<32x512xf32, #tpu.memory_space<vmem>>
      %dma_start3A_234 = tpu.memref_slice %arg2[%while3A_153#0, %multiple_of3A, %mul3A_0] : memref<16x4096x1024xf32, #tpu.memory_space<hbm>> -> memref<1x32x512xf32, #tpu.memory_space<hbm>>
      %dma_start3A_235 = tpu.memref_squeeze %dma_start3A_234 : memref<1x32x512xf32, #tpu.memory_space<hbm>> -> memref<32x512xf32, #tpu.memory_space<hbm>>
      %dma_start3A_236 = tpu.memref_slice %arg11[%dma_start3A_229] : memref<4x!tpu.dma_semaphore, #tpu.memory_space<semaphore_mem>> -> memref<1x!tpu.dma_semaphore, #tpu.memory_space<semaphore_mem>>
      %dma_start3A_237 = tpu.memref_squeeze %dma_start3A_236 : memref<1x!tpu.dma_semaphore, #tpu.memory_space<semaphore_mem>> -> memref<!tpu.dma_semaphore, #tpu.memory_space<semaphore_mem>>
      %dma_start3A_238 = arith.constant 0 : i32
      %dma_start3A_239 = arith.constant 0 : i32
      %dma_start3A_240 = tpu.memref_slice %arg6[%dma_start3A, %dma_start3A_238, %dma_start3A_239] : memref<4x32x512xf32, #tpu.memory_space<vmem>> -> memref<1x32x512xf32, #tpu.memory_space<vmem>>
      %dma_start3A_241 = tpu.memref_squeeze %dma_start3A_240 : memref<1x32x512xf32, #tpu.memory_space<vmem>> -> memref<32x512xf32, #tpu.memory_space<vmem>>
      %dma_start3A_242 = tpu.memref_slice %arg2[%while3A_153#0, %multiple_of3A, %mul3A_0] : memref<16x4096x1024xf32, #tpu.memory_space<hbm>> -> memref<1x32x512xf32, #tpu.memory_space<hbm>>
      %dma_start3A_243 = tpu.memref_squeeze %dma_start3A_242 : memref<1x32x512xf32, #tpu.memory_space<hbm>> -> memref<32x512xf32, #tpu.memory_space<hbm>>
      tpu.enqueue_dma source(%dma_start3A_243 : memref<32x512xf32, #tpu.memory_space<hbm>>) target(%dma_start3A_241 : memref<32x512xf32, #tpu.memory_space<vmem>>) target_semaphore(%dma_start3A_237 : memref<!tpu.dma_semaphore, #tpu.memory_space<semaphore_mem>>)
    } else {
    }
    %while3A_169 = arith.constant 0 : i32
    %while3A_170 = arith.subi %reduce_sum3A_145, %while3A_169 : i32
    %while3A_171 = arith.addi %while3A_169, %while3A_170 : i32
    %while3A_172 = arith.constant 1 : i32
    %while3A_173 = arith.divsi %while3A_170, %while3A_172 : i32
    %while3A_174 = arith.muli %while3A_173, %while3A_172 : i32
    %while3A_175 = arith.addi %while3A_169, %while3A_174 : i32
    %while3A_176 = arith.constant 1 : i32
    %while3A_177:8 = scf.for %while3A_192 = %while3A_169 to %while3A_175 step %while3A_176 iter_args(%while3A_193 = %while3A_147#0, %while3A_194 = %while3A_147#1, %while3A_195 = %while3A_150#0, %while3A_196 = %while3A_150#1, %while3A_197 = %while3A_153#0, %while3A_198 = %while3A_153#1, %while3A_199 = %while3A_156#0, %while3A_200 = %while3A_156#1) -> (i32, i32, i32, i32, i32, i32, i32, i32)  : i32 {
      %and3A_201 = arith.constant 3 : i32
      %and3A_202 = arith.andi %while3A_192, %and3A_201 : i32
      %add3A_203 = arith.constant 3 : i32
      %add3A_204 = arith.addi %while3A_192, %add3A_203 : i32
      %lt3A = arith.cmpi slt, %add3A_204, %reduce_sum3A_145 : i32
      %convert_element_type3A_205 = arith.extui %lt3A : i1 to i32
      %cond3A_206 = arith.constant 0 : i32
      %cond3A_207 = arith.cmpi ne, %convert_element_type3A_205, %cond3A_206 : i32
      scf.if %cond3A_207 {
        %add3A_280 = arith.constant 3 : i32
        %add3A_281 = arith.addi %while3A_192, %add3A_280 : i32
        %and3A_282 = arith.constant 3 : i32
        %and3A_283 = arith.andi %add3A_281, %and3A_282 : i32
        %eq3A_284 = vector.broadcast %while3A_199 : i32 to vector<16xi32>
        %eq3A_285 = arith.cmpi eq, %iota3A, %eq3A_284 : vector<16xi32>
        %jit3A_286 = arith.constant 0 : i32
        %broadcast_in_dim3A_287 = vector.broadcast %jit3A_286 : i32 to vector<16xi32>
        %select_n3A_288 = arith.select %eq3A_285, %mul3A_67, %broadcast_in_dim3A_287 : vector<16xi1>, vector<16xi32>
        %reduce_sum3A_289 = arith.constant true
        %reduce_sum3A_290 = vector.broadcast %reduce_sum3A_289 : i1 to vector<16xi1>
        %reduce_sum3A_291 = tpu.scan <sum>, %select_n3A_288 masked %reduce_sum3A_290 : vector<16xi32>, vector<16xi1> -> vector<16xi32>
        %reduce_sum3A_292 = vector.extract %reduce_sum3A_291[15] : i32 from vector<16xi32>
        %eq3A_293 = vector.broadcast %while3A_199 : i32 to vector<16xi32>
        %eq3A_294 = arith.cmpi eq, %iota3A, %eq3A_293 : vector<16xi32>
        %jit3A_295 = arith.constant 0 : i32
        %broadcast_in_dim3A_296 = vector.broadcast %jit3A_295 : i32 to vector<16xi32>
        %select_n3A_297 = arith.select %eq3A_294, %mul3A_104, %broadcast_in_dim3A_296 : vector<16xi1>, vector<16xi32>
        %reduce_sum3A_298 = arith.constant true
        %reduce_sum3A_299 = vector.broadcast %reduce_sum3A_298 : i1 to vector<16xi1>
        %reduce_sum3A_300 = tpu.scan <sum>, %select_n3A_297 masked %reduce_sum3A_299 : vector<16xi32>, vector<16xi1> -> vector<16xi32>
        %reduce_sum3A_301 = vector.extract %reduce_sum3A_300[15] : i32 from vector<16xi32>
        %eq3A_302 = vector.broadcast %while3A_199 : i32 to vector<16xi32>
        %eq3A_303 = arith.cmpi eq, %iota3A, %eq3A_302 : vector<16xi32>
        %jit3A_304 = arith.constant 0 : i32
        %broadcast_in_dim3A_305 = vector.broadcast %jit3A_304 : i32 to vector<16xi32>
        %select_n3A_306 = arith.select %eq3A_303, %select_n3A_142, %broadcast_in_dim3A_305 : vector<16xi1>, vector<16xi32>
        %reduce_sum3A_307 = arith.constant true
        %reduce_sum3A_308 = vector.broadcast %reduce_sum3A_307 : i1 to vector<16xi1>
        %reduce_sum3A_309 = tpu.scan <sum>, %select_n3A_306 masked %reduce_sum3A_308 : vector<16xi32>, vector<16xi1> -> vector<16xi32>
        %reduce_sum3A_310 = vector.extract %reduce_sum3A_309[15] : i32 from vector<16xi32>
        %sub3A_311 = arith.constant 1 : i32
        %sub3A_312 = arith.subi %reduce_sum3A_310, %sub3A_311 : i32
        %eq3A_313 = arith.cmpi eq, %while3A_200, %sub3A_312 : i32
        %sub3A_314 = arith.constant 32 : i32
        %sub3A_315 = arith.subi %reduce_sum3A_301, %sub3A_314 : i32
        %max3A_316 = arith.constant 0 : i32
        %max3A_317 = arith.maxsi %sub3A_315, %max3A_316 : i32
        %mul3A_318 = arith.constant 32 : i32
        %mul3A_319 = arith.muli %while3A_200, %mul3A_318 : i32
        %add3A_320 = arith.addi %reduce_sum3A_292, %mul3A_319 : i32
        %select_n3A_321 = arith.select %eq3A_313, %max3A_317, %add3A_320 : i32
        %multiple_of3A_322 = tpu.assume_multiple %select_n3A_321, 8 : i32
        %dma_start3A = arith.constant 0 : i32
        %dma_start3A_323 = arith.constant 0 : i32
        %dma_start3A_324 = tpu.memref_slice %arg6[%and3A_283, %dma_start3A, %dma_start3A_323] : memref<4x32x512xf32, #tpu.memory_space<vmem>> -> memref<1x32x512xf32, #tpu.memory_space<vmem>>
        %dma_start3A_325 = tpu.memref_squeeze %dma_start3A_324 : memref<1x32x512xf32, #tpu.memory_space<vmem>> -> memref<32x512xf32, #tpu.memory_space<vmem>>
        %dma_start3A_326 = tpu.memref_slice %arg2[%while3A_199, %multiple_of3A_322, %mul3A_0] : memref<16x4096x1024xf32, #tpu.memory_space<hbm>> -> memref<1x32x512xf32, #tpu.memory_space<hbm>>
        %dma_start3A_327 = tpu.memref_squeeze %dma_start3A_326 : memref<1x32x512xf32, #tpu.memory_space<hbm>> -> memref<32x512xf32, #tpu.memory_space<hbm>>
        %dma_start3A_328 = tpu.memref_slice %arg11[%and3A_283] : memref<4x!tpu.dma_semaphore, #tpu.memory_space<semaphore_mem>> -> memref<1x!tpu.dma_semaphore, #tpu.memory_space<semaphore_mem>>
        %dma_start3A_329 = tpu.memref_squeeze %dma_start3A_328 : memref<1x!tpu.dma_semaphore, #tpu.memory_space<semaphore_mem>> -> memref<!tpu.dma_semaphore, #tpu.memory_space<semaphore_mem>>
        %dma_start3A_330 = arith.constant 0 : i32
        %dma_start3A_331 = arith.constant 0 : i32
        %dma_start3A_332 = tpu.memref_slice %arg6[%and3A_283, %dma_start3A_330, %dma_start3A_331] : memref<4x32x512xf32, #tpu.memory_space<vmem>> -> memref<1x32x512xf32, #tpu.memory_space<vmem>>
        %dma_start3A_333 = tpu.memref_squeeze %dma_start3A_332 : memref<1x32x512xf32, #tpu.memory_space<vmem>> -> memref<32x512xf32, #tpu.memory_space<vmem>>
        %dma_start3A_334 = tpu.memref_slice %arg2[%while3A_199, %multiple_of3A_322, %mul3A_0] : memref<16x4096x1024xf32, #tpu.memory_space<hbm>> -> memref<1x32x512xf32, #tpu.memory_space<hbm>>
        %dma_start3A_335 = tpu.memref_squeeze %dma_start3A_334 : memref<1x32x512xf32, #tpu.memory_space<hbm>> -> memref<32x512xf32, #tpu.memory_space<hbm>>
        tpu.enqueue_dma source(%dma_start3A_335 : memref<32x512xf32, #tpu.memory_space<hbm>>) target(%dma_start3A_333 : memref<32x512xf32, #tpu.memory_space<vmem>>) target_semaphore(%dma_start3A_329 : memref<!tpu.dma_semaphore, #tpu.memory_space<semaphore_mem>>)
      } else {
      }
      %eq3A_208 = vector.broadcast %while3A_193 : i32 to vector<16xi32>
      %eq3A_209 = arith.cmpi eq, %iota3A, %eq3A_208 : vector<16xi32>
      %jit3A_210 = arith.constant 0 : i32
      %broadcast_in_dim3A_211 = vector.broadcast %jit3A_210 : i32 to vector<16xi32>
      %select_n3A_212 = arith.select %eq3A_209, %mul3A_67, %broadcast_in_dim3A_211 : vector<16xi1>, vector<16xi32>
      %reduce_sum3A_213 = arith.constant true
      %reduce_sum3A_214 = vector.broadcast %reduce_sum3A_213 : i1 to vector<16xi1>
      %reduce_sum3A_215 = tpu.scan <sum>, %select_n3A_212 masked %reduce_sum3A_214 : vector<16xi32>, vector<16xi1> -> vector<16xi32>
      %reduce_sum3A_216 = vector.extract %reduce_sum3A_215[15] : i32 from vector<16xi32>
      %eq3A_217 = vector.broadcast %while3A_193 : i32 to vector<16xi32>
      %eq3A_218 = arith.cmpi eq, %iota3A, %eq3A_217 : vector<16xi32>
      %jit3A_219 = arith.constant 0 : i32
      %broadcast_in_dim3A_220 = vector.broadcast %jit3A_219 : i32 to vector<16xi32>
      %select_n3A_221 = arith.select %eq3A_218, %mul3A_104, %broadcast_in_dim3A_220 : vector<16xi1>, vector<16xi32>
      %reduce_sum3A_222 = arith.constant true
      %reduce_sum3A_223 = vector.broadcast %reduce_sum3A_222 : i1 to vector<16xi1>
      %reduce_sum3A_224 = tpu.scan <sum>, %select_n3A_221 masked %reduce_sum3A_223 : vector<16xi32>, vector<16xi1> -> vector<16xi32>
      %reduce_sum3A_225 = vector.extract %reduce_sum3A_224[15] : i32 from vector<16xi32>
      %eq3A_226 = vector.broadcast %while3A_193 : i32 to vector<16xi32>
      %eq3A_227 = arith.cmpi eq, %iota3A, %eq3A_226 : vector<16xi32>
      %jit3A_228 = arith.constant 0 : i32
      %broadcast_in_dim3A_229 = vector.broadcast %jit3A_228 : i32 to vector<16xi32>
      %select_n3A_230 = arith.select %eq3A_227, %select_n3A_142, %broadcast_in_dim3A_229 : vector<16xi1>, vector<16xi32>
      %reduce_sum3A_231 = arith.constant true
      %reduce_sum3A_232 = vector.broadcast %reduce_sum3A_231 : i1 to vector<16xi1>
      %reduce_sum3A_233 = tpu.scan <sum>, %select_n3A_230 masked %reduce_sum3A_232 : vector<16xi32>, vector<16xi1> -> vector<16xi32>
      %reduce_sum3A_234 = vector.extract %reduce_sum3A_233[15] : i32 from vector<16xi32>
      %sub3A_235 = arith.constant 1 : i32
      %sub3A_236 = arith.subi %reduce_sum3A_234, %sub3A_235 : i32
      %eq3A_237 = arith.cmpi eq, %while3A_194, %sub3A_236 : i32
      %sub3A_238 = arith.constant 32 : i32
      %sub3A_239 = arith.subi %reduce_sum3A_225, %sub3A_238 : i32
      %max3A = arith.constant 0 : i32
      %max3A_240 = arith.maxsi %sub3A_239, %max3A : i32
      %mul3A_241 = arith.constant 32 : i32
      %mul3A_242 = arith.muli %while3A_194, %mul3A_241 : i32
      %add3A_243 = arith.addi %reduce_sum3A_216, %mul3A_242 : i32
      %select_n3A_244 = arith.select %eq3A_237, %max3A_240, %add3A_243 : i32
      %multiple_of3A = tpu.assume_multiple %select_n3A_244, 8 : i32
      %dma_wait3A = arith.constant 0 : i32
      %dma_wait3A_245 = arith.constant 0 : i32
      %dma_wait3A_246 = tpu.memref_slice %arg6[%and3A_202, %dma_wait3A, %dma_wait3A_245] : memref<4x32x512xf32, #tpu.memory_space<vmem>> -> memref<1x32x512xf32, #tpu.memory_space<vmem>>
      %dma_wait3A_247 = tpu.memref_squeeze %dma_wait3A_246 : memref<1x32x512xf32, #tpu.memory_space<vmem>> -> memref<32x512xf32, #tpu.memory_space<vmem>>
      %dma_wait3A_248 = tpu.memref_slice %arg2[%while3A_193, %multiple_of3A, %mul3A_0] : memref<16x4096x1024xf32, #tpu.memory_space<hbm>> -> memref<1x32x512xf32, #tpu.memory_space<hbm>>
      %dma_wait3A_249 = tpu.memref_squeeze %dma_wait3A_248 : memref<1x32x512xf32, #tpu.memory_space<hbm>> -> memref<32x512xf32, #tpu.memory_space<hbm>>
      %dma_wait3A_250 = tpu.memref_slice %arg11[%and3A_202] : memref<4x!tpu.dma_semaphore, #tpu.memory_space<semaphore_mem>> -> memref<1x!tpu.dma_semaphore, #tpu.memory_space<semaphore_mem>>
      %dma_wait3A_251 = tpu.memref_squeeze %dma_wait3A_250 : memref<1x!tpu.dma_semaphore, #tpu.memory_space<semaphore_mem>> -> memref<!tpu.dma_semaphore, #tpu.memory_space<semaphore_mem>>
      %dma_wait3A_252 = arith.constant 0 : i32
      %dma_wait3A_253 = arith.constant 0 : i32
      %dma_wait3A_254 = tpu.memref_slice %arg6[%and3A_202, %dma_wait3A_252, %dma_wait3A_253] : memref<4x32x512xf32, #tpu.memory_space<vmem>> -> memref<1x32x512xf32, #tpu.memory_space<vmem>>
      %dma_wait3A_255 = tpu.memref_squeeze %dma_wait3A_254 : memref<1x32x512xf32, #tpu.memory_space<vmem>> -> memref<32x512xf32, #tpu.memory_space<vmem>>
      %dma_wait3A_256 = tpu.memref_slice %arg2[%while3A_193, %multiple_of3A, %mul3A_0] : memref<16x4096x1024xf32, #tpu.memory_space<hbm>> -> memref<1x32x512xf32, #tpu.memory_space<hbm>>
      %dma_wait3A_257 = tpu.memref_squeeze %dma_wait3A_256 : memref<1x32x512xf32, #tpu.memory_space<hbm>> -> memref<32x512xf32, #tpu.memory_space<hbm>>
      tpu.wait_dma2 semaphore(%dma_wait3A_251 : memref<!tpu.dma_semaphore, #tpu.memory_space<semaphore_mem>>) src(%dma_wait3A_257 : memref<32x512xf32, #tpu.memory_space<hbm>>) dst(%dma_wait3A_255 : memref<32x512xf32, #tpu.memory_space<vmem>>)
      %eq3A_258 = vector.broadcast %while3A_193 : i32 to vector<16xi32>
      %eq3A_259 = arith.cmpi eq, %iota3A, %eq3A_258 : vector<16xi32>
      %jit3A_260 = arith.constant 0 : i32
      %broadcast_in_dim3A_261 = vector.broadcast %jit3A_260 : i32 to vector<16xi32>
      %select_n3A_262 = arith.select %eq3A_259, %select_n3A_142, %broadcast_in_dim3A_261 : vector<16xi1>, vector<16xi32>
      %reduce_sum3A_263 = arith.constant true
      %reduce_sum3A_264 = vector.broadcast %reduce_sum3A_263 : i1 to vector<16xi1>
      %reduce_sum3A_265 = tpu.scan <sum>, %select_n3A_262 masked %reduce_sum3A_264 : vector<16xi32>, vector<16xi1> -> vector<16xi32>
      %reduce_sum3A_266 = vector.extract %reduce_sum3A_265[15] : i32 from vector<16xi32>
      %sub3A_267 = arith.constant 1 : i32
      %sub3A_268 = arith.subi %reduce_sum3A_266, %sub3A_267 : i32
      %eq3A_269 = arith.cmpi eq, %while3A_194, %sub3A_268 : i32
      %not3A = arith.constant true
      %not3A_270 = arith.xori %eq3A_269, %not3A : i1
      %convert_element_type3A_271 = arith.extui %not3A_270 : i1 to i32
      %cond3A_272 = arith.constant 0 : i32
      %cond3A_273 = arith.cmpi ne, %convert_element_type3A_271, %cond3A_272 : i32
      scf.if %cond3A_273 {
        %scan3A_280 = arith.constant 0 : i32
        %scan3A_281 = arith.constant 0 : i32
        %scan3A_282 = arith.constant 32 : i32
        %scan3A_283 = arith.addi %scan3A_281, %scan3A_282 : i32
        %scan3A_284 = arith.constant 1 : i32
        %scan3A_285 = scf.for %scan3A_287 = %scan3A_281 to %scan3A_283 step %scan3A_284 iter_args(%scan3A_288 = %scan3A_280) -> (i32)  : i32 {
          %mul3A_289 = arith.constant 16 : i32
          %mul3A_290 = arith.muli %scan3A_287, %mul3A_289 : i32
          %get3A_291 = arith.index_cast %while3A_193 : i32 to index
          %get3A_292 = arith.index_cast %mul3A_290 : i32 to index
          %get3A_293 = tpu.vector_load %arg7[%get3A_291, %get3A_292] {strides = array<i32>} : memref<16x512xf32, #tpu.memory_space<vmem>>, vector<16xf32>,
          %get3A_294 = arith.constant 0 : i32
          %get3A_295 = arith.index_cast %and3A_202 : i32 to index
          %get3A_296 = arith.index_cast %get3A_294 : i32 to index
          %get3A_297 = arith.index_cast %mul3A_290 : i32 to index
          %get3A_298 = tpu.vector_load %arg6[%get3A_295, %get3A_296, %get3A_297] {strides = array<i32>} : memref<4x32x512xf32, #tpu.memory_space<vmem>>, vector<16xf32>,
          %add3A_299 = arith.addf %get3A_293, %get3A_298 : vector<16xf32>
          %get3A_300 = arith.constant 1 : i32
          %get3A_301 = arith.index_cast %and3A_202 : i32 to index
          %get3A_302 = arith.index_cast %get3A_300 : i32 to index
          %get3A_303 = arith.index_cast %mul3A_290 : i32 to index
          %get3A_304 = tpu.vector_load %arg6[%get3A_301, %get3A_302, %get3A_303] {strides = array<i32>} : memref<4x32x512xf32, #tpu.memory_space<vmem>>, vector<16xf32>,
          %add3A_305 = arith.addf %add3A_299, %get3A_304 : vector<16xf32>
          %get3A_306 = arith.constant 2 : i32
          %get3A_307 = arith.index_cast %and3A_202 : i32 to index
          %get3A_308 = arith.index_cast %get3A_306 : i32 to index
          %get3A_309 = arith.index_cast %mul3A_290 : i32 to index
          %get3A_310 = tpu.vector_load %arg6[%get3A_307, %get3A_308, %get3A_309] {strides = array<i32>} : memref<4x32x512xf32, #tpu.memory_space<vmem>>, vector<16xf32>,
          %add3A_311 = arith.addf %add3A_305, %get3A_310 : vector<16xf32>
          %get3A_312 = arith.constant 3 : i32
          %get3A_313 = arith.index_cast %and3A_202 : i32 to index
          %get3A_314 = arith.index_cast %get3A_312 : i32 to index
          %get3A_315 = arith.index_cast %mul3A_290 : i32 to index
          %get3A_316 = tpu.vector_load %arg6[%get3A_313, %get3A_314, %get3A_315] {strides = array<i32>} : memref<4x32x512xf32, #tpu.memory_space<vmem>>, vector<16xf32>,
          %add3A_317 = arith.addf %add3A_311, %get3A_316 : vector<16xf32>
          %get3A_318 = arith.constant 4 : i32
          %get3A_319 = arith.index_cast %and3A_202 : i32 to index
          %get3A_320 = arith.index_cast %get3A_318 : i32 to index
          %get3A_321 = arith.index_cast %mul3A_290 : i32 to index
          %get3A_322 = tpu.vector_load %arg6[%get3A_319, %get3A_320, %get3A_321] {strides = array<i32>} : memref<4x32x512xf32, #tpu.memory_space<vmem>>, vector<16xf32>,
          %add3A_323 = arith.addf %add3A_317, %get3A_322 : vector<16xf32>
          %get3A_324 = arith.constant 5 : i32
          %get3A_325 = arith.index_cast %and3A_202 : i32 to index
          %get3A_326 = arith.index_cast %get3A_324 : i32 to index
          %get3A_327 = arith.index_cast %mul3A_290 : i32 to index
          %get3A_328 = tpu.vector_load %arg6[%get3A_325, %get3A_326, %get3A_327] {strides = array<i32>} : memref<4x32x512xf32, #tpu.memory_space<vmem>>, vector<16xf32>,
          %add3A_329 = arith.addf %add3A_323, %get3A_328 : vector<16xf32>
          %get3A_330 = arith.constant 6 : i32
          %get3A_331 = arith.index_cast %and3A_202 : i32 to index
          %get3A_332 = arith.index_cast %get3A_330 : i32 to index
          %get3A_333 = arith.index_cast %mul3A_290 : i32 to index
          %get3A_334 = tpu.vector_load %arg6[%get3A_331, %get3A_332, %get3A_333] {strides = array<i32>} : memref<4x32x512xf32, #tpu.memory_space<vmem>>, vector<16xf32>,
          %add3A_335 = arith.addf %add3A_329, %get3A_334 : vector<16xf32>
          %get3A_336 = arith.constant 7 : i32
          %get3A_337 = arith.index_cast %and3A_202 : i32 to index
          %get3A_338 = arith.index_cast %get3A_336 : i32 to index
          %get3A_339 = arith.index_cast %mul3A_290 : i32 to index
          %get3A_340 = tpu.vector_load %arg6[%get3A_337, %get3A_338, %get3A_339] {strides = array<i32>} : memref<4x32x512xf32, #tpu.memory_space<vmem>>, vector<16xf32>,
          %add3A_341 = arith.addf %add3A_335, %get3A_340 : vector<16xf32>
          %get3A_342 = arith.constant 8 : i32
          %get3A_343 = arith.index_cast %and3A_202 : i32 to index
          %get3A_344 = arith.index_cast %get3A_342 : i32 to index
          %get3A_345 = arith.index_cast %mul3A_290 : i32 to index
          %get3A_346 = tpu.vector_load %arg6[%get3A_343, %get3A_344, %get3A_345] {strides = array<i32>} : memref<4x32x512xf32, #tpu.memory_space<vmem>>, vector<16xf32>,
          %add3A_347 = arith.addf %add3A_341, %get3A_346 : vector<16xf32>
          %get3A_348 = arith.constant 9 : i32
          %get3A_349 = arith.index_cast %and3A_202 : i32 to index
          %get3A_350 = arith.index_cast %get3A_348 : i32 to index
          %get3A_351 = arith.index_cast %mul3A_290 : i32 to index
          %get3A_352 = tpu.vector_load %arg6[%get3A_349, %get3A_350, %get3A_351] {strides = array<i32>} : memref<4x32x512xf32, #tpu.memory_space<vmem>>, vector<16xf32>,
          %add3A_353 = arith.addf %add3A_347, %get3A_352 : vector<16xf32>
          %get3A_354 = arith.constant 10 : i32
          %get3A_355 = arith.index_cast %and3A_202 : i32 to index
          %get3A_356 = arith.index_cast %get3A_354 : i32 to index
          %get3A_357 = arith.index_cast %mul3A_290 : i32 to index
          %get3A_358 = tpu.vector_load %arg6[%get3A_355, %get3A_356, %get3A_357] {strides = array<i32>} : memref<4x32x512xf32, #tpu.memory_space<vmem>>, vector<16xf32>,
          %add3A_359 = arith.addf %add3A_353, %get3A_358 : vector<16xf32>
          %get3A_360 = arith.constant 11 : i32
          %get3A_361 = arith.index_cast %and3A_202 : i32 to index
          %get3A_362 = arith.index_cast %get3A_360 : i32 to index
          %get3A_363 = arith.index_cast %mul3A_290 : i32 to index
          %get3A_364 = tpu.vector_load %arg6[%get3A_361, %get3A_362, %get3A_363] {strides = array<i32>} : memref<4x32x512xf32, #tpu.memory_space<vmem>>, vector<16xf32>,
          %add3A_365 = arith.addf %add3A_359, %get3A_364 : vector<16xf32>
          %get3A_366 = arith.constant 12 : i32
          %get3A_367 = arith.index_cast %and3A_202 : i32 to index
          %get3A_368 = arith.index_cast %get3A_366 : i32 to index
          %get3A_369 = arith.index_cast %mul3A_290 : i32 to index
          %get3A_370 = tpu.vector_load %arg6[%get3A_367, %get3A_368, %get3A_369] {strides = array<i32>} : memref<4x32x512xf32, #tpu.memory_space<vmem>>, vector<16xf32>,
          %add3A_371 = arith.addf %add3A_365, %get3A_370 : vector<16xf32>
          %get3A_372 = arith.constant 13 : i32
          %get3A_373 = arith.index_cast %and3A_202 : i32 to index
          %get3A_374 = arith.index_cast %get3A_372 : i32 to index
          %get3A_375 = arith.index_cast %mul3A_290 : i32 to index
          %get3A_376 = tpu.vector_load %arg6[%get3A_373, %get3A_374, %get3A_375] {strides = array<i32>} : memref<4x32x512xf32, #tpu.memory_space<vmem>>, vector<16xf32>,
          %add3A_377 = arith.addf %add3A_371, %get3A_376 : vector<16xf32>
          %get3A_378 = arith.constant 14 : i32
          %get3A_379 = arith.index_cast %and3A_202 : i32 to index
          %get3A_380 = arith.index_cast %get3A_378 : i32 to index
          %get3A_381 = arith.index_cast %mul3A_290 : i32 to index
          %get3A_382 = tpu.vector_load %arg6[%get3A_379, %get3A_380, %get3A_381] {strides = array<i32>} : memref<4x32x512xf32, #tpu.memory_space<vmem>>, vector<16xf32>,
          %add3A_383 = arith.addf %add3A_377, %get3A_382 : vector<16xf32>
          %get3A_384 = arith.constant 15 : i32
          %get3A_385 = arith.index_cast %and3A_202 : i32 to index
          %get3A_386 = arith.index_cast %get3A_384 : i32 to index
          %get3A_387 = arith.index_cast %mul3A_290 : i32 to index
          %get3A_388 = tpu.vector_load %arg6[%get3A_385, %get3A_386, %get3A_387] {strides = array<i32>} : memref<4x32x512xf32, #tpu.memory_space<vmem>>, vector<16xf32>,
          %add3A_389 = arith.addf %add3A_383, %get3A_388 : vector<16xf32>
          %get3A_390 = arith.constant 16 : i32
          %get3A_391 = arith.index_cast %and3A_202 : i32 to index
          %get3A_392 = arith.index_cast %get3A_390 : i32 to index
          %get3A_393 = arith.index_cast %mul3A_290 : i32 to index
          %get3A_394 = tpu.vector_load %arg6[%get3A_391, %get3A_392, %get3A_393] {strides = array<i32>} : memref<4x32x512xf32, #tpu.memory_space<vmem>>, vector<16xf32>,
          %add3A_395 = arith.addf %add3A_389, %get3A_394 : vector<16xf32>
          %get3A_396 = arith.constant 17 : i32
          %get3A_397 = arith.index_cast %and3A_202 : i32 to index
          %get3A_398 = arith.index_cast %get3A_396 : i32 to index
          %get3A_399 = arith.index_cast %mul3A_290 : i32 to index
          %get3A_400 = tpu.vector_load %arg6[%get3A_397, %get3A_398, %get3A_399] {strides = array<i32>} : memref<4x32x512xf32, #tpu.memory_space<vmem>>, vector<16xf32>,
          %add3A_401 = arith.addf %add3A_395, %get3A_400 : vector<16xf32>
          %get3A_402 = arith.constant 18 : i32
          %get3A_403 = arith.index_cast %and3A_202 : i32 to index
          %get3A_404 = arith.index_cast %get3A_402 : i32 to index
          %get3A_405 = arith.index_cast %mul3A_290 : i32 to index
          %get3A_406 = tpu.vector_load %arg6[%get3A_403, %get3A_404, %get3A_405] {strides = array<i32>} : memref<4x32x512xf32, #tpu.memory_space<vmem>>, vector<16xf32>,
          %add3A_407 = arith.addf %add3A_401, %get3A_406 : vector<16xf32>
          %get3A_408 = arith.constant 19 : i32
          %get3A_409 = arith.index_cast %and3A_202 : i32 to index
          %get3A_410 = arith.index_cast %get3A_408 : i32 to index
          %get3A_411 = arith.index_cast %mul3A_290 : i32 to index
          %get3A_412 = tpu.vector_load %arg6[%get3A_409, %get3A_410, %get3A_411] {strides = array<i32>} : memref<4x32x512xf32, #tpu.memory_space<vmem>>, vector<16xf32>,
          %add3A_413 = arith.addf %add3A_407, %get3A_412 : vector<16xf32>
          %get3A_414 = arith.constant 20 : i32
          %get3A_415 = arith.index_cast %and3A_202 : i32 to index
          %get3A_416 = arith.index_cast %get3A_414 : i32 to index
          %get3A_417 = arith.index_cast %mul3A_290 : i32 to index
          %get3A_418 = tpu.vector_load %arg6[%get3A_415, %get3A_416, %get3A_417] {strides = array<i32>} : memref<4x32x512xf32, #tpu.memory_space<vmem>>, vector<16xf32>,
          %add3A_419 = arith.addf %add3A_413, %get3A_418 : vector<16xf32>
          %get3A_420 = arith.constant 21 : i32
          %get3A_421 = arith.index_cast %and3A_202 : i32 to index
          %get3A_422 = arith.index_cast %get3A_420 : i32 to index
          %get3A_423 = arith.index_cast %mul3A_290 : i32 to index
          %get3A_424 = tpu.vector_load %arg6[%get3A_421, %get3A_422, %get3A_423] {strides = array<i32>} : memref<4x32x512xf32, #tpu.memory_space<vmem>>, vector<16xf32>,
          %add3A_425 = arith.addf %add3A_419, %get3A_424 : vector<16xf32>
          %get3A_426 = arith.constant 22 : i32
          %get3A_427 = arith.index_cast %and3A_202 : i32 to index
          %get3A_428 = arith.index_cast %get3A_426 : i32 to index
          %get3A_429 = arith.index_cast %mul3A_290 : i32 to index
          %get3A_430 = tpu.vector_load %arg6[%get3A_427, %get3A_428, %get3A_429] {strides = array<i32>} : memref<4x32x512xf32, #tpu.memory_space<vmem>>, vector<16xf32>,
          %add3A_431 = arith.addf %add3A_425, %get3A_430 : vector<16xf32>
          %get3A_432 = arith.constant 23 : i32
          %get3A_433 = arith.index_cast %and3A_202 : i32 to index
          %get3A_434 = arith.index_cast %get3A_432 : i32 to index
          %get3A_435 = arith.index_cast %mul3A_290 : i32 to index
          %get3A_436 = tpu.vector_load %arg6[%get3A_433, %get3A_434, %get3A_435] {strides = array<i32>} : memref<4x32x512xf32, #tpu.memory_space<vmem>>, vector<16xf32>,
          %add3A_437 = arith.addf %add3A_431, %get3A_436 : vector<16xf32>
          %get3A_438 = arith.constant 24 : i32
          %get3A_439 = arith.index_cast %and3A_202 : i32 to index
          %get3A_440 = arith.index_cast %get3A_438 : i32 to index
          %get3A_441 = arith.index_cast %mul3A_290 : i32 to index
          %get3A_442 = tpu.vector_load %arg6[%get3A_439, %get3A_440, %get3A_441] {strides = array<i32>} : memref<4x32x512xf32, #tpu.memory_space<vmem>>, vector<16xf32>,
          %add3A_443 = arith.addf %add3A_437, %get3A_442 : vector<16xf32>
          %get3A_444 = arith.constant 25 : i32
          %get3A_445 = arith.index_cast %and3A_202 : i32 to index
          %get3A_446 = arith.index_cast %get3A_444 : i32 to index
          %get3A_447 = arith.index_cast %mul3A_290 : i32 to index
          %get3A_448 = tpu.vector_load %arg6[%get3A_445, %get3A_446, %get3A_447] {strides = array<i32>} : memref<4x32x512xf32, #tpu.memory_space<vmem>>, vector<16xf32>,
          %add3A_449 = arith.addf %add3A_443, %get3A_448 : vector<16xf32>
          %get3A_450 = arith.constant 26 : i32
          %get3A_451 = arith.index_cast %and3A_202 : i32 to index
          %get3A_452 = arith.index_cast %get3A_450 : i32 to index
          %get3A_453 = arith.index_cast %mul3A_290 : i32 to index
          %get3A_454 = tpu.vector_load %arg6[%get3A_451, %get3A_452, %get3A_453] {strides = array<i32>} : memref<4x32x512xf32, #tpu.memory_space<vmem>>, vector<16xf32>,
          %add3A_455 = arith.addf %add3A_449, %get3A_454 : vector<16xf32>
          %get3A_456 = arith.constant 27 : i32
          %get3A_457 = arith.index_cast %and3A_202 : i32 to index
          %get3A_458 = arith.index_cast %get3A_456 : i32 to index
          %get3A_459 = arith.index_cast %mul3A_290 : i32 to index
          %get3A_460 = tpu.vector_load %arg6[%get3A_457, %get3A_458, %get3A_459] {strides = array<i32>} : memref<4x32x512xf32, #tpu.memory_space<vmem>>, vector<16xf32>,
          %add3A_461 = arith.addf %add3A_455, %get3A_460 : vector<16xf32>
          %get3A_462 = arith.constant 28 : i32
          %get3A_463 = arith.index_cast %and3A_202 : i32 to index
          %get3A_464 = arith.index_cast %get3A_462 : i32 to index
          %get3A_465 = arith.index_cast %mul3A_290 : i32 to index
          %get3A_466 = tpu.vector_load %arg6[%get3A_463, %get3A_464, %get3A_465] {strides = array<i32>} : memref<4x32x512xf32, #tpu.memory_space<vmem>>, vector<16xf32>,
          %add3A_467 = arith.addf %add3A_461, %get3A_466 : vector<16xf32>
          %get3A_468 = arith.constant 29 : i32
          %get3A_469 = arith.index_cast %and3A_202 : i32 to index
          %get3A_470 = arith.index_cast %get3A_468 : i32 to index
          %get3A_471 = arith.index_cast %mul3A_290 : i32 to index
          %get3A_472 = tpu.vector_load %arg6[%get3A_469, %get3A_470, %get3A_471] {strides = array<i32>} : memref<4x32x512xf32, #tpu.memory_space<vmem>>, vector<16xf32>,
          %add3A_473 = arith.addf %add3A_467, %get3A_472 : vector<16xf32>
          %get3A_474 = arith.constant 30 : i32
          %get3A_475 = arith.index_cast %and3A_202 : i32 to index
          %get3A_476 = arith.index_cast %get3A_474 : i32 to index
          %get3A_477 = arith.index_cast %mul3A_290 : i32 to index
          %get3A_478 = tpu.vector_load %arg6[%get3A_475, %get3A_476, %get3A_477] {strides = array<i32>} : memref<4x32x512xf32, #tpu.memory_space<vmem>>, vector<16xf32>,
          %add3A_479 = arith.addf %add3A_473, %get3A_478 : vector<16xf32>
          %get3A_480 = arith.constant 31 : i32
          %get3A_481 = arith.index_cast %and3A_202 : i32 to index
          %get3A_482 = arith.index_cast %get3A_480 : i32 to index
          %get3A_483 = arith.index_cast %mul3A_290 : i32 to index
          %get3A_484 = tpu.vector_load %arg6[%get3A_481, %get3A_482, %get3A_483] {strides = array<i32>} : memref<4x32x512xf32, #tpu.memory_space<vmem>>, vector<16xf32>,
          %add3A_485 = arith.addf %add3A_479, %get3A_484 : vector<16xf32>
          %swap3A = arith.index_cast %while3A_193 : i32 to index
          %swap3A_486 = arith.index_cast %mul3A_290 : i32 to index
          %swap3A_487 = tpu.vector_load %arg7[%swap3A, %swap3A_486] {strides = array<i32>} : memref<16x512xf32, #tpu.memory_space<vmem>>, vector<16xf32>,
          tpu.vector_store %arg7[%swap3A, %swap3A_486], %add3A_485 {strides = array<i32>} : memref<16x512xf32, #tpu.memory_space<vmem>>, vector<16xf32>,
          %scan3A_488 = arith.constant 0 : i32
          scf.yield %scan3A_488 : i32
        }
        %scan3A_286 = arith.constant 32 : i32
      } else {
      }
      %convert_element_type3A_274 = arith.extui %eq3A_269 : i1 to i32
      %cond3A_275 = arith.constant 0 : i32
      %cond3A_276 = arith.cmpi ne, %convert_element_type3A_274, %cond3A_275 : i32
      scf.if %cond3A_276 {
        %eq3A_280 = vector.broadcast %while3A_193 : i32 to vector<16xi32>
        %eq3A_281 = arith.cmpi eq, %iota3A, %eq3A_280 : vector<16xi32>
        %jit3A_282 = arith.constant 0 : i32
        %broadcast_in_dim3A_283 = vector.broadcast %jit3A_282 : i32 to vector<16xi32>
        %select_n3A_284 = arith.select %eq3A_281, %mul3A_67, %broadcast_in_dim3A_283 : vector<16xi1>, vector<16xi32>
        %reduce_sum3A_285 = arith.constant true
        %reduce_sum3A_286 = vector.broadcast %reduce_sum3A_285 : i1 to vector<16xi1>
        %reduce_sum3A_287 = tpu.scan <sum>, %select_n3A_284 masked %reduce_sum3A_286 : vector<16xi32>, vector<16xi1> -> vector<16xi32>
        %reduce_sum3A_288 = vector.extract %reduce_sum3A_287[15] : i32 from vector<16xi32>
        %eq3A_289 = vector.broadcast %while3A_193 : i32 to vector<16xi32>
        %eq3A_290 = arith.cmpi eq, %iota3A, %eq3A_289 : vector<16xi32>
        %jit3A_291 = arith.constant 0 : i32
        %broadcast_in_dim3A_292 = vector.broadcast %jit3A_291 : i32 to vector<16xi32>
        %select_n3A_293 = arith.select %eq3A_290, %mul3A_104, %broadcast_in_dim3A_292 : vector<16xi1>, vector<16xi32>
        %reduce_sum3A_294 = arith.constant true
        %reduce_sum3A_295 = vector.broadcast %reduce_sum3A_294 : i1 to vector<16xi1>
        %reduce_sum3A_296 = tpu.scan <sum>, %select_n3A_293 masked %reduce_sum3A_295 : vector<16xi32>, vector<16xi1> -> vector<16xi32>
        %reduce_sum3A_297 = vector.extract %reduce_sum3A_296[15] : i32 from vector<16xi32>
        %eq3A_298 = vector.broadcast %while3A_193 : i32 to vector<16xi32>
        %eq3A_299 = arith.cmpi eq, %iota3A, %eq3A_298 : vector<16xi32>
        %jit3A_300 = arith.constant 0 : i32
        %broadcast_in_dim3A_301 = vector.broadcast %jit3A_300 : i32 to vector<16xi32>
        %select_n3A_302 = arith.select %eq3A_299, %select_n3A_142, %broadcast_in_dim3A_301 : vector<16xi1>, vector<16xi32>
        %reduce_sum3A_303 = arith.constant true
        %reduce_sum3A_304 = vector.broadcast %reduce_sum3A_303 : i1 to vector<16xi1>
        %reduce_sum3A_305 = tpu.scan <sum>, %select_n3A_302 masked %reduce_sum3A_304 : vector<16xi32>, vector<16xi1> -> vector<16xi32>
        %reduce_sum3A_306 = vector.extract %reduce_sum3A_305[15] : i32 from vector<16xi32>
        %sub3A_307 = arith.constant 1 : i32
        %sub3A_308 = arith.subi %reduce_sum3A_306, %sub3A_307 : i32
        %eq3A_309 = arith.cmpi eq, %while3A_194, %sub3A_308 : i32
        %sub3A_310 = arith.constant 32 : i32
        %sub3A_311 = arith.subi %reduce_sum3A_297, %sub3A_310 : i32
        %max3A_312 = arith.constant 0 : i32
        %max3A_313 = arith.maxsi %sub3A_311, %max3A_312 : i32
        %mul3A_314 = arith.constant 32 : i32
        %mul3A_315 = arith.muli %while3A_194, %mul3A_314 : i32
        %add3A_316 = arith.addi %reduce_sum3A_288, %mul3A_315 : i32
        %select_n3A_317 = arith.select %eq3A_309, %max3A_313, %add3A_316 : i32
        %multiple_of3A_318 = tpu.assume_multiple %select_n3A_317, 8 : i32
        %eq3A_319 = vector.broadcast %while3A_193 : i32 to vector<16xi32>
        %eq3A_320 = arith.cmpi eq, %iota3A, %eq3A_319 : vector<16xi32>
        %jit3A_321 = arith.constant 0 : i32
        %broadcast_in_dim3A_322 = vector.broadcast %jit3A_321 : i32 to vector<16xi32>
        %select_n3A_323 = arith.select %eq3A_320, %mul3A_67, %broadcast_in_dim3A_322 : vector<16xi1>, vector<16xi32>
        %reduce_sum3A_324 = arith.constant true
        %reduce_sum3A_325 = vector.broadcast %reduce_sum3A_324 : i1 to vector<16xi1>
        %reduce_sum3A_326 = tpu.scan <sum>, %select_n3A_323 masked %reduce_sum3A_325 : vector<16xi32>, vector<16xi1> -> vector<16xi32>
        %reduce_sum3A_327 = vector.extract %reduce_sum3A_326[15] : i32 from vector<16xi32>
        %mul3A_328 = arith.constant 32 : i32
        %mul3A_329 = arith.muli %while3A_194, %mul3A_328 : i32
        %add3A_330 = arith.addi %reduce_sum3A_327, %mul3A_329 : i32
        %eq3A_331 = vector.broadcast %while3A_193 : i32 to vector<16xi32>
        %eq3A_332 = arith.cmpi eq, %iota3A, %eq3A_331 : vector<16xi32>
        %jit3A_333 = arith.constant 0 : i32
        %broadcast_in_dim3A_334 = vector.broadcast %jit3A_333 : i32 to vector<16xi32>
        %select_n3A_335 = arith.select %eq3A_332, %mul3A_104, %broadcast_in_dim3A_334 : vector<16xi1>, vector<16xi32>
        %reduce_sum3A_336 = arith.constant true
        %reduce_sum3A_337 = vector.broadcast %reduce_sum3A_336 : i1 to vector<16xi1>
        %reduce_sum3A_338 = tpu.scan <sum>, %select_n3A_335 masked %reduce_sum3A_337 : vector<16xi32>, vector<16xi1> -> vector<16xi32>
        %reduce_sum3A_339 = vector.extract %reduce_sum3A_338[15] : i32 from vector<16xi32>
        %add3A_340 = arith.constant 0 : i32
        %add3A_341 = arith.addi %multiple_of3A_318, %add3A_340 : i32
        %ge3A = arith.cmpi sge, %add3A_341, %add3A_330 : i32
        %add3A_342 = arith.constant 0 : i32
        %add3A_343 = arith.addi %multiple_of3A_318, %add3A_342 : i32
        %lt3A_344 = arith.cmpi slt, %add3A_343, %reduce_sum3A_339 : i32
        %and3A_345 = arith.andi %ge3A, %lt3A_344 : i1
        %jit3A_346 = arith.constant 1.000000e+00 : f32
        %jit3A_347 = arith.constant 0.000000e+00 : f32
        %select_n3A_348 = arith.select %and3A_345, %jit3A_346, %jit3A_347 : f32
        %add3A_349 = arith.constant 1 : i32
        %add3A_350 = arith.addi %multiple_of3A_318, %add3A_349 : i32
        %ge3A_351 = arith.cmpi sge, %add3A_350, %add3A_330 : i32
        %add3A_352 = arith.constant 1 : i32
        %add3A_353 = arith.addi %multiple_of3A_318, %add3A_352 : i32
        %lt3A_354 = arith.cmpi slt, %add3A_353, %reduce_sum3A_339 : i32
        %and3A_355 = arith.andi %ge3A_351, %lt3A_354 : i1
        %jit3A_356 = arith.constant 1.000000e+00 : f32
        %jit3A_357 = arith.constant 0.000000e+00 : f32
        %select_n3A_358 = arith.select %and3A_355, %jit3A_356, %jit3A_357 : f32
        %add3A_359 = arith.constant 2 : i32
        %add3A_360 = arith.addi %multiple_of3A_318, %add3A_359 : i32
        %ge3A_361 = arith.cmpi sge, %add3A_360, %add3A_330 : i32
        %add3A_362 = arith.constant 2 : i32
        %add3A_363 = arith.addi %multiple_of3A_318, %add3A_362 : i32
        %lt3A_364 = arith.cmpi slt, %add3A_363, %reduce_sum3A_339 : i32
        %and3A_365 = arith.andi %ge3A_361, %lt3A_364 : i1
        %jit3A_366 = arith.constant 1.000000e+00 : f32
        %jit3A_367 = arith.constant 0.000000e+00 : f32
        %select_n3A_368 = arith.select %and3A_365, %jit3A_366, %jit3A_367 : f32
        %add3A_369 = arith.constant 3 : i32
        %add3A_370 = arith.addi %multiple_of3A_318, %add3A_369 : i32
        %ge3A_371 = arith.cmpi sge, %add3A_370, %add3A_330 : i32
        %add3A_372 = arith.constant 3 : i32
        %add3A_373 = arith.addi %multiple_of3A_318, %add3A_372 : i32
        %lt3A_374 = arith.cmpi slt, %add3A_373, %reduce_sum3A_339 : i32
        %and3A_375 = arith.andi %ge3A_371, %lt3A_374 : i1
        %jit3A_376 = arith.constant 1.000000e+00 : f32
        %jit3A_377 = arith.constant 0.000000e+00 : f32
        %select_n3A_378 = arith.select %and3A_375, %jit3A_376, %jit3A_377 : f32
        %add3A_379 = arith.constant 4 : i32
        %add3A_380 = arith.addi %multiple_of3A_318, %add3A_379 : i32
        %ge3A_381 = arith.cmpi sge, %add3A_380, %add3A_330 : i32
        %add3A_382 = arith.constant 4 : i32
        %add3A_383 = arith.addi %multiple_of3A_318, %add3A_382 : i32
        %lt3A_384 = arith.cmpi slt, %add3A_383, %reduce_sum3A_339 : i32
        %and3A_385 = arith.andi %ge3A_381, %lt3A_384 : i1
        %jit3A_386 = arith.constant 1.000000e+00 : f32
        %jit3A_387 = arith.constant 0.000000e+00 : f32
        %select_n3A_388 = arith.select %and3A_385, %jit3A_386, %jit3A_387 : f32
        %add3A_389 = arith.constant 5 : i32
        %add3A_390 = arith.addi %multiple_of3A_318, %add3A_389 : i32
        %ge3A_391 = arith.cmpi sge, %add3A_390, %add3A_330 : i32
        %add3A_392 = arith.constant 5 : i32
        %add3A_393 = arith.addi %multiple_of3A_318, %add3A_392 : i32
        %lt3A_394 = arith.cmpi slt, %add3A_393, %reduce_sum3A_339 : i32
        %and3A_395 = arith.andi %ge3A_391, %lt3A_394 : i1
        %jit3A_396 = arith.constant 1.000000e+00 : f32
        %jit3A_397 = arith.constant 0.000000e+00 : f32
        %select_n3A_398 = arith.select %and3A_395, %jit3A_396, %jit3A_397 : f32
        %add3A_399 = arith.constant 6 : i32
        %add3A_400 = arith.addi %multiple_of3A_318, %add3A_399 : i32
        %ge3A_401 = arith.cmpi sge, %add3A_400, %add3A_330 : i32
        %add3A_402 = arith.constant 6 : i32
        %add3A_403 = arith.addi %multiple_of3A_318, %add3A_402 : i32
        %lt3A_404 = arith.cmpi slt, %add3A_403, %reduce_sum3A_339 : i32
        %and3A_405 = arith.andi %ge3A_401, %lt3A_404 : i1
        %jit3A_406 = arith.constant 1.000000e+00 : f32
        %jit3A_407 = arith.constant 0.000000e+00 : f32
        %select_n3A_408 = arith.select %and3A_405, %jit3A_406, %jit3A_407 : f32
        %add3A_409 = arith.constant 7 : i32
        %add3A_410 = arith.addi %multiple_of3A_318, %add3A_409 : i32
        %ge3A_411 = arith.cmpi sge, %add3A_410, %add3A_330 : i32
        %add3A_412 = arith.constant 7 : i32
        %add3A_413 = arith.addi %multiple_of3A_318, %add3A_412 : i32
        %lt3A_414 = arith.cmpi slt, %add3A_413, %reduce_sum3A_339 : i32
        %and3A_415 = arith.andi %ge3A_411, %lt3A_414 : i1
        %jit3A_416 = arith.constant 1.000000e+00 : f32
        %jit3A_417 = arith.constant 0.000000e+00 : f32
        %select_n3A_418 = arith.select %and3A_415, %jit3A_416, %jit3A_417 : f32
        %add3A_419 = arith.constant 8 : i32
        %add3A_420 = arith.addi %multiple_of3A_318, %add3A_419 : i32
        %ge3A_421 = arith.cmpi sge, %add3A_420, %add3A_330 : i32
        %add3A_422 = arith.constant 8 : i32
        %add3A_423 = arith.addi %multiple_of3A_318, %add3A_422 : i32
        %lt3A_424 = arith.cmpi slt, %add3A_423, %reduce_sum3A_339 : i32
        %and3A_425 = arith.andi %ge3A_421, %lt3A_424 : i1
        %jit3A_426 = arith.constant 1.000000e+00 : f32
        %jit3A_427 = arith.constant 0.000000e+00 : f32
        %select_n3A_428 = arith.select %and3A_425, %jit3A_426, %jit3A_427 : f32
        %add3A_429 = arith.constant 9 : i32
        %add3A_430 = arith.addi %multiple_of3A_318, %add3A_429 : i32
        %ge3A_431 = arith.cmpi sge, %add3A_430, %add3A_330 : i32
        %add3A_432 = arith.constant 9 : i32
        %add3A_433 = arith.addi %multiple_of3A_318, %add3A_432 : i32
        %lt3A_434 = arith.cmpi slt, %add3A_433, %reduce_sum3A_339 : i32
        %and3A_435 = arith.andi %ge3A_431, %lt3A_434 : i1
        %jit3A_436 = arith.constant 1.000000e+00 : f32
        %jit3A_437 = arith.constant 0.000000e+00 : f32
        %select_n3A_438 = arith.select %and3A_435, %jit3A_436, %jit3A_437 : f32
        %add3A_439 = arith.constant 10 : i32
        %add3A_440 = arith.addi %multiple_of3A_318, %add3A_439 : i32
        %ge3A_441 = arith.cmpi sge, %add3A_440, %add3A_330 : i32
        %add3A_442 = arith.constant 10 : i32
        %add3A_443 = arith.addi %multiple_of3A_318, %add3A_442 : i32
        %lt3A_444 = arith.cmpi slt, %add3A_443, %reduce_sum3A_339 : i32
        %and3A_445 = arith.andi %ge3A_441, %lt3A_444 : i1
        %jit3A_446 = arith.constant 1.000000e+00 : f32
        %jit3A_447 = arith.constant 0.000000e+00 : f32
        %select_n3A_448 = arith.select %and3A_445, %jit3A_446, %jit3A_447 : f32
        %add3A_449 = arith.constant 11 : i32
        %add3A_450 = arith.addi %multiple_of3A_318, %add3A_449 : i32
        %ge3A_451 = arith.cmpi sge, %add3A_450, %add3A_330 : i32
        %add3A_452 = arith.constant 11 : i32
        %add3A_453 = arith.addi %multiple_of3A_318, %add3A_452 : i32
        %lt3A_454 = arith.cmpi slt, %add3A_453, %reduce_sum3A_339 : i32
        %and3A_455 = arith.andi %ge3A_451, %lt3A_454 : i1
        %jit3A_456 = arith.constant 1.000000e+00 : f32
        %jit3A_457 = arith.constant 0.000000e+00 : f32
        %select_n3A_458 = arith.select %and3A_455, %jit3A_456, %jit3A_457 : f32
        %add3A_459 = arith.constant 12 : i32
        %add3A_460 = arith.addi %multiple_of3A_318, %add3A_459 : i32
        %ge3A_461 = arith.cmpi sge, %add3A_460, %add3A_330 : i32
        %add3A_462 = arith.constant 12 : i32
        %add3A_463 = arith.addi %multiple_of3A_318, %add3A_462 : i32
        %lt3A_464 = arith.cmpi slt, %add3A_463, %reduce_sum3A_339 : i32
        %and3A_465 = arith.andi %ge3A_461, %lt3A_464 : i1
        %jit3A_466 = arith.constant 1.000000e+00 : f32
        %jit3A_467 = arith.constant 0.000000e+00 : f32
        %select_n3A_468 = arith.select %and3A_465, %jit3A_466, %jit3A_467 : f32
        %add3A_469 = arith.constant 13 : i32
        %add3A_470 = arith.addi %multiple_of3A_318, %add3A_469 : i32
        %ge3A_471 = arith.cmpi sge, %add3A_470, %add3A_330 : i32
        %add3A_472 = arith.constant 13 : i32
        %add3A_473 = arith.addi %multiple_of3A_318, %add3A_472 : i32
        %lt3A_474 = arith.cmpi slt, %add3A_473, %reduce_sum3A_339 : i32
        %and3A_475 = arith.andi %ge3A_471, %lt3A_474 : i1
        %jit3A_476 = arith.constant 1.000000e+00 : f32
        %jit3A_477 = arith.constant 0.000000e+00 : f32
        %select_n3A_478 = arith.select %and3A_475, %jit3A_476, %jit3A_477 : f32
        %add3A_479 = arith.constant 14 : i32
        %add3A_480 = arith.addi %multiple_of3A_318, %add3A_479 : i32
        %ge3A_481 = arith.cmpi sge, %add3A_480, %add3A_330 : i32
        %add3A_482 = arith.constant 14 : i32
        %add3A_483 = arith.addi %multiple_of3A_318, %add3A_482 : i32
        %lt3A_484 = arith.cmpi slt, %add3A_483, %reduce_sum3A_339 : i32
        %and3A_485 = arith.andi %ge3A_481, %lt3A_484 : i1
        %jit3A_486 = arith.constant 1.000000e+00 : f32
        %jit3A_487 = arith.constant 0.000000e+00 : f32
        %select_n3A_488 = arith.select %and3A_485, %jit3A_486, %jit3A_487 : f32
        %add3A_489 = arith.constant 15 : i32
        %add3A_490 = arith.addi %multiple_of3A_318, %add3A_489 : i32
        %ge3A_491 = arith.cmpi sge, %add3A_490, %add3A_330 : i32
        %add3A_492 = arith.constant 15 : i32
        %add3A_493 = arith.addi %multiple_of3A_318, %add3A_492 : i32
        %lt3A_494 = arith.cmpi slt, %add3A_493, %reduce_sum3A_339 : i32
        %and3A_495 = arith.andi %ge3A_491, %lt3A_494 : i1
        %jit3A_496 = arith.constant 1.000000e+00 : f32
        %jit3A_497 = arith.constant 0.000000e+00 : f32
        %select_n3A_498 = arith.select %and3A_495, %jit3A_496, %jit3A_497 : f32
        %add3A_499 = arith.constant 16 : i32
        %add3A_500 = arith.addi %multiple_of3A_318, %add3A_499 : i32
        %ge3A_501 = arith.cmpi sge, %add3A_500, %add3A_330 : i32
        %add3A_502 = arith.constant 16 : i32
        %add3A_503 = arith.addi %multiple_of3A_318, %add3A_502 : i32
        %lt3A_504 = arith.cmpi slt, %add3A_503, %reduce_sum3A_339 : i32
        %and3A_505 = arith.andi %ge3A_501, %lt3A_504 : i1
        %jit3A_506 = arith.constant 1.000000e+00 : f32
        %jit3A_507 = arith.constant 0.000000e+00 : f32
        %select_n3A_508 = arith.select %and3A_505, %jit3A_506, %jit3A_507 : f32
        %add3A_509 = arith.constant 17 : i32
        %add3A_510 = arith.addi %multiple_of3A_318, %add3A_509 : i32
        %ge3A_511 = arith.cmpi sge, %add3A_510, %add3A_330 : i32
        %add3A_512 = arith.constant 17 : i32
        %add3A_513 = arith.addi %multiple_of3A_318, %add3A_512 : i32
        %lt3A_514 = arith.cmpi slt, %add3A_513, %reduce_sum3A_339 : i32
        %and3A_515 = arith.andi %ge3A_511, %lt3A_514 : i1
        %jit3A_516 = arith.constant 1.000000e+00 : f32
        %jit3A_517 = arith.constant 0.000000e+00 : f32
        %select_n3A_518 = arith.select %and3A_515, %jit3A_516, %jit3A_517 : f32
        %add3A_519 = arith.constant 18 : i32
        %add3A_520 = arith.addi %multiple_of3A_318, %add3A_519 : i32
        %ge3A_521 = arith.cmpi sge, %add3A_520, %add3A_330 : i32
        %add3A_522 = arith.constant 18 : i32
        %add3A_523 = arith.addi %multiple_of3A_318, %add3A_522 : i32
        %lt3A_524 = arith.cmpi slt, %add3A_523, %reduce_sum3A_339 : i32
        %and3A_525 = arith.andi %ge3A_521, %lt3A_524 : i1
        %jit3A_526 = arith.constant 1.000000e+00 : f32
        %jit3A_527 = arith.constant 0.000000e+00 : f32
        %select_n3A_528 = arith.select %and3A_525, %jit3A_526, %jit3A_527 : f32
        %add3A_529 = arith.constant 19 : i32
        %add3A_530 = arith.addi %multiple_of3A_318, %add3A_529 : i32
        %ge3A_531 = arith.cmpi sge, %add3A_530, %add3A_330 : i32
        %add3A_532 = arith.constant 19 : i32
        %add3A_533 = arith.addi %multiple_of3A_318, %add3A_532 : i32
        %lt3A_534 = arith.cmpi slt, %add3A_533, %reduce_sum3A_339 : i32
        %and3A_535 = arith.andi %ge3A_531, %lt3A_534 : i1
        %jit3A_536 = arith.constant 1.000000e+00 : f32
        %jit3A_537 = arith.constant 0.000000e+00 : f32
        %select_n3A_538 = arith.select %and3A_535, %jit3A_536, %jit3A_537 : f32
        %add3A_539 = arith.constant 20 : i32
        %add3A_540 = arith.addi %multiple_of3A_318, %add3A_539 : i32
        %ge3A_541 = arith.cmpi sge, %add3A_540, %add3A_330 : i32
        %add3A_542 = arith.constant 20 : i32
        %add3A_543 = arith.addi %multiple_of3A_318, %add3A_542 : i32
        %lt3A_544 = arith.cmpi slt, %add3A_543, %reduce_sum3A_339 : i32
        %and3A_545 = arith.andi %ge3A_541, %lt3A_544 : i1
        %jit3A_546 = arith.constant 1.000000e+00 : f32
        %jit3A_547 = arith.constant 0.000000e+00 : f32
        %select_n3A_548 = arith.select %and3A_545, %jit3A_546, %jit3A_547 : f32
        %add3A_549 = arith.constant 21 : i32
        %add3A_550 = arith.addi %multiple_of3A_318, %add3A_549 : i32
        %ge3A_551 = arith.cmpi sge, %add3A_550, %add3A_330 : i32
        %add3A_552 = arith.constant 21 : i32
        %add3A_553 = arith.addi %multiple_of3A_318, %add3A_552 : i32
        %lt3A_554 = arith.cmpi slt, %add3A_553, %reduce_sum3A_339 : i32
        %and3A_555 = arith.andi %ge3A_551, %lt3A_554 : i1
        %jit3A_556 = arith.constant 1.000000e+00 : f32
        %jit3A_557 = arith.constant 0.000000e+00 : f32
        %select_n3A_558 = arith.select %and3A_555, %jit3A_556, %jit3A_557 : f32
        %add3A_559 = arith.constant 22 : i32
        %add3A_560 = arith.addi %multiple_of3A_318, %add3A_559 : i32
        %ge3A_561 = arith.cmpi sge, %add3A_560, %add3A_330 : i32
        %add3A_562 = arith.constant 22 : i32
        %add3A_563 = arith.addi %multiple_of3A_318, %add3A_562 : i32
        %lt3A_564 = arith.cmpi slt, %add3A_563, %reduce_sum3A_339 : i32
        %and3A_565 = arith.andi %ge3A_561, %lt3A_564 : i1
        %jit3A_566 = arith.constant 1.000000e+00 : f32
        %jit3A_567 = arith.constant 0.000000e+00 : f32
        %select_n3A_568 = arith.select %and3A_565, %jit3A_566, %jit3A_567 : f32
        %add3A_569 = arith.constant 23 : i32
        %add3A_570 = arith.addi %multiple_of3A_318, %add3A_569 : i32
        %ge3A_571 = arith.cmpi sge, %add3A_570, %add3A_330 : i32
        %add3A_572 = arith.constant 23 : i32
        %add3A_573 = arith.addi %multiple_of3A_318, %add3A_572 : i32
        %lt3A_574 = arith.cmpi slt, %add3A_573, %reduce_sum3A_339 : i32
        %and3A_575 = arith.andi %ge3A_571, %lt3A_574 : i1
        %jit3A_576 = arith.constant 1.000000e+00 : f32
        %jit3A_577 = arith.constant 0.000000e+00 : f32
        %select_n3A_578 = arith.select %and3A_575, %jit3A_576, %jit3A_577 : f32
        %add3A_579 = arith.constant 24 : i32
        %add3A_580 = arith.addi %multiple_of3A_318, %add3A_579 : i32
        %ge3A_581 = arith.cmpi sge, %add3A_580, %add3A_330 : i32
        %add3A_582 = arith.constant 24 : i32
        %add3A_583 = arith.addi %multiple_of3A_318, %add3A_582 : i32
        %lt3A_584 = arith.cmpi slt, %add3A_583, %reduce_sum3A_339 : i32
        %and3A_585 = arith.andi %ge3A_581, %lt3A_584 : i1
        %jit3A_586 = arith.constant 1.000000e+00 : f32
        %jit3A_587 = arith.constant 0.000000e+00 : f32
        %select_n3A_588 = arith.select %and3A_585, %jit3A_586, %jit3A_587 : f32
        %add3A_589 = arith.constant 25 : i32
        %add3A_590 = arith.addi %multiple_of3A_318, %add3A_589 : i32
        %ge3A_591 = arith.cmpi sge, %add3A_590, %add3A_330 : i32
        %add3A_592 = arith.constant 25 : i32
        %add3A_593 = arith.addi %multiple_of3A_318, %add3A_592 : i32
        %lt3A_594 = arith.cmpi slt, %add3A_593, %reduce_sum3A_339 : i32
        %and3A_595 = arith.andi %ge3A_591, %lt3A_594 : i1
        %jit3A_596 = arith.constant 1.000000e+00 : f32
        %jit3A_597 = arith.constant 0.000000e+00 : f32
        %select_n3A_598 = arith.select %and3A_595, %jit3A_596, %jit3A_597 : f32
        %add3A_599 = arith.constant 26 : i32
        %add3A_600 = arith.addi %multiple_of3A_318, %add3A_599 : i32
        %ge3A_601 = arith.cmpi sge, %add3A_600, %add3A_330 : i32
        %add3A_602 = arith.constant 26 : i32
        %add3A_603 = arith.addi %multiple_of3A_318, %add3A_602 : i32
        %lt3A_604 = arith.cmpi slt, %add3A_603, %reduce_sum3A_339 : i32
        %and3A_605 = arith.andi %ge3A_601, %lt3A_604 : i1
        %jit3A_606 = arith.constant 1.000000e+00 : f32
        %jit3A_607 = arith.constant 0.000000e+00 : f32
        %select_n3A_608 = arith.select %and3A_605, %jit3A_606, %jit3A_607 : f32
        %add3A_609 = arith.constant 27 : i32
        %add3A_610 = arith.addi %multiple_of3A_318, %add3A_609 : i32
        %ge3A_611 = arith.cmpi sge, %add3A_610, %add3A_330 : i32
        %add3A_612 = arith.constant 27 : i32
        %add3A_613 = arith.addi %multiple_of3A_318, %add3A_612 : i32
        %lt3A_614 = arith.cmpi slt, %add3A_613, %reduce_sum3A_339 : i32
        %and3A_615 = arith.andi %ge3A_611, %lt3A_614 : i1
        %jit3A_616 = arith.constant 1.000000e+00 : f32
        %jit3A_617 = arith.constant 0.000000e+00 : f32
        %select_n3A_618 = arith.select %and3A_615, %jit3A_616, %jit3A_617 : f32
        %add3A_619 = arith.constant 28 : i32
        %add3A_620 = arith.addi %multiple_of3A_318, %add3A_619 : i32
        %ge3A_621 = arith.cmpi sge, %add3A_620, %add3A_330 : i32
        %add3A_622 = arith.constant 28 : i32
        %add3A_623 = arith.addi %multiple_of3A_318, %add3A_622 : i32
        %lt3A_624 = arith.cmpi slt, %add3A_623, %reduce_sum3A_339 : i32
        %and3A_625 = arith.andi %ge3A_621, %lt3A_624 : i1
        %jit3A_626 = arith.constant 1.000000e+00 : f32
        %jit3A_627 = arith.constant 0.000000e+00 : f32
        %select_n3A_628 = arith.select %and3A_625, %jit3A_626, %jit3A_627 : f32
        %add3A_629 = arith.constant 29 : i32
        %add3A_630 = arith.addi %multiple_of3A_318, %add3A_629 : i32
        %ge3A_631 = arith.cmpi sge, %add3A_630, %add3A_330 : i32
        %add3A_632 = arith.constant 29 : i32
        %add3A_633 = arith.addi %multiple_of3A_318, %add3A_632 : i32
        %lt3A_634 = arith.cmpi slt, %add3A_633, %reduce_sum3A_339 : i32
        %and3A_635 = arith.andi %ge3A_631, %lt3A_634 : i1
        %jit3A_636 = arith.constant 1.000000e+00 : f32
        %jit3A_637 = arith.constant 0.000000e+00 : f32
        %select_n3A_638 = arith.select %and3A_635, %jit3A_636, %jit3A_637 : f32
        %add3A_639 = arith.constant 30 : i32
        %add3A_640 = arith.addi %multiple_of3A_318, %add3A_639 : i32
        %ge3A_641 = arith.cmpi sge, %add3A_640, %add3A_330 : i32
        %add3A_642 = arith.constant 30 : i32
        %add3A_643 = arith.addi %multiple_of3A_318, %add3A_642 : i32
        %lt3A_644 = arith.cmpi slt, %add3A_643, %reduce_sum3A_339 : i32
        %and3A_645 = arith.andi %ge3A_641, %lt3A_644 : i1
        %jit3A_646 = arith.constant 1.000000e+00 : f32
        %jit3A_647 = arith.constant 0.000000e+00 : f32
        %select_n3A_648 = arith.select %and3A_645, %jit3A_646, %jit3A_647 : f32
        %add3A_649 = arith.constant 31 : i32
        %add3A_650 = arith.addi %multiple_of3A_318, %add3A_649 : i32
        %ge3A_651 = arith.cmpi sge, %add3A_650, %add3A_330 : i32
        %add3A_652 = arith.constant 31 : i32
        %add3A_653 = arith.addi %multiple_of3A_318, %add3A_652 : i32
        %lt3A_654 = arith.cmpi slt, %add3A_653, %reduce_sum3A_339 : i32
        %and3A_655 = arith.andi %ge3A_651, %lt3A_654 : i1
        %jit3A_656 = arith.constant 1.000000e+00 : f32
        %jit3A_657 = arith.constant 0.000000e+00 : f32
        %select_n3A_658 = arith.select %and3A_655, %jit3A_656, %jit3A_657 : f32
        %scan3A_659 = arith.constant 0 : i32
        %scan3A_660 = arith.constant 0 : i32
        %scan3A_661 = arith.constant 32 : i32
        %scan3A_662 = arith.addi %scan3A_660, %scan3A_661 : i32
        %scan3A_663 = arith.constant 1 : i32
        %scan3A_664 = scf.for %scan3A_666 = %scan3A_660 to %scan3A_662 step %scan3A_663 iter_args(%scan3A_667 = %scan3A_659) -> (i32)  : i32 {
          %mul3A_668 = arith.constant 16 : i32
          %mul3A_669 = arith.muli %scan3A_666, %mul3A_668 : i32
          %get3A_670 = arith.index_cast %while3A_193 : i32 to index
          %get3A_671 = arith.index_cast %mul3A_669 : i32 to index
          %get3A_672 = tpu.vector_load %arg7[%get3A_670, %get3A_671] {strides = array<i32>} : memref<16x512xf32, #tpu.memory_space<vmem>>, vector<16xf32>,
          %get3A_673 = arith.constant 0 : i32
          %get3A_674 = arith.index_cast %and3A_202 : i32 to index
          %get3A_675 = arith.index_cast %get3A_673 : i32 to index
          %get3A_676 = arith.index_cast %mul3A_669 : i32 to index
          %get3A_677 = tpu.vector_load %arg6[%get3A_674, %get3A_675, %get3A_676] {strides = array<i32>} : memref<4x32x512xf32, #tpu.memory_space<vmem>>, vector<16xf32>,
          %mul3A_678 = vector.broadcast %select_n3A_348 : f32 to vector<16xf32>
          %mul3A_679 = arith.mulf %get3A_677, %mul3A_678 : vector<16xf32>
          %add3A_680 = arith.addf %get3A_672, %mul3A_679 : vector<16xf32>
          %get3A_681 = arith.constant 1 : i32
          %get3A_682 = arith.index_cast %and3A_202 : i32 to index
          %get3A_683 = arith.index_cast %get3A_681 : i32 to index
          %get3A_684 = arith.index_cast %mul3A_669 : i32 to index
          %get3A_685 = tpu.vector_load %arg6[%get3A_682, %get3A_683, %get3A_684] {strides = array<i32>} : memref<4x32x512xf32, #tpu.memory_space<vmem>>, vector<16xf32>,
          %mul3A_686 = vector.broadcast %select_n3A_358 : f32 to vector<16xf32>
          %mul3A_687 = arith.mulf %get3A_685, %mul3A_686 : vector<16xf32>
          %add3A_688 = arith.addf %add3A_680, %mul3A_687 : vector<16xf32>
          %get3A_689 = arith.constant 2 : i32
          %get3A_690 = arith.index_cast %and3A_202 : i32 to index
          %get3A_691 = arith.index_cast %get3A_689 : i32 to index
          %get3A_692 = arith.index_cast %mul3A_669 : i32 to index
          %get3A_693 = tpu.vector_load %arg6[%get3A_690, %get3A_691, %get3A_692] {strides = array<i32>} : memref<4x32x512xf32, #tpu.memory_space<vmem>>, vector<16xf32>,
          %mul3A_694 = vector.broadcast %select_n3A_368 : f32 to vector<16xf32>
          %mul3A_695 = arith.mulf %get3A_693, %mul3A_694 : vector<16xf32>
          %add3A_696 = arith.addf %add3A_688, %mul3A_695 : vector<16xf32>
          %get3A_697 = arith.constant 3 : i32
          %get3A_698 = arith.index_cast %and3A_202 : i32 to index
          %get3A_699 = arith.index_cast %get3A_697 : i32 to index
          %get3A_700 = arith.index_cast %mul3A_669 : i32 to index
          %get3A_701 = tpu.vector_load %arg6[%get3A_698, %get3A_699, %get3A_700] {strides = array<i32>} : memref<4x32x512xf32, #tpu.memory_space<vmem>>, vector<16xf32>,
          %mul3A_702 = vector.broadcast %select_n3A_378 : f32 to vector<16xf32>
          %mul3A_703 = arith.mulf %get3A_701, %mul3A_702 : vector<16xf32>
          %add3A_704 = arith.addf %add3A_696, %mul3A_703 : vector<16xf32>
          %get3A_705 = arith.constant 4 : i32
          %get3A_706 = arith.index_cast %and3A_202 : i32 to index
          %get3A_707 = arith.index_cast %get3A_705 : i32 to index
          %get3A_708 = arith.index_cast %mul3A_669 : i32 to index
          %get3A_709 = tpu.vector_load %arg6[%get3A_706, %get3A_707, %get3A_708] {strides = array<i32>} : memref<4x32x512xf32, #tpu.memory_space<vmem>>, vector<16xf32>,
          %mul3A_710 = vector.broadcast %select_n3A_388 : f32 to vector<16xf32>
          %mul3A_711 = arith.mulf %get3A_709, %mul3A_710 : vector<16xf32>
          %add3A_712 = arith.addf %add3A_704, %mul3A_711 : vector<16xf32>
          %get3A_713 = arith.constant 5 : i32
          %get3A_714 = arith.index_cast %and3A_202 : i32 to index
          %get3A_715 = arith.index_cast %get3A_713 : i32 to index
          %get3A_716 = arith.index_cast %mul3A_669 : i32 to index
          %get3A_717 = tpu.vector_load %arg6[%get3A_714, %get3A_715, %get3A_716] {strides = array<i32>} : memref<4x32x512xf32, #tpu.memory_space<vmem>>, vector<16xf32>,
          %mul3A_718 = vector.broadcast %select_n3A_398 : f32 to vector<16xf32>
          %mul3A_719 = arith.mulf %get3A_717, %mul3A_718 : vector<16xf32>
          %add3A_720 = arith.addf %add3A_712, %mul3A_719 : vector<16xf32>
          %get3A_721 = arith.constant 6 : i32
          %get3A_722 = arith.index_cast %and3A_202 : i32 to index
          %get3A_723 = arith.index_cast %get3A_721 : i32 to index
          %get3A_724 = arith.index_cast %mul3A_669 : i32 to index
          %get3A_725 = tpu.vector_load %arg6[%get3A_722, %get3A_723, %get3A_724] {strides = array<i32>} : memref<4x32x512xf32, #tpu.memory_space<vmem>>, vector<16xf32>,
          %mul3A_726 = vector.broadcast %select_n3A_408 : f32 to vector<16xf32>
          %mul3A_727 = arith.mulf %get3A_725, %mul3A_726 : vector<16xf32>
          %add3A_728 = arith.addf %add3A_720, %mul3A_727 : vector<16xf32>
          %get3A_729 = arith.constant 7 : i32
          %get3A_730 = arith.index_cast %and3A_202 : i32 to index
          %get3A_731 = arith.index_cast %get3A_729 : i32 to index
          %get3A_732 = arith.index_cast %mul3A_669 : i32 to index
          %get3A_733 = tpu.vector_load %arg6[%get3A_730, %get3A_731, %get3A_732] {strides = array<i32>} : memref<4x32x512xf32, #tpu.memory_space<vmem>>, vector<16xf32>,
          %mul3A_734 = vector.broadcast %select_n3A_418 : f32 to vector<16xf32>
          %mul3A_735 = arith.mulf %get3A_733, %mul3A_734 : vector<16xf32>
          %add3A_736 = arith.addf %add3A_728, %mul3A_735 : vector<16xf32>
          %get3A_737 = arith.constant 8 : i32
          %get3A_738 = arith.index_cast %and3A_202 : i32 to index
          %get3A_739 = arith.index_cast %get3A_737 : i32 to index
          %get3A_740 = arith.index_cast %mul3A_669 : i32 to index
          %get3A_741 = tpu.vector_load %arg6[%get3A_738, %get3A_739, %get3A_740] {strides = array<i32>} : memref<4x32x512xf32, #tpu.memory_space<vmem>>, vector<16xf32>,
          %mul3A_742 = vector.broadcast %select_n3A_428 : f32 to vector<16xf32>
          %mul3A_743 = arith.mulf %get3A_741, %mul3A_742 : vector<16xf32>
          %add3A_744 = arith.addf %add3A_736, %mul3A_743 : vector<16xf32>
          %get3A_745 = arith.constant 9 : i32
          %get3A_746 = arith.index_cast %and3A_202 : i32 to index
          %get3A_747 = arith.index_cast %get3A_745 : i32 to index
          %get3A_748 = arith.index_cast %mul3A_669 : i32 to index
          %get3A_749 = tpu.vector_load %arg6[%get3A_746, %get3A_747, %get3A_748] {strides = array<i32>} : memref<4x32x512xf32, #tpu.memory_space<vmem>>, vector<16xf32>,
          %mul3A_750 = vector.broadcast %select_n3A_438 : f32 to vector<16xf32>
          %mul3A_751 = arith.mulf %get3A_749, %mul3A_750 : vector<16xf32>
          %add3A_752 = arith.addf %add3A_744, %mul3A_751 : vector<16xf32>
          %get3A_753 = arith.constant 10 : i32
          %get3A_754 = arith.index_cast %and3A_202 : i32 to index
          %get3A_755 = arith.index_cast %get3A_753 : i32 to index
          %get3A_756 = arith.index_cast %mul3A_669 : i32 to index
          %get3A_757 = tpu.vector_load %arg6[%get3A_754, %get3A_755, %get3A_756] {strides = array<i32>} : memref<4x32x512xf32, #tpu.memory_space<vmem>>, vector<16xf32>,
          %mul3A_758 = vector.broadcast %select_n3A_448 : f32 to vector<16xf32>
          %mul3A_759 = arith.mulf %get3A_757, %mul3A_758 : vector<16xf32>
          %add3A_760 = arith.addf %add3A_752, %mul3A_759 : vector<16xf32>
          %get3A_761 = arith.constant 11 : i32
          %get3A_762 = arith.index_cast %and3A_202 : i32 to index
          %get3A_763 = arith.index_cast %get3A_761 : i32 to index
          %get3A_764 = arith.index_cast %mul3A_669 : i32 to index
          %get3A_765 = tpu.vector_load %arg6[%get3A_762, %get3A_763, %get3A_764] {strides = array<i32>} : memref<4x32x512xf32, #tpu.memory_space<vmem>>, vector<16xf32>,
          %mul3A_766 = vector.broadcast %select_n3A_458 : f32 to vector<16xf32>
          %mul3A_767 = arith.mulf %get3A_765, %mul3A_766 : vector<16xf32>
          %add3A_768 = arith.addf %add3A_760, %mul3A_767 : vector<16xf32>
          %get3A_769 = arith.constant 12 : i32
          %get3A_770 = arith.index_cast %and3A_202 : i32 to index
          %get3A_771 = arith.index_cast %get3A_769 : i32 to index
          %get3A_772 = arith.index_cast %mul3A_669 : i32 to index
          %get3A_773 = tpu.vector_load %arg6[%get3A_770, %get3A_771, %get3A_772] {strides = array<i32>} : memref<4x32x512xf32, #tpu.memory_space<vmem>>, vector<16xf32>,
          %mul3A_774 = vector.broadcast %select_n3A_468 : f32 to vector<16xf32>
          %mul3A_775 = arith.mulf %get3A_773, %mul3A_774 : vector<16xf32>
          %add3A_776 = arith.addf %add3A_768, %mul3A_775 : vector<16xf32>
          %get3A_777 = arith.constant 13 : i32
          %get3A_778 = arith.index_cast %and3A_202 : i32 to index
          %get3A_779 = arith.index_cast %get3A_777 : i32 to index
          %get3A_780 = arith.index_cast %mul3A_669 : i32 to index
          %get3A_781 = tpu.vector_load %arg6[%get3A_778, %get3A_779, %get3A_780] {strides = array<i32>} : memref<4x32x512xf32, #tpu.memory_space<vmem>>, vector<16xf32>,
          %mul3A_782 = vector.broadcast %select_n3A_478 : f32 to vector<16xf32>
          %mul3A_783 = arith.mulf %get3A_781, %mul3A_782 : vector<16xf32>
          %add3A_784 = arith.addf %add3A_776, %mul3A_783 : vector<16xf32>
          %get3A_785 = arith.constant 14 : i32
          %get3A_786 = arith.index_cast %and3A_202 : i32 to index
          %get3A_787 = arith.index_cast %get3A_785 : i32 to index
          %get3A_788 = arith.index_cast %mul3A_669 : i32 to index
          %get3A_789 = tpu.vector_load %arg6[%get3A_786, %get3A_787, %get3A_788] {strides = array<i32>} : memref<4x32x512xf32, #tpu.memory_space<vmem>>, vector<16xf32>,
          %mul3A_790 = vector.broadcast %select_n3A_488 : f32 to vector<16xf32>
          %mul3A_791 = arith.mulf %get3A_789, %mul3A_790 : vector<16xf32>
          %add3A_792 = arith.addf %add3A_784, %mul3A_791 : vector<16xf32>
          %get3A_793 = arith.constant 15 : i32
          %get3A_794 = arith.index_cast %and3A_202 : i32 to index
          %get3A_795 = arith.index_cast %get3A_793 : i32 to index
          %get3A_796 = arith.index_cast %mul3A_669 : i32 to index
          %get3A_797 = tpu.vector_load %arg6[%get3A_794, %get3A_795, %get3A_796] {strides = array<i32>} : memref<4x32x512xf32, #tpu.memory_space<vmem>>, vector<16xf32>,
          %mul3A_798 = vector.broadcast %select_n3A_498 : f32 to vector<16xf32>
          %mul3A_799 = arith.mulf %get3A_797, %mul3A_798 : vector<16xf32>
          %add3A_800 = arith.addf %add3A_792, %mul3A_799 : vector<16xf32>
          %get3A_801 = arith.constant 16 : i32
          %get3A_802 = arith.index_cast %and3A_202 : i32 to index
          %get3A_803 = arith.index_cast %get3A_801 : i32 to index
          %get3A_804 = arith.index_cast %mul3A_669 : i32 to index
          %get3A_805 = tpu.vector_load %arg6[%get3A_802, %get3A_803, %get3A_804] {strides = array<i32>} : memref<4x32x512xf32, #tpu.memory_space<vmem>>, vector<16xf32>,
          %mul3A_806 = vector.broadcast %select_n3A_508 : f32 to vector<16xf32>
          %mul3A_807 = arith.mulf %get3A_805, %mul3A_806 : vector<16xf32>
          %add3A_808 = arith.addf %add3A_800, %mul3A_807 : vector<16xf32>
          %get3A_809 = arith.constant 17 : i32
          %get3A_810 = arith.index_cast %and3A_202 : i32 to index
          %get3A_811 = arith.index_cast %get3A_809 : i32 to index
          %get3A_812 = arith.index_cast %mul3A_669 : i32 to index
          %get3A_813 = tpu.vector_load %arg6[%get3A_810, %get3A_811, %get3A_812] {strides = array<i32>} : memref<4x32x512xf32, #tpu.memory_space<vmem>>, vector<16xf32>,
          %mul3A_814 = vector.broadcast %select_n3A_518 : f32 to vector<16xf32>
          %mul3A_815 = arith.mulf %get3A_813, %mul3A_814 : vector<16xf32>
          %add3A_816 = arith.addf %add3A_808, %mul3A_815 : vector<16xf32>
          %get3A_817 = arith.constant 18 : i32
          %get3A_818 = arith.index_cast %and3A_202 : i32 to index
          %get3A_819 = arith.index_cast %get3A_817 : i32 to index
          %get3A_820 = arith.index_cast %mul3A_669 : i32 to index
          %get3A_821 = tpu.vector_load %arg6[%get3A_818, %get3A_819, %get3A_820] {strides = array<i32>} : memref<4x32x512xf32, #tpu.memory_space<vmem>>, vector<16xf32>,
          %mul3A_822 = vector.broadcast %select_n3A_528 : f32 to vector<16xf32>
          %mul3A_823 = arith.mulf %get3A_821, %mul3A_822 : vector<16xf32>
          %add3A_824 = arith.addf %add3A_816, %mul3A_823 : vector<16xf32>
          %get3A_825 = arith.constant 19 : i32
          %get3A_826 = arith.index_cast %and3A_202 : i32 to index
          %get3A_827 = arith.index_cast %get3A_825 : i32 to index
          %get3A_828 = arith.index_cast %mul3A_669 : i32 to index
          %get3A_829 = tpu.vector_load %arg6[%get3A_826, %get3A_827, %get3A_828] {strides = array<i32>} : memref<4x32x512xf32, #tpu.memory_space<vmem>>, vector<16xf32>,
          %mul3A_830 = vector.broadcast %select_n3A_538 : f32 to vector<16xf32>
          %mul3A_831 = arith.mulf %get3A_829, %mul3A_830 : vector<16xf32>
          %add3A_832 = arith.addf %add3A_824, %mul3A_831 : vector<16xf32>
          %get3A_833 = arith.constant 20 : i32
          %get3A_834 = arith.index_cast %and3A_202 : i32 to index
          %get3A_835 = arith.index_cast %get3A_833 : i32 to index
          %get3A_836 = arith.index_cast %mul3A_669 : i32 to index
          %get3A_837 = tpu.vector_load %arg6[%get3A_834, %get3A_835, %get3A_836] {strides = array<i32>} : memref<4x32x512xf32, #tpu.memory_space<vmem>>, vector<16xf32>,
          %mul3A_838 = vector.broadcast %select_n3A_548 : f32 to vector<16xf32>
          %mul3A_839 = arith.mulf %get3A_837, %mul3A_838 : vector<16xf32>
          %add3A_840 = arith.addf %add3A_832, %mul3A_839 : vector<16xf32>
          %get3A_841 = arith.constant 21 : i32
          %get3A_842 = arith.index_cast %and3A_202 : i32 to index
          %get3A_843 = arith.index_cast %get3A_841 : i32 to index
          %get3A_844 = arith.index_cast %mul3A_669 : i32 to index
          %get3A_845 = tpu.vector_load %arg6[%get3A_842, %get3A_843, %get3A_844] {strides = array<i32>} : memref<4x32x512xf32, #tpu.memory_space<vmem>>, vector<16xf32>,
          %mul3A_846 = vector.broadcast %select_n3A_558 : f32 to vector<16xf32>
          %mul3A_847 = arith.mulf %get3A_845, %mul3A_846 : vector<16xf32>
          %add3A_848 = arith.addf %add3A_840, %mul3A_847 : vector<16xf32>
          %get3A_849 = arith.constant 22 : i32
          %get3A_850 = arith.index_cast %and3A_202 : i32 to index
          %get3A_851 = arith.index_cast %get3A_849 : i32 to index
          %get3A_852 = arith.index_cast %mul3A_669 : i32 to index
          %get3A_853 = tpu.vector_load %arg6[%get3A_850, %get3A_851, %get3A_852] {strides = array<i32>} : memref<4x32x512xf32, #tpu.memory_space<vmem>>, vector<16xf32>,
          %mul3A_854 = vector.broadcast %select_n3A_568 : f32 to vector<16xf32>
          %mul3A_855 = arith.mulf %get3A_853, %mul3A_854 : vector<16xf32>
          %add3A_856 = arith.addf %add3A_848, %mul3A_855 : vector<16xf32>
          %get3A_857 = arith.constant 23 : i32
          %get3A_858 = arith.index_cast %and3A_202 : i32 to index
          %get3A_859 = arith.index_cast %get3A_857 : i32 to index
          %get3A_860 = arith.index_cast %mul3A_669 : i32 to index
          %get3A_861 = tpu.vector_load %arg6[%get3A_858, %get3A_859, %get3A_860] {strides = array<i32>} : memref<4x32x512xf32, #tpu.memory_space<vmem>>, vector<16xf32>,
          %mul3A_862 = vector.broadcast %select_n3A_578 : f32 to vector<16xf32>
          %mul3A_863 = arith.mulf %get3A_861, %mul3A_862 : vector<16xf32>
          %add3A_864 = arith.addf %add3A_856, %mul3A_863 : vector<16xf32>
          %get3A_865 = arith.constant 24 : i32
          %get3A_866 = arith.index_cast %and3A_202 : i32 to index
          %get3A_867 = arith.index_cast %get3A_865 : i32 to index
          %get3A_868 = arith.index_cast %mul3A_669 : i32 to index
          %get3A_869 = tpu.vector_load %arg6[%get3A_866, %get3A_867, %get3A_868] {strides = array<i32>} : memref<4x32x512xf32, #tpu.memory_space<vmem>>, vector<16xf32>,
          %mul3A_870 = vector.broadcast %select_n3A_588 : f32 to vector<16xf32>
          %mul3A_871 = arith.mulf %get3A_869, %mul3A_870 : vector<16xf32>
          %add3A_872 = arith.addf %add3A_864, %mul3A_871 : vector<16xf32>
          %get3A_873 = arith.constant 25 : i32
          %get3A_874 = arith.index_cast %and3A_202 : i32 to index
          %get3A_875 = arith.index_cast %get3A_873 : i32 to index
          %get3A_876 = arith.index_cast %mul3A_669 : i32 to index
          %get3A_877 = tpu.vector_load %arg6[%get3A_874, %get3A_875, %get3A_876] {strides = array<i32>} : memref<4x32x512xf32, #tpu.memory_space<vmem>>, vector<16xf32>,
          %mul3A_878 = vector.broadcast %select_n3A_598 : f32 to vector<16xf32>
          %mul3A_879 = arith.mulf %get3A_877, %mul3A_878 : vector<16xf32>
          %add3A_880 = arith.addf %add3A_872, %mul3A_879 : vector<16xf32>
          %get3A_881 = arith.constant 26 : i32
          %get3A_882 = arith.index_cast %and3A_202 : i32 to index
          %get3A_883 = arith.index_cast %get3A_881 : i32 to index
          %get3A_884 = arith.index_cast %mul3A_669 : i32 to index
          %get3A_885 = tpu.vector_load %arg6[%get3A_882, %get3A_883, %get3A_884] {strides = array<i32>} : memref<4x32x512xf32, #tpu.memory_space<vmem>>, vector<16xf32>,
          %mul3A_886 = vector.broadcast %select_n3A_608 : f32 to vector<16xf32>
          %mul3A_887 = arith.mulf %get3A_885, %mul3A_886 : vector<16xf32>
          %add3A_888 = arith.addf %add3A_880, %mul3A_887 : vector<16xf32>
          %get3A_889 = arith.constant 27 : i32
          %get3A_890 = arith.index_cast %and3A_202 : i32 to index
          %get3A_891 = arith.index_cast %get3A_889 : i32 to index
          %get3A_892 = arith.index_cast %mul3A_669 : i32 to index
          %get3A_893 = tpu.vector_load %arg6[%get3A_890, %get3A_891, %get3A_892] {strides = array<i32>} : memref<4x32x512xf32, #tpu.memory_space<vmem>>, vector<16xf32>,
          %mul3A_894 = vector.broadcast %select_n3A_618 : f32 to vector<16xf32>
          %mul3A_895 = arith.mulf %get3A_893, %mul3A_894 : vector<16xf32>
          %add3A_896 = arith.addf %add3A_888, %mul3A_895 : vector<16xf32>
          %get3A_897 = arith.constant 28 : i32
          %get3A_898 = arith.index_cast %and3A_202 : i32 to index
          %get3A_899 = arith.index_cast %get3A_897 : i32 to index
          %get3A_900 = arith.index_cast %mul3A_669 : i32 to index
          %get3A_901 = tpu.vector_load %arg6[%get3A_898, %get3A_899, %get3A_900] {strides = array<i32>} : memref<4x32x512xf32, #tpu.memory_space<vmem>>, vector<16xf32>,
          %mul3A_902 = vector.broadcast %select_n3A_628 : f32 to vector<16xf32>
          %mul3A_903 = arith.mulf %get3A_901, %mul3A_902 : vector<16xf32>
          %add3A_904 = arith.addf %add3A_896, %mul3A_903 : vector<16xf32>
          %get3A_905 = arith.constant 29 : i32
          %get3A_906 = arith.index_cast %and3A_202 : i32 to index
          %get3A_907 = arith.index_cast %get3A_905 : i32 to index
          %get3A_908 = arith.index_cast %mul3A_669 : i32 to index
          %get3A_909 = tpu.vector_load %arg6[%get3A_906, %get3A_907, %get3A_908] {strides = array<i32>} : memref<4x32x512xf32, #tpu.memory_space<vmem>>, vector<16xf32>,
          %mul3A_910 = vector.broadcast %select_n3A_638 : f32 to vector<16xf32>
          %mul3A_911 = arith.mulf %get3A_909, %mul3A_910 : vector<16xf32>
          %add3A_912 = arith.addf %add3A_904, %mul3A_911 : vector<16xf32>
          %get3A_913 = arith.constant 30 : i32
          %get3A_914 = arith.index_cast %and3A_202 : i32 to index
          %get3A_915 = arith.index_cast %get3A_913 : i32 to index
          %get3A_916 = arith.index_cast %mul3A_669 : i32 to index
          %get3A_917 = tpu.vector_load %arg6[%get3A_914, %get3A_915, %get3A_916] {strides = array<i32>} : memref<4x32x512xf32, #tpu.memory_space<vmem>>, vector<16xf32>,
          %mul3A_918 = vector.broadcast %select_n3A_648 : f32 to vector<16xf32>
          %mul3A_919 = arith.mulf %get3A_917, %mul3A_918 : vector<16xf32>
          %add3A_920 = arith.addf %add3A_912, %mul3A_919 : vector<16xf32>
          %get3A_921 = arith.constant 31 : i32
          %get3A_922 = arith.index_cast %and3A_202 : i32 to index
          %get3A_923 = arith.index_cast %get3A_921 : i32 to index
          %get3A_924 = arith.index_cast %mul3A_669 : i32 to index
          %get3A_925 = tpu.vector_load %arg6[%get3A_922, %get3A_923, %get3A_924] {strides = array<i32>} : memref<4x32x512xf32, #tpu.memory_space<vmem>>, vector<16xf32>,
          %mul3A_926 = vector.broadcast %select_n3A_658 : f32 to vector<16xf32>
          %mul3A_927 = arith.mulf %get3A_925, %mul3A_926 : vector<16xf32>
          %add3A_928 = arith.addf %add3A_920, %mul3A_927 : vector<16xf32>
          %swap3A = arith.index_cast %while3A_193 : i32 to index
          %swap3A_929 = arith.index_cast %mul3A_669 : i32 to index
          %swap3A_930 = tpu.vector_load %arg7[%swap3A, %swap3A_929] {strides = array<i32>} : memref<16x512xf32, #tpu.memory_space<vmem>>, vector<16xf32>,
          tpu.vector_store %arg7[%swap3A, %swap3A_929], %add3A_928 {strides = array<i32>} : memref<16x512xf32, #tpu.memory_space<vmem>>, vector<16xf32>,
          %scan3A_931 = arith.constant 0 : i32
          scf.yield %scan3A_931 : i32
        }
        %scan3A_665 = arith.constant 32 : i32
      } else {
      }
      %add3A_277 = arith.constant 1 : i32
      %add3A_278 = arith.addi %while3A_200, %add3A_277 : i32
      %while3A_279:2 = scf.while (%while3A_280 = %while3A_199, %while3A_281 = %add3A_278) : (i32, i32) -> (i32, i32) {
        %lt3A_282 = arith.constant 16 : i32
        %lt3A_283 = arith.cmpi slt, %while3A_280, %lt3A_282 : i32
        %eq3A_284 = vector.broadcast %while3A_280 : i32 to vector<16xi32>
        %eq3A_285 = arith.cmpi eq, %iota3A, %eq3A_284 : vector<16xi32>
        %jit3A_286 = arith.constant 0 : i32
        %broadcast_in_dim3A_287 = vector.broadcast %jit3A_286 : i32 to vector<16xi32>
        %select_n3A_288 = arith.select %eq3A_285, %select_n3A_142, %broadcast_in_dim3A_287 : vector<16xi1>, vector<16xi32>
        %reduce_sum3A_289 = arith.constant true
        %reduce_sum3A_290 = vector.broadcast %reduce_sum3A_289 : i1 to vector<16xi1>
        %reduce_sum3A_291 = tpu.scan <sum>, %select_n3A_288 masked %reduce_sum3A_290 : vector<16xi32>, vector<16xi1> -> vector<16xi32>
        %reduce_sum3A_292 = vector.extract %reduce_sum3A_291[15] : i32 from vector<16xi32>
        %ge3A = arith.cmpi sge, %while3A_281, %reduce_sum3A_292 : i32
        %and3A_293 = arith.andi %lt3A_283, %ge3A : i1
        scf.condition(%and3A_293) %while3A_280, %while3A_281 : i32, i32
      } do {
      ^bb0(%while3A_280: i32, %while3A_281: i32):
        %add3A_282 = arith.constant 1 : i32
        %add3A_283 = arith.addi %while3A_280, %add3A_282 : i32
        %while3A_284 = arith.constant 0 : i32
        scf.yield %add3A_283, %while3A_284 : i32, i32
      }
      scf.yield %while3A_195, %while3A_196, %while3A_197, %while3A_198, %while3A_199, %while3A_200, %while3A_279#0, %while3A_279#1 : i32, i32, i32, i32, i32, i32, i32, i32
    }
    %while3A_178 = arith.constant 1 : i32
    %while3A_179:8 = scf.for %while3A_192 = %while3A_175 to %while3A_171 step %while3A_178 iter_args(%while3A_193 = %while3A_177#0, %while3A_194 = %while3A_177#1, %while3A_195 = %while3A_177#2, %while3A_196 = %while3A_177#3, %while3A_197 = %while3A_177#4, %while3A_198 = %while3A_177#5, %while3A_199 = %while3A_177#6, %while3A_200 = %while3A_177#7) -> (i32, i32, i32, i32, i32, i32, i32, i32)  : i32 {
      %and3A_201 = arith.constant 3 : i32
      %and3A_202 = arith.andi %while3A_192, %and3A_201 : i32
      %add3A_203 = arith.constant 3 : i32
      %add3A_204 = arith.addi %while3A_192, %add3A_203 : i32
      %lt3A = arith.cmpi slt, %add3A_204, %reduce_sum3A_145 : i32
      %convert_element_type3A_205 = arith.extui %lt3A : i1 to i32
      %cond3A_206 = arith.constant 0 : i32
      %cond3A_207 = arith.cmpi ne, %convert_element_type3A_205, %cond3A_206 : i32
      scf.if %cond3A_207 {
        %add3A_280 = arith.constant 3 : i32
        %add3A_281 = arith.addi %while3A_192, %add3A_280 : i32
        %and3A_282 = arith.constant 3 : i32
        %and3A_283 = arith.andi %add3A_281, %and3A_282 : i32
        %eq3A_284 = vector.broadcast %while3A_199 : i32 to vector<16xi32>
        %eq3A_285 = arith.cmpi eq, %iota3A, %eq3A_284 : vector<16xi32>
        %jit3A_286 = arith.constant 0 : i32
        %broadcast_in_dim3A_287 = vector.broadcast %jit3A_286 : i32 to vector<16xi32>
        %select_n3A_288 = arith.select %eq3A_285, %mul3A_67, %broadcast_in_dim3A_287 : vector<16xi1>, vector<16xi32>
        %reduce_sum3A_289 = arith.constant true
        %reduce_sum3A_290 = vector.broadcast %reduce_sum3A_289 : i1 to vector<16xi1>
        %reduce_sum3A_291 = tpu.scan <sum>, %select_n3A_288 masked %reduce_sum3A_290 : vector<16xi32>, vector<16xi1> -> vector<16xi32>
        %reduce_sum3A_292 = vector.extract %reduce_sum3A_291[15] : i32 from vector<16xi32>
        %eq3A_293 = vector.broadcast %while3A_199 : i32 to vector<16xi32>
        %eq3A_294 = arith.cmpi eq, %iota3A, %eq3A_293 : vector<16xi32>
        %jit3A_295 = arith.constant 0 : i32
        %broadcast_in_dim3A_296 = vector.broadcast %jit3A_295 : i32 to vector<16xi32>
        %select_n3A_297 = arith.select %eq3A_294, %mul3A_104, %broadcast_in_dim3A_296 : vector<16xi1>, vector<16xi32>
        %reduce_sum3A_298 = arith.constant true
        %reduce_sum3A_299 = vector.broadcast %reduce_sum3A_298 : i1 to vector<16xi1>
        %reduce_sum3A_300 = tpu.scan <sum>, %select_n3A_297 masked %reduce_sum3A_299 : vector<16xi32>, vector<16xi1> -> vector<16xi32>
        %reduce_sum3A_301 = vector.extract %reduce_sum3A_300[15] : i32 from vector<16xi32>
        %eq3A_302 = vector.broadcast %while3A_199 : i32 to vector<16xi32>
        %eq3A_303 = arith.cmpi eq, %iota3A, %eq3A_302 : vector<16xi32>
        %jit3A_304 = arith.constant 0 : i32
        %broadcast_in_dim3A_305 = vector.broadcast %jit3A_304 : i32 to vector<16xi32>
        %select_n3A_306 = arith.select %eq3A_303, %select_n3A_142, %broadcast_in_dim3A_305 : vector<16xi1>, vector<16xi32>
        %reduce_sum3A_307 = arith.constant true
        %reduce_sum3A_308 = vector.broadcast %reduce_sum3A_307 : i1 to vector<16xi1>
        %reduce_sum3A_309 = tpu.scan <sum>, %select_n3A_306 masked %reduce_sum3A_308 : vector<16xi32>, vector<16xi1> -> vector<16xi32>
        %reduce_sum3A_310 = vector.extract %reduce_sum3A_309[15] : i32 from vector<16xi32>
        %sub3A_311 = arith.constant 1 : i32
        %sub3A_312 = arith.subi %reduce_sum3A_310, %sub3A_311 : i32
        %eq3A_313 = arith.cmpi eq, %while3A_200, %sub3A_312 : i32
        %sub3A_314 = arith.constant 32 : i32
        %sub3A_315 = arith.subi %reduce_sum3A_301, %sub3A_314 : i32
        %max3A_316 = arith.constant 0 : i32
        %max3A_317 = arith.maxsi %sub3A_315, %max3A_316 : i32
        %mul3A_318 = arith.constant 32 : i32
        %mul3A_319 = arith.muli %while3A_200, %mul3A_318 : i32
        %add3A_320 = arith.addi %reduce_sum3A_292, %mul3A_319 : i32
        %select_n3A_321 = arith.select %eq3A_313, %max3A_317, %add3A_320 : i32
        %multiple_of3A_322 = tpu.assume_multiple %select_n3A_321, 8 : i32
        %dma_start3A = arith.constant 0 : i32
        %dma_start3A_323 = arith.constant 0 : i32
        %dma_start3A_324 = tpu.memref_slice %arg6[%and3A_283, %dma_start3A, %dma_start3A_323] : memref<4x32x512xf32, #tpu.memory_space<vmem>> -> memref<1x32x512xf32, #tpu.memory_space<vmem>>
        %dma_start3A_325 = tpu.memref_squeeze %dma_start3A_324 : memref<1x32x512xf32, #tpu.memory_space<vmem>> -> memref<32x512xf32, #tpu.memory_space<vmem>>
        %dma_start3A_326 = tpu.memref_slice %arg2[%while3A_199, %multiple_of3A_322, %mul3A_0] : memref<16x4096x1024xf32, #tpu.memory_space<hbm>> -> memref<1x32x512xf32, #tpu.memory_space<hbm>>
        %dma_start3A_327 = tpu.memref_squeeze %dma_start3A_326 : memref<1x32x512xf32, #tpu.memory_space<hbm>> -> memref<32x512xf32, #tpu.memory_space<hbm>>
        %dma_start3A_328 = tpu.memref_slice %arg11[%and3A_283] : memref<4x!tpu.dma_semaphore, #tpu.memory_space<semaphore_mem>> -> memref<1x!tpu.dma_semaphore, #tpu.memory_space<semaphore_mem>>
        %dma_start3A_329 = tpu.memref_squeeze %dma_start3A_328 : memref<1x!tpu.dma_semaphore, #tpu.memory_space<semaphore_mem>> -> memref<!tpu.dma_semaphore, #tpu.memory_space<semaphore_mem>>
        %dma_start3A_330 = arith.constant 0 : i32
        %dma_start3A_331 = arith.constant 0 : i32
        %dma_start3A_332 = tpu.memref_slice %arg6[%and3A_283, %dma_start3A_330, %dma_start3A_331] : memref<4x32x512xf32, #tpu.memory_space<vmem>> -> memref<1x32x512xf32, #tpu.memory_space<vmem>>
        %dma_start3A_333 = tpu.memref_squeeze %dma_start3A_332 : memref<1x32x512xf32, #tpu.memory_space<vmem>> -> memref<32x512xf32, #tpu.memory_space<vmem>>
        %dma_start3A_334 = tpu.memref_slice %arg2[%while3A_199, %multiple_of3A_322, %mul3A_0] : memref<16x4096x1024xf32, #tpu.memory_space<hbm>> -> memref<1x32x512xf32, #tpu.memory_space<hbm>>
        %dma_start3A_335 = tpu.memref_squeeze %dma_start3A_334 : memref<1x32x512xf32, #tpu.memory_space<hbm>> -> memref<32x512xf32, #tpu.memory_space<hbm>>
        tpu.enqueue_dma source(%dma_start3A_335 : memref<32x512xf32, #tpu.memory_space<hbm>>) target(%dma_start3A_333 : memref<32x512xf32, #tpu.memory_space<vmem>>) target_semaphore(%dma_start3A_329 : memref<!tpu.dma_semaphore, #tpu.memory_space<semaphore_mem>>)
      } else {
      }
      %eq3A_208 = vector.broadcast %while3A_193 : i32 to vector<16xi32>
      %eq3A_209 = arith.cmpi eq, %iota3A, %eq3A_208 : vector<16xi32>
      %jit3A_210 = arith.constant 0 : i32
      %broadcast_in_dim3A_211 = vector.broadcast %jit3A_210 : i32 to vector<16xi32>
      %select_n3A_212 = arith.select %eq3A_209, %mul3A_67, %broadcast_in_dim3A_211 : vector<16xi1>, vector<16xi32>
      %reduce_sum3A_213 = arith.constant true
      %reduce_sum3A_214 = vector.broadcast %reduce_sum3A_213 : i1 to vector<16xi1>
      %reduce_sum3A_215 = tpu.scan <sum>, %select_n3A_212 masked %reduce_sum3A_214 : vector<16xi32>, vector<16xi1> -> vector<16xi32>
      %reduce_sum3A_216 = vector.extract %reduce_sum3A_215[15] : i32 from vector<16xi32>
      %eq3A_217 = vector.broadcast %while3A_193 : i32 to vector<16xi32>
      %eq3A_218 = arith.cmpi eq, %iota3A, %eq3A_217 : vector<16xi32>
      %jit3A_219 = arith.constant 0 : i32
      %broadcast_in_dim3A_220 = vector.broadcast %jit3A_219 : i32 to vector<16xi32>
      %select_n3A_221 = arith.select %eq3A_218, %mul3A_104, %broadcast_in_dim3A_220 : vector<16xi1>, vector<16xi32>
      %reduce_sum3A_222 = arith.constant true
      %reduce_sum3A_223 = vector.broadcast %reduce_sum3A_222 : i1 to vector<16xi1>
      %reduce_sum3A_224 = tpu.scan <sum>, %select_n3A_221 masked %reduce_sum3A_223 : vector<16xi32>, vector<16xi1> -> vector<16xi32>
      %reduce_sum3A_225 = vector.extract %reduce_sum3A_224[15] : i32 from vector<16xi32>
      %eq3A_226 = vector.broadcast %while3A_193 : i32 to vector<16xi32>
      %eq3A_227 = arith.cmpi eq, %iota3A, %eq3A_226 : vector<16xi32>
      %jit3A_228 = arith.constant 0 : i32
      %broadcast_in_dim3A_229 = vector.broadcast %jit3A_228 : i32 to vector<16xi32>
      %select_n3A_230 = arith.select %eq3A_227, %select_n3A_142, %broadcast_in_dim3A_229 : vector<16xi1>, vector<16xi32>
      %reduce_sum3A_231 = arith.constant true
      %reduce_sum3A_232 = vector.broadcast %reduce_sum3A_231 : i1 to vector<16xi1>
      %reduce_sum3A_233 = tpu.scan <sum>, %select_n3A_230 masked %reduce_sum3A_232 : vector<16xi32>, vector<16xi1> -> vector<16xi32>
      %reduce_sum3A_234 = vector.extract %reduce_sum3A_233[15] : i32 from vector<16xi32>
      %sub3A_235 = arith.constant 1 : i32
      %sub3A_236 = arith.subi %reduce_sum3A_234, %sub3A_235 : i32
      %eq3A_237 = arith.cmpi eq, %while3A_194, %sub3A_236 : i32
      %sub3A_238 = arith.constant 32 : i32
      %sub3A_239 = arith.subi %reduce_sum3A_225, %sub3A_238 : i32
      %max3A = arith.constant 0 : i32
      %max3A_240 = arith.maxsi %sub3A_239, %max3A : i32
      %mul3A_241 = arith.constant 32 : i32
      %mul3A_242 = arith.muli %while3A_194, %mul3A_241 : i32
      %add3A_243 = arith.addi %reduce_sum3A_216, %mul3A_242 : i32
      %select_n3A_244 = arith.select %eq3A_237, %max3A_240, %add3A_243 : i32
      %multiple_of3A = tpu.assume_multiple %select_n3A_244, 8 : i32
      %dma_wait3A = arith.constant 0 : i32
      %dma_wait3A_245 = arith.constant 0 : i32
      %dma_wait3A_246 = tpu.memref_slice %arg6[%and3A_202, %dma_wait3A, %dma_wait3A_245] : memref<4x32x512xf32, #tpu.memory_space<vmem>> -> memref<1x32x512xf32, #tpu.memory_space<vmem>>
      %dma_wait3A_247 = tpu.memref_squeeze %dma_wait3A_246 : memref<1x32x512xf32, #tpu.memory_space<vmem>> -> memref<32x512xf32, #tpu.memory_space<vmem>>
      %dma_wait3A_248 = tpu.memref_slice %arg2[%while3A_193, %multiple_of3A, %mul3A_0] : memref<16x4096x1024xf32, #tpu.memory_space<hbm>> -> memref<1x32x512xf32, #tpu.memory_space<hbm>>
      %dma_wait3A_249 = tpu.memref_squeeze %dma_wait3A_248 : memref<1x32x512xf32, #tpu.memory_space<hbm>> -> memref<32x512xf32, #tpu.memory_space<hbm>>
      %dma_wait3A_250 = tpu.memref_slice %arg11[%and3A_202] : memref<4x!tpu.dma_semaphore, #tpu.memory_space<semaphore_mem>> -> memref<1x!tpu.dma_semaphore, #tpu.memory_space<semaphore_mem>>
      %dma_wait3A_251 = tpu.memref_squeeze %dma_wait3A_250 : memref<1x!tpu.dma_semaphore, #tpu.memory_space<semaphore_mem>> -> memref<!tpu.dma_semaphore, #tpu.memory_space<semaphore_mem>>
      %dma_wait3A_252 = arith.constant 0 : i32
      %dma_wait3A_253 = arith.constant 0 : i32
      %dma_wait3A_254 = tpu.memref_slice %arg6[%and3A_202, %dma_wait3A_252, %dma_wait3A_253] : memref<4x32x512xf32, #tpu.memory_space<vmem>> -> memref<1x32x512xf32, #tpu.memory_space<vmem>>
      %dma_wait3A_255 = tpu.memref_squeeze %dma_wait3A_254 : memref<1x32x512xf32, #tpu.memory_space<vmem>> -> memref<32x512xf32, #tpu.memory_space<vmem>>
      %dma_wait3A_256 = tpu.memref_slice %arg2[%while3A_193, %multiple_of3A, %mul3A_0] : memref<16x4096x1024xf32, #tpu.memory_space<hbm>> -> memref<1x32x512xf32, #tpu.memory_space<hbm>>
      %dma_wait3A_257 = tpu.memref_squeeze %dma_wait3A_256 : memref<1x32x512xf32, #tpu.memory_space<hbm>> -> memref<32x512xf32, #tpu.memory_space<hbm>>
      tpu.wait_dma2 semaphore(%dma_wait3A_251 : memref<!tpu.dma_semaphore, #tpu.memory_space<semaphore_mem>>) src(%dma_wait3A_257 : memref<32x512xf32, #tpu.memory_space<hbm>>) dst(%dma_wait3A_255 : memref<32x512xf32, #tpu.memory_space<vmem>>)
      %eq3A_258 = vector.broadcast %while3A_193 : i32 to vector<16xi32>
      %eq3A_259 = arith.cmpi eq, %iota3A, %eq3A_258 : vector<16xi32>
      %jit3A_260 = arith.constant 0 : i32
      %broadcast_in_dim3A_261 = vector.broadcast %jit3A_260 : i32 to vector<16xi32>
      %select_n3A_262 = arith.select %eq3A_259, %select_n3A_142, %broadcast_in_dim3A_261 : vector<16xi1>, vector<16xi32>
      %reduce_sum3A_263 = arith.constant true
      %reduce_sum3A_264 = vector.broadcast %reduce_sum3A_263 : i1 to vector<16xi1>
      %reduce_sum3A_265 = tpu.scan <sum>, %select_n3A_262 masked %reduce_sum3A_264 : vector<16xi32>, vector<16xi1> -> vector<16xi32>
      %reduce_sum3A_266 = vector.extract %reduce_sum3A_265[15] : i32 from vector<16xi32>
      %sub3A_267 = arith.constant 1 : i32
      %sub3A_268 = arith.subi %reduce_sum3A_266, %sub3A_267 : i32
      %eq3A_269 = arith.cmpi eq, %while3A_194, %sub3A_268 : i32
      %not3A = arith.constant true
      %not3A_270 = arith.xori %eq3A_269, %not3A : i1
      %convert_element_type3A_271 = arith.extui %not3A_270 : i1 to i32
      %cond3A_272 = arith.constant 0 : i32
      %cond3A_273 = arith.cmpi ne, %convert_element_type3A_271, %cond3A_272 : i32
      scf.if %cond3A_273 {
        %scan3A_280 = arith.constant 0 : i32
        %scan3A_281 = arith.constant 0 : i32
        %scan3A_282 = arith.constant 32 : i32
        %scan3A_283 = arith.addi %scan3A_281, %scan3A_282 : i32
        %scan3A_284 = arith.constant 1 : i32
        %scan3A_285 = scf.for %scan3A_287 = %scan3A_281 to %scan3A_283 step %scan3A_284 iter_args(%scan3A_288 = %scan3A_280) -> (i32)  : i32 {
          %mul3A_289 = arith.constant 16 : i32
          %mul3A_290 = arith.muli %scan3A_287, %mul3A_289 : i32
          %get3A_291 = arith.index_cast %while3A_193 : i32 to index
          %get3A_292 = arith.index_cast %mul3A_290 : i32 to index
          %get3A_293 = tpu.vector_load %arg7[%get3A_291, %get3A_292] {strides = array<i32>} : memref<16x512xf32, #tpu.memory_space<vmem>>, vector<16xf32>,
          %get3A_294 = arith.constant 0 : i32
          %get3A_295 = arith.index_cast %and3A_202 : i32 to index
          %get3A_296 = arith.index_cast %get3A_294 : i32 to index
          %get3A_297 = arith.index_cast %mul3A_290 : i32 to index
          %get3A_298 = tpu.vector_load %arg6[%get3A_295, %get3A_296, %get3A_297] {strides = array<i32>} : memref<4x32x512xf32, #tpu.memory_space<vmem>>, vector<16xf32>,
          %add3A_299 = arith.addf %get3A_293, %get3A_298 : vector<16xf32>
          %get3A_300 = arith.constant 1 : i32
          %get3A_301 = arith.index_cast %and3A_202 : i32 to index
          %get3A_302 = arith.index_cast %get3A_300 : i32 to index
          %get3A_303 = arith.index_cast %mul3A_290 : i32 to index
          %get3A_304 = tpu.vector_load %arg6[%get3A_301, %get3A_302, %get3A_303] {strides = array<i32>} : memref<4x32x512xf32, #tpu.memory_space<vmem>>, vector<16xf32>,
          %add3A_305 = arith.addf %add3A_299, %get3A_304 : vector<16xf32>
          %get3A_306 = arith.constant 2 : i32
          %get3A_307 = arith.index_cast %and3A_202 : i32 to index
          %get3A_308 = arith.index_cast %get3A_306 : i32 to index
          %get3A_309 = arith.index_cast %mul3A_290 : i32 to index
          %get3A_310 = tpu.vector_load %arg6[%get3A_307, %get3A_308, %get3A_309] {strides = array<i32>} : memref<4x32x512xf32, #tpu.memory_space<vmem>>, vector<16xf32>,
          %add3A_311 = arith.addf %add3A_305, %get3A_310 : vector<16xf32>
          %get3A_312 = arith.constant 3 : i32
          %get3A_313 = arith.index_cast %and3A_202 : i32 to index
          %get3A_314 = arith.index_cast %get3A_312 : i32 to index
          %get3A_315 = arith.index_cast %mul3A_290 : i32 to index
          %get3A_316 = tpu.vector_load %arg6[%get3A_313, %get3A_314, %get3A_315] {strides = array<i32>} : memref<4x32x512xf32, #tpu.memory_space<vmem>>, vector<16xf32>,
          %add3A_317 = arith.addf %add3A_311, %get3A_316 : vector<16xf32>
          %get3A_318 = arith.constant 4 : i32
          %get3A_319 = arith.index_cast %and3A_202 : i32 to index
          %get3A_320 = arith.index_cast %get3A_318 : i32 to index
          %get3A_321 = arith.index_cast %mul3A_290 : i32 to index
          %get3A_322 = tpu.vector_load %arg6[%get3A_319, %get3A_320, %get3A_321] {strides = array<i32>} : memref<4x32x512xf32, #tpu.memory_space<vmem>>, vector<16xf32>,
          %add3A_323 = arith.addf %add3A_317, %get3A_322 : vector<16xf32>
          %get3A_324 = arith.constant 5 : i32
          %get3A_325 = arith.index_cast %and3A_202 : i32 to index
          %get3A_326 = arith.index_cast %get3A_324 : i32 to index
          %get3A_327 = arith.index_cast %mul3A_290 : i32 to index
          %get3A_328 = tpu.vector_load %arg6[%get3A_325, %get3A_326, %get3A_327] {strides = array<i32>} : memref<4x32x512xf32, #tpu.memory_space<vmem>>, vector<16xf32>,
          %add3A_329 = arith.addf %add3A_323, %get3A_328 : vector<16xf32>
          %get3A_330 = arith.constant 6 : i32
          %get3A_331 = arith.index_cast %and3A_202 : i32 to index
          %get3A_332 = arith.index_cast %get3A_330 : i32 to index
          %get3A_333 = arith.index_cast %mul3A_290 : i32 to index
          %get3A_334 = tpu.vector_load %arg6[%get3A_331, %get3A_332, %get3A_333] {strides = array<i32>} : memref<4x32x512xf32, #tpu.memory_space<vmem>>, vector<16xf32>,
          %add3A_335 = arith.addf %add3A_329, %get3A_334 : vector<16xf32>
          %get3A_336 = arith.constant 7 : i32
          %get3A_337 = arith.index_cast %and3A_202 : i32 to index
          %get3A_338 = arith.index_cast %get3A_336 : i32 to index
          %get3A_339 = arith.index_cast %mul3A_290 : i32 to index
          %get3A_340 = tpu.vector_load %arg6[%get3A_337, %get3A_338, %get3A_339] {strides = array<i32>} : memref<4x32x512xf32, #tpu.memory_space<vmem>>, vector<16xf32>,
          %add3A_341 = arith.addf %add3A_335, %get3A_340 : vector<16xf32>
          %get3A_342 = arith.constant 8 : i32
          %get3A_343 = arith.index_cast %and3A_202 : i32 to index
          %get3A_344 = arith.index_cast %get3A_342 : i32 to index
          %get3A_345 = arith.index_cast %mul3A_290 : i32 to index
          %get3A_346 = tpu.vector_load %arg6[%get3A_343, %get3A_344, %get3A_345] {strides = array<i32>} : memref<4x32x512xf32, #tpu.memory_space<vmem>>, vector<16xf32>,
          %add3A_347 = arith.addf %add3A_341, %get3A_346 : vector<16xf32>
          %get3A_348 = arith.constant 9 : i32
          %get3A_349 = arith.index_cast %and3A_202 : i32 to index
          %get3A_350 = arith.index_cast %get3A_348 : i32 to index
          %get3A_351 = arith.index_cast %mul3A_290 : i32 to index
          %get3A_352 = tpu.vector_load %arg6[%get3A_349, %get3A_350, %get3A_351] {strides = array<i32>} : memref<4x32x512xf32, #tpu.memory_space<vmem>>, vector<16xf32>,
          %add3A_353 = arith.addf %add3A_347, %get3A_352 : vector<16xf32>
          %get3A_354 = arith.constant 10 : i32
          %get3A_355 = arith.index_cast %and3A_202 : i32 to index
          %get3A_356 = arith.index_cast %get3A_354 : i32 to index
          %get3A_357 = arith.index_cast %mul3A_290 : i32 to index
          %get3A_358 = tpu.vector_load %arg6[%get3A_355, %get3A_356, %get3A_357] {strides = array<i32>} : memref<4x32x512xf32, #tpu.memory_space<vmem>>, vector<16xf32>,
          %add3A_359 = arith.addf %add3A_353, %get3A_358 : vector<16xf32>
          %get3A_360 = arith.constant 11 : i32
          %get3A_361 = arith.index_cast %and3A_202 : i32 to index
          %get3A_362 = arith.index_cast %get3A_360 : i32 to index
          %get3A_363 = arith.index_cast %mul3A_290 : i32 to index
          %get3A_364 = tpu.vector_load %arg6[%get3A_361, %get3A_362, %get3A_363] {strides = array<i32>} : memref<4x32x512xf32, #tpu.memory_space<vmem>>, vector<16xf32>,
          %add3A_365 = arith.addf %add3A_359, %get3A_364 : vector<16xf32>
          %get3A_366 = arith.constant 12 : i32
          %get3A_367 = arith.index_cast %and3A_202 : i32 to index
          %get3A_368 = arith.index_cast %get3A_366 : i32 to index
          %get3A_369 = arith.index_cast %mul3A_290 : i32 to index
          %get3A_370 = tpu.vector_load %arg6[%get3A_367, %get3A_368, %get3A_369] {strides = array<i32>} : memref<4x32x512xf32, #tpu.memory_space<vmem>>, vector<16xf32>,
          %add3A_371 = arith.addf %add3A_365, %get3A_370 : vector<16xf32>
          %get3A_372 = arith.constant 13 : i32
          %get3A_373 = arith.index_cast %and3A_202 : i32 to index
          %get3A_374 = arith.index_cast %get3A_372 : i32 to index
          %get3A_375 = arith.index_cast %mul3A_290 : i32 to index
          %get3A_376 = tpu.vector_load %arg6[%get3A_373, %get3A_374, %get3A_375] {strides = array<i32>} : memref<4x32x512xf32, #tpu.memory_space<vmem>>, vector<16xf32>,
          %add3A_377 = arith.addf %add3A_371, %get3A_376 : vector<16xf32>
          %get3A_378 = arith.constant 14 : i32
          %get3A_379 = arith.index_cast %and3A_202 : i32 to index
          %get3A_380 = arith.index_cast %get3A_378 : i32 to index
          %get3A_381 = arith.index_cast %mul3A_290 : i32 to index
          %get3A_382 = tpu.vector_load %arg6[%get3A_379, %get3A_380, %get3A_381] {strides = array<i32>} : memref<4x32x512xf32, #tpu.memory_space<vmem>>, vector<16xf32>,
          %add3A_383 = arith.addf %add3A_377, %get3A_382 : vector<16xf32>
          %get3A_384 = arith.constant 15 : i32
          %get3A_385 = arith.index_cast %and3A_202 : i32 to index
          %get3A_386 = arith.index_cast %get3A_384 : i32 to index
          %get3A_387 = arith.index_cast %mul3A_290 : i32 to index
          %get3A_388 = tpu.vector_load %arg6[%get3A_385, %get3A_386, %get3A_387] {strides = array<i32>} : memref<4x32x512xf32, #tpu.memory_space<vmem>>, vector<16xf32>,
          %add3A_389 = arith.addf %add3A_383, %get3A_388 : vector<16xf32>
          %get3A_390 = arith.constant 16 : i32
          %get3A_391 = arith.index_cast %and3A_202 : i32 to index
          %get3A_392 = arith.index_cast %get3A_390 : i32 to index
          %get3A_393 = arith.index_cast %mul3A_290 : i32 to index
          %get3A_394 = tpu.vector_load %arg6[%get3A_391, %get3A_392, %get3A_393] {strides = array<i32>} : memref<4x32x512xf32, #tpu.memory_space<vmem>>, vector<16xf32>,
          %add3A_395 = arith.addf %add3A_389, %get3A_394 : vector<16xf32>
          %get3A_396 = arith.constant 17 : i32
          %get3A_397 = arith.index_cast %and3A_202 : i32 to index
          %get3A_398 = arith.index_cast %get3A_396 : i32 to index
          %get3A_399 = arith.index_cast %mul3A_290 : i32 to index
          %get3A_400 = tpu.vector_load %arg6[%get3A_397, %get3A_398, %get3A_399] {strides = array<i32>} : memref<4x32x512xf32, #tpu.memory_space<vmem>>, vector<16xf32>,
          %add3A_401 = arith.addf %add3A_395, %get3A_400 : vector<16xf32>
          %get3A_402 = arith.constant 18 : i32
          %get3A_403 = arith.index_cast %and3A_202 : i32 to index
          %get3A_404 = arith.index_cast %get3A_402 : i32 to index
          %get3A_405 = arith.index_cast %mul3A_290 : i32 to index
          %get3A_406 = tpu.vector_load %arg6[%get3A_403, %get3A_404, %get3A_405] {strides = array<i32>} : memref<4x32x512xf32, #tpu.memory_space<vmem>>, vector<16xf32>,
          %add3A_407 = arith.addf %add3A_401, %get3A_406 : vector<16xf32>
          %get3A_408 = arith.constant 19 : i32
          %get3A_409 = arith.index_cast %and3A_202 : i32 to index
          %get3A_410 = arith.index_cast %get3A_408 : i32 to index
          %get3A_411 = arith.index_cast %mul3A_290 : i32 to index
          %get3A_412 = tpu.vector_load %arg6[%get3A_409, %get3A_410, %get3A_411] {strides = array<i32>} : memref<4x32x512xf32, #tpu.memory_space<vmem>>, vector<16xf32>,
          %add3A_413 = arith.addf %add3A_407, %get3A_412 : vector<16xf32>
          %get3A_414 = arith.constant 20 : i32
          %get3A_415 = arith.index_cast %and3A_202 : i32 to index
          %get3A_416 = arith.index_cast %get3A_414 : i32 to index
          %get3A_417 = arith.index_cast %mul3A_290 : i32 to index
          %get3A_418 = tpu.vector_load %arg6[%get3A_415, %get3A_416, %get3A_417] {strides = array<i32>} : memref<4x32x512xf32, #tpu.memory_space<vmem>>, vector<16xf32>,
          %add3A_419 = arith.addf %add3A_413, %get3A_418 : vector<16xf32>
          %get3A_420 = arith.constant 21 : i32
          %get3A_421 = arith.index_cast %and3A_202 : i32 to index
          %get3A_422 = arith.index_cast %get3A_420 : i32 to index
          %get3A_423 = arith.index_cast %mul3A_290 : i32 to index
          %get3A_424 = tpu.vector_load %arg6[%get3A_421, %get3A_422, %get3A_423] {strides = array<i32>} : memref<4x32x512xf32, #tpu.memory_space<vmem>>, vector<16xf32>,
          %add3A_425 = arith.addf %add3A_419, %get3A_424 : vector<16xf32>
          %get3A_426 = arith.constant 22 : i32
          %get3A_427 = arith.index_cast %and3A_202 : i32 to index
          %get3A_428 = arith.index_cast %get3A_426 : i32 to index
          %get3A_429 = arith.index_cast %mul3A_290 : i32 to index
          %get3A_430 = tpu.vector_load %arg6[%get3A_427, %get3A_428, %get3A_429] {strides = array<i32>} : memref<4x32x512xf32, #tpu.memory_space<vmem>>, vector<16xf32>,
          %add3A_431 = arith.addf %add3A_425, %get3A_430 : vector<16xf32>
          %get3A_432 = arith.constant 23 : i32
          %get3A_433 = arith.index_cast %and3A_202 : i32 to index
          %get3A_434 = arith.index_cast %get3A_432 : i32 to index
          %get3A_435 = arith.index_cast %mul3A_290 : i32 to index
          %get3A_436 = tpu.vector_load %arg6[%get3A_433, %get3A_434, %get3A_435] {strides = array<i32>} : memref<4x32x512xf32, #tpu.memory_space<vmem>>, vector<16xf32>,
          %add3A_437 = arith.addf %add3A_431, %get3A_436 : vector<16xf32>
          %get3A_438 = arith.constant 24 : i32
          %get3A_439 = arith.index_cast %and3A_202 : i32 to index
          %get3A_440 = arith.index_cast %get3A_438 : i32 to index
          %get3A_441 = arith.index_cast %mul3A_290 : i32 to index
          %get3A_442 = tpu.vector_load %arg6[%get3A_439, %get3A_440, %get3A_441] {strides = array<i32>} : memref<4x32x512xf32, #tpu.memory_space<vmem>>, vector<16xf32>,
          %add3A_443 = arith.addf %add3A_437, %get3A_442 : vector<16xf32>
          %get3A_444 = arith.constant 25 : i32
          %get3A_445 = arith.index_cast %and3A_202 : i32 to index
          %get3A_446 = arith.index_cast %get3A_444 : i32 to index
          %get3A_447 = arith.index_cast %mul3A_290 : i32 to index
          %get3A_448 = tpu.vector_load %arg6[%get3A_445, %get3A_446, %get3A_447] {strides = array<i32>} : memref<4x32x512xf32, #tpu.memory_space<vmem>>, vector<16xf32>,
          %add3A_449 = arith.addf %add3A_443, %get3A_448 : vector<16xf32>
          %get3A_450 = arith.constant 26 : i32
          %get3A_451 = arith.index_cast %and3A_202 : i32 to index
          %get3A_452 = arith.index_cast %get3A_450 : i32 to index
          %get3A_453 = arith.index_cast %mul3A_290 : i32 to index
          %get3A_454 = tpu.vector_load %arg6[%get3A_451, %get3A_452, %get3A_453] {strides = array<i32>} : memref<4x32x512xf32, #tpu.memory_space<vmem>>, vector<16xf32>,
          %add3A_455 = arith.addf %add3A_449, %get3A_454 : vector<16xf32>
          %get3A_456 = arith.constant 27 : i32
          %get3A_457 = arith.index_cast %and3A_202 : i32 to index
          %get3A_458 = arith.index_cast %get3A_456 : i32 to index
          %get3A_459 = arith.index_cast %mul3A_290 : i32 to index
          %get3A_460 = tpu.vector_load %arg6[%get3A_457, %get3A_458, %get3A_459] {strides = array<i32>} : memref<4x32x512xf32, #tpu.memory_space<vmem>>, vector<16xf32>,
          %add3A_461 = arith.addf %add3A_455, %get3A_460 : vector<16xf32>
          %get3A_462 = arith.constant 28 : i32
          %get3A_463 = arith.index_cast %and3A_202 : i32 to index
          %get3A_464 = arith.index_cast %get3A_462 : i32 to index
          %get3A_465 = arith.index_cast %mul3A_290 : i32 to index
          %get3A_466 = tpu.vector_load %arg6[%get3A_463, %get3A_464, %get3A_465] {strides = array<i32>} : memref<4x32x512xf32, #tpu.memory_space<vmem>>, vector<16xf32>,
          %add3A_467 = arith.addf %add3A_461, %get3A_466 : vector<16xf32>
          %get3A_468 = arith.constant 29 : i32
          %get3A_469 = arith.index_cast %and3A_202 : i32 to index
          %get3A_470 = arith.index_cast %get3A_468 : i32 to index
          %get3A_471 = arith.index_cast %mul3A_290 : i32 to index
          %get3A_472 = tpu.vector_load %arg6[%get3A_469, %get3A_470, %get3A_471] {strides = array<i32>} : memref<4x32x512xf32, #tpu.memory_space<vmem>>, vector<16xf32>,
          %add3A_473 = arith.addf %add3A_467, %get3A_472 : vector<16xf32>
          %get3A_474 = arith.constant 30 : i32
          %get3A_475 = arith.index_cast %and3A_202 : i32 to index
          %get3A_476 = arith.index_cast %get3A_474 : i32 to index
          %get3A_477 = arith.index_cast %mul3A_290 : i32 to index
          %get3A_478 = tpu.vector_load %arg6[%get3A_475, %get3A_476, %get3A_477] {strides = array<i32>} : memref<4x32x512xf32, #tpu.memory_space<vmem>>, vector<16xf32>,
          %add3A_479 = arith.addf %add3A_473, %get3A_478 : vector<16xf32>
          %get3A_480 = arith.constant 31 : i32
          %get3A_481 = arith.index_cast %and3A_202 : i32 to index
          %get3A_482 = arith.index_cast %get3A_480 : i32 to index
          %get3A_483 = arith.index_cast %mul3A_290 : i32 to index
          %get3A_484 = tpu.vector_load %arg6[%get3A_481, %get3A_482, %get3A_483] {strides = array<i32>} : memref<4x32x512xf32, #tpu.memory_space<vmem>>, vector<16xf32>,
          %add3A_485 = arith.addf %add3A_479, %get3A_484 : vector<16xf32>
          %swap3A = arith.index_cast %while3A_193 : i32 to index
          %swap3A_486 = arith.index_cast %mul3A_290 : i32 to index
          %swap3A_487 = tpu.vector_load %arg7[%swap3A, %swap3A_486] {strides = array<i32>} : memref<16x512xf32, #tpu.memory_space<vmem>>, vector<16xf32>,
          tpu.vector_store %arg7[%swap3A, %swap3A_486], %add3A_485 {strides = array<i32>} : memref<16x512xf32, #tpu.memory_space<vmem>>, vector<16xf32>,
          %scan3A_488 = arith.constant 0 : i32
          scf.yield %scan3A_488 : i32
        }
        %scan3A_286 = arith.constant 32 : i32
      } else {
      }
      %convert_element_type3A_274 = arith.extui %eq3A_269 : i1 to i32
      %cond3A_275 = arith.constant 0 : i32
      %cond3A_276 = arith.cmpi ne, %convert_element_type3A_274, %cond3A_275 : i32
      scf.if %cond3A_276 {
        %eq3A_280 = vector.broadcast %while3A_193 : i32 to vector<16xi32>
        %eq3A_281 = arith.cmpi eq, %iota3A, %eq3A_280 : vector<16xi32>
        %jit3A_282 = arith.constant 0 : i32
        %broadcast_in_dim3A_283 = vector.broadcast %jit3A_282 : i32 to vector<16xi32>
        %select_n3A_284 = arith.select %eq3A_281, %mul3A_67, %broadcast_in_dim3A_283 : vector<16xi1>, vector<16xi32>
        %reduce_sum3A_285 = arith.constant true
        %reduce_sum3A_286 = vector.broadcast %reduce_sum3A_285 : i1 to vector<16xi1>
        %reduce_sum3A_287 = tpu.scan <sum>, %select_n3A_284 masked %reduce_sum3A_286 : vector<16xi32>, vector<16xi1> -> vector<16xi32>
        %reduce_sum3A_288 = vector.extract %reduce_sum3A_287[15] : i32 from vector<16xi32>
        %eq3A_289 = vector.broadcast %while3A_193 : i32 to vector<16xi32>
        %eq3A_290 = arith.cmpi eq, %iota3A, %eq3A_289 : vector<16xi32>
        %jit3A_291 = arith.constant 0 : i32
        %broadcast_in_dim3A_292 = vector.broadcast %jit3A_291 : i32 to vector<16xi32>
        %select_n3A_293 = arith.select %eq3A_290, %mul3A_104, %broadcast_in_dim3A_292 : vector<16xi1>, vector<16xi32>
        %reduce_sum3A_294 = arith.constant true
        %reduce_sum3A_295 = vector.broadcast %reduce_sum3A_294 : i1 to vector<16xi1>
        %reduce_sum3A_296 = tpu.scan <sum>, %select_n3A_293 masked %reduce_sum3A_295 : vector<16xi32>, vector<16xi1> -> vector<16xi32>
        %reduce_sum3A_297 = vector.extract %reduce_sum3A_296[15] : i32 from vector<16xi32>
        %eq3A_298 = vector.broadcast %while3A_193 : i32 to vector<16xi32>
        %eq3A_299 = arith.cmpi eq, %iota3A, %eq3A_298 : vector<16xi32>
        %jit3A_300 = arith.constant 0 : i32
        %broadcast_in_dim3A_301 = vector.broadcast %jit3A_300 : i32 to vector<16xi32>
        %select_n3A_302 = arith.select %eq3A_299, %select_n3A_142, %broadcast_in_dim3A_301 : vector<16xi1>, vector<16xi32>
        %reduce_sum3A_303 = arith.constant true
        %reduce_sum3A_304 = vector.broadcast %reduce_sum3A_303 : i1 to vector<16xi1>
        %reduce_sum3A_305 = tpu.scan <sum>, %select_n3A_302 masked %reduce_sum3A_304 : vector<16xi32>, vector<16xi1> -> vector<16xi32>
        %reduce_sum3A_306 = vector.extract %reduce_sum3A_305[15] : i32 from vector<16xi32>
        %sub3A_307 = arith.constant 1 : i32
        %sub3A_308 = arith.subi %reduce_sum3A_306, %sub3A_307 : i32
        %eq3A_309 = arith.cmpi eq, %while3A_194, %sub3A_308 : i32
        %sub3A_310 = arith.constant 32 : i32
        %sub3A_311 = arith.subi %reduce_sum3A_297, %sub3A_310 : i32
        %max3A_312 = arith.constant 0 : i32
        %max3A_313 = arith.maxsi %sub3A_311, %max3A_312 : i32
        %mul3A_314 = arith.constant 32 : i32
        %mul3A_315 = arith.muli %while3A_194, %mul3A_314 : i32
        %add3A_316 = arith.addi %reduce_sum3A_288, %mul3A_315 : i32
        %select_n3A_317 = arith.select %eq3A_309, %max3A_313, %add3A_316 : i32
        %multiple_of3A_318 = tpu.assume_multiple %select_n3A_317, 8 : i32
        %eq3A_319 = vector.broadcast %while3A_193 : i32 to vector<16xi32>
        %eq3A_320 = arith.cmpi eq, %iota3A, %eq3A_319 : vector<16xi32>
        %jit3A_321 = arith.constant 0 : i32
        %broadcast_in_dim3A_322 = vector.broadcast %jit3A_321 : i32 to vector<16xi32>
        %select_n3A_323 = arith.select %eq3A_320, %mul3A_67, %broadcast_in_dim3A_322 : vector<16xi1>, vector<16xi32>
        %reduce_sum3A_324 = arith.constant true
        %reduce_sum3A_325 = vector.broadcast %reduce_sum3A_324 : i1 to vector<16xi1>
        %reduce_sum3A_326 = tpu.scan <sum>, %select_n3A_323 masked %reduce_sum3A_325 : vector<16xi32>, vector<16xi1> -> vector<16xi32>
        %reduce_sum3A_327 = vector.extract %reduce_sum3A_326[15] : i32 from vector<16xi32>
        %mul3A_328 = arith.constant 32 : i32
        %mul3A_329 = arith.muli %while3A_194, %mul3A_328 : i32
        %add3A_330 = arith.addi %reduce_sum3A_327, %mul3A_329 : i32
        %eq3A_331 = vector.broadcast %while3A_193 : i32 to vector<16xi32>
        %eq3A_332 = arith.cmpi eq, %iota3A, %eq3A_331 : vector<16xi32>
        %jit3A_333 = arith.constant 0 : i32
        %broadcast_in_dim3A_334 = vector.broadcast %jit3A_333 : i32 to vector<16xi32>
        %select_n3A_335 = arith.select %eq3A_332, %mul3A_104, %broadcast_in_dim3A_334 : vector<16xi1>, vector<16xi32>
        %reduce_sum3A_336 = arith.constant true
        %reduce_sum3A_337 = vector.broadcast %reduce_sum3A_336 : i1 to vector<16xi1>
        %reduce_sum3A_338 = tpu.scan <sum>, %select_n3A_335 masked %reduce_sum3A_337 : vector<16xi32>, vector<16xi1> -> vector<16xi32>
        %reduce_sum3A_339 = vector.extract %reduce_sum3A_338[15] : i32 from vector<16xi32>
        %add3A_340 = arith.constant 0 : i32
        %add3A_341 = arith.addi %multiple_of3A_318, %add3A_340 : i32
        %ge3A = arith.cmpi sge, %add3A_341, %add3A_330 : i32
        %add3A_342 = arith.constant 0 : i32
        %add3A_343 = arith.addi %multiple_of3A_318, %add3A_342 : i32
        %lt3A_344 = arith.cmpi slt, %add3A_343, %reduce_sum3A_339 : i32
        %and3A_345 = arith.andi %ge3A, %lt3A_344 : i1
        %jit3A_346 = arith.constant 1.000000e+00 : f32
        %jit3A_347 = arith.constant 0.000000e+00 : f32
        %select_n3A_348 = arith.select %and3A_345, %jit3A_346, %jit3A_347 : f32
        %add3A_349 = arith.constant 1 : i32
        %add3A_350 = arith.addi %multiple_of3A_318, %add3A_349 : i32
        %ge3A_351 = arith.cmpi sge, %add3A_350, %add3A_330 : i32
        %add3A_352 = arith.constant 1 : i32
        %add3A_353 = arith.addi %multiple_of3A_318, %add3A_352 : i32
        %lt3A_354 = arith.cmpi slt, %add3A_353, %reduce_sum3A_339 : i32
        %and3A_355 = arith.andi %ge3A_351, %lt3A_354 : i1
        %jit3A_356 = arith.constant 1.000000e+00 : f32
        %jit3A_357 = arith.constant 0.000000e+00 : f32
        %select_n3A_358 = arith.select %and3A_355, %jit3A_356, %jit3A_357 : f32
        %add3A_359 = arith.constant 2 : i32
        %add3A_360 = arith.addi %multiple_of3A_318, %add3A_359 : i32
        %ge3A_361 = arith.cmpi sge, %add3A_360, %add3A_330 : i32
        %add3A_362 = arith.constant 2 : i32
        %add3A_363 = arith.addi %multiple_of3A_318, %add3A_362 : i32
        %lt3A_364 = arith.cmpi slt, %add3A_363, %reduce_sum3A_339 : i32
        %and3A_365 = arith.andi %ge3A_361, %lt3A_364 : i1
        %jit3A_366 = arith.constant 1.000000e+00 : f32
        %jit3A_367 = arith.constant 0.000000e+00 : f32
        %select_n3A_368 = arith.select %and3A_365, %jit3A_366, %jit3A_367 : f32
        %add3A_369 = arith.constant 3 : i32
        %add3A_370 = arith.addi %multiple_of3A_318, %add3A_369 : i32
        %ge3A_371 = arith.cmpi sge, %add3A_370, %add3A_330 : i32
        %add3A_372 = arith.constant 3 : i32
        %add3A_373 = arith.addi %multiple_of3A_318, %add3A_372 : i32
        %lt3A_374 = arith.cmpi slt, %add3A_373, %reduce_sum3A_339 : i32
        %and3A_375 = arith.andi %ge3A_371, %lt3A_374 : i1
        %jit3A_376 = arith.constant 1.000000e+00 : f32
        %jit3A_377 = arith.constant 0.000000e+00 : f32
        %select_n3A_378 = arith.select %and3A_375, %jit3A_376, %jit3A_377 : f32
        %add3A_379 = arith.constant 4 : i32
        %add3A_380 = arith.addi %multiple_of3A_318, %add3A_379 : i32
        %ge3A_381 = arith.cmpi sge, %add3A_380, %add3A_330 : i32
        %add3A_382 = arith.constant 4 : i32
        %add3A_383 = arith.addi %multiple_of3A_318, %add3A_382 : i32
        %lt3A_384 = arith.cmpi slt, %add3A_383, %reduce_sum3A_339 : i32
        %and3A_385 = arith.andi %ge3A_381, %lt3A_384 : i1
        %jit3A_386 = arith.constant 1.000000e+00 : f32
        %jit3A_387 = arith.constant 0.000000e+00 : f32
        %select_n3A_388 = arith.select %and3A_385, %jit3A_386, %jit3A_387 : f32
        %add3A_389 = arith.constant 5 : i32
        %add3A_390 = arith.addi %multiple_of3A_318, %add3A_389 : i32
        %ge3A_391 = arith.cmpi sge, %add3A_390, %add3A_330 : i32
        %add3A_392 = arith.constant 5 : i32
        %add3A_393 = arith.addi %multiple_of3A_318, %add3A_392 : i32
        %lt3A_394 = arith.cmpi slt, %add3A_393, %reduce_sum3A_339 : i32
        %and3A_395 = arith.andi %ge3A_391, %lt3A_394 : i1
        %jit3A_396 = arith.constant 1.000000e+00 : f32
        %jit3A_397 = arith.constant 0.000000e+00 : f32
        %select_n3A_398 = arith.select %and3A_395, %jit3A_396, %jit3A_397 : f32
        %add3A_399 = arith.constant 6 : i32
        %add3A_400 = arith.addi %multiple_of3A_318, %add3A_399 : i32
        %ge3A_401 = arith.cmpi sge, %add3A_400, %add3A_330 : i32
        %add3A_402 = arith.constant 6 : i32
        %add3A_403 = arith.addi %multiple_of3A_318, %add3A_402 : i32
        %lt3A_404 = arith.cmpi slt, %add3A_403, %reduce_sum3A_339 : i32
        %and3A_405 = arith.andi %ge3A_401, %lt3A_404 : i1
        %jit3A_406 = arith.constant 1.000000e+00 : f32
        %jit3A_407 = arith.constant 0.000000e+00 : f32
        %select_n3A_408 = arith.select %and3A_405, %jit3A_406, %jit3A_407 : f32
        %add3A_409 = arith.constant 7 : i32
        %add3A_410 = arith.addi %multiple_of3A_318, %add3A_409 : i32
        %ge3A_411 = arith.cmpi sge, %add3A_410, %add3A_330 : i32
        %add3A_412 = arith.constant 7 : i32
        %add3A_413 = arith.addi %multiple_of3A_318, %add3A_412 : i32
        %lt3A_414 = arith.cmpi slt, %add3A_413, %reduce_sum3A_339 : i32
        %and3A_415 = arith.andi %ge3A_411, %lt3A_414 : i1
        %jit3A_416 = arith.constant 1.000000e+00 : f32
        %jit3A_417 = arith.constant 0.000000e+00 : f32
        %select_n3A_418 = arith.select %and3A_415, %jit3A_416, %jit3A_417 : f32
        %add3A_419 = arith.constant 8 : i32
        %add3A_420 = arith.addi %multiple_of3A_318, %add3A_419 : i32
        %ge3A_421 = arith.cmpi sge, %add3A_420, %add3A_330 : i32
        %add3A_422 = arith.constant 8 : i32
        %add3A_423 = arith.addi %multiple_of3A_318, %add3A_422 : i32
        %lt3A_424 = arith.cmpi slt, %add3A_423, %reduce_sum3A_339 : i32
        %and3A_425 = arith.andi %ge3A_421, %lt3A_424 : i1
        %jit3A_426 = arith.constant 1.000000e+00 : f32
        %jit3A_427 = arith.constant 0.000000e+00 : f32
        %select_n3A_428 = arith.select %and3A_425, %jit3A_426, %jit3A_427 : f32
        %add3A_429 = arith.constant 9 : i32
        %add3A_430 = arith.addi %multiple_of3A_318, %add3A_429 : i32
        %ge3A_431 = arith.cmpi sge, %add3A_430, %add3A_330 : i32
        %add3A_432 = arith.constant 9 : i32
        %add3A_433 = arith.addi %multiple_of3A_318, %add3A_432 : i32
        %lt3A_434 = arith.cmpi slt, %add3A_433, %reduce_sum3A_339 : i32
        %and3A_435 = arith.andi %ge3A_431, %lt3A_434 : i1
        %jit3A_436 = arith.constant 1.000000e+00 : f32
        %jit3A_437 = arith.constant 0.000000e+00 : f32
        %select_n3A_438 = arith.select %and3A_435, %jit3A_436, %jit3A_437 : f32
        %add3A_439 = arith.constant 10 : i32
        %add3A_440 = arith.addi %multiple_of3A_318, %add3A_439 : i32
        %ge3A_441 = arith.cmpi sge, %add3A_440, %add3A_330 : i32
        %add3A_442 = arith.constant 10 : i32
        %add3A_443 = arith.addi %multiple_of3A_318, %add3A_442 : i32
        %lt3A_444 = arith.cmpi slt, %add3A_443, %reduce_sum3A_339 : i32
        %and3A_445 = arith.andi %ge3A_441, %lt3A_444 : i1
        %jit3A_446 = arith.constant 1.000000e+00 : f32
        %jit3A_447 = arith.constant 0.000000e+00 : f32
        %select_n3A_448 = arith.select %and3A_445, %jit3A_446, %jit3A_447 : f32
        %add3A_449 = arith.constant 11 : i32
        %add3A_450 = arith.addi %multiple_of3A_318, %add3A_449 : i32
        %ge3A_451 = arith.cmpi sge, %add3A_450, %add3A_330 : i32
        %add3A_452 = arith.constant 11 : i32
        %add3A_453 = arith.addi %multiple_of3A_318, %add3A_452 : i32
        %lt3A_454 = arith.cmpi slt, %add3A_453, %reduce_sum3A_339 : i32
        %and3A_455 = arith.andi %ge3A_451, %lt3A_454 : i1
        %jit3A_456 = arith.constant 1.000000e+00 : f32
        %jit3A_457 = arith.constant 0.000000e+00 : f32
        %select_n3A_458 = arith.select %and3A_455, %jit3A_456, %jit3A_457 : f32
        %add3A_459 = arith.constant 12 : i32
        %add3A_460 = arith.addi %multiple_of3A_318, %add3A_459 : i32
        %ge3A_461 = arith.cmpi sge, %add3A_460, %add3A_330 : i32
        %add3A_462 = arith.constant 12 : i32
        %add3A_463 = arith.addi %multiple_of3A_318, %add3A_462 : i32
        %lt3A_464 = arith.cmpi slt, %add3A_463, %reduce_sum3A_339 : i32
        %and3A_465 = arith.andi %ge3A_461, %lt3A_464 : i1
        %jit3A_466 = arith.constant 1.000000e+00 : f32
        %jit3A_467 = arith.constant 0.000000e+00 : f32
        %select_n3A_468 = arith.select %and3A_465, %jit3A_466, %jit3A_467 : f32
        %add3A_469 = arith.constant 13 : i32
        %add3A_470 = arith.addi %multiple_of3A_318, %add3A_469 : i32
        %ge3A_471 = arith.cmpi sge, %add3A_470, %add3A_330 : i32
        %add3A_472 = arith.constant 13 : i32
        %add3A_473 = arith.addi %multiple_of3A_318, %add3A_472 : i32
        %lt3A_474 = arith.cmpi slt, %add3A_473, %reduce_sum3A_339 : i32
        %and3A_475 = arith.andi %ge3A_471, %lt3A_474 : i1
        %jit3A_476 = arith.constant 1.000000e+00 : f32
        %jit3A_477 = arith.constant 0.000000e+00 : f32
        %select_n3A_478 = arith.select %and3A_475, %jit3A_476, %jit3A_477 : f32
        %add3A_479 = arith.constant 14 : i32
        %add3A_480 = arith.addi %multiple_of3A_318, %add3A_479 : i32
        %ge3A_481 = arith.cmpi sge, %add3A_480, %add3A_330 : i32
        %add3A_482 = arith.constant 14 : i32
        %add3A_483 = arith.addi %multiple_of3A_318, %add3A_482 : i32
        %lt3A_484 = arith.cmpi slt, %add3A_483, %reduce_sum3A_339 : i32
        %and3A_485 = arith.andi %ge3A_481, %lt3A_484 : i1
        %jit3A_486 = arith.constant 1.000000e+00 : f32
        %jit3A_487 = arith.constant 0.000000e+00 : f32
        %select_n3A_488 = arith.select %and3A_485, %jit3A_486, %jit3A_487 : f32
        %add3A_489 = arith.constant 15 : i32
        %add3A_490 = arith.addi %multiple_of3A_318, %add3A_489 : i32
        %ge3A_491 = arith.cmpi sge, %add3A_490, %add3A_330 : i32
        %add3A_492 = arith.constant 15 : i32
        %add3A_493 = arith.addi %multiple_of3A_318, %add3A_492 : i32
        %lt3A_494 = arith.cmpi slt, %add3A_493, %reduce_sum3A_339 : i32
        %and3A_495 = arith.andi %ge3A_491, %lt3A_494 : i1
        %jit3A_496 = arith.constant 1.000000e+00 : f32
        %jit3A_497 = arith.constant 0.000000e+00 : f32
        %select_n3A_498 = arith.select %and3A_495, %jit3A_496, %jit3A_497 : f32
        %add3A_499 = arith.constant 16 : i32
        %add3A_500 = arith.addi %multiple_of3A_318, %add3A_499 : i32
        %ge3A_501 = arith.cmpi sge, %add3A_500, %add3A_330 : i32
        %add3A_502 = arith.constant 16 : i32
        %add3A_503 = arith.addi %multiple_of3A_318, %add3A_502 : i32
        %lt3A_504 = arith.cmpi slt, %add3A_503, %reduce_sum3A_339 : i32
        %and3A_505 = arith.andi %ge3A_501, %lt3A_504 : i1
        %jit3A_506 = arith.constant 1.000000e+00 : f32
        %jit3A_507 = arith.constant 0.000000e+00 : f32
        %select_n3A_508 = arith.select %and3A_505, %jit3A_506, %jit3A_507 : f32
        %add3A_509 = arith.constant 17 : i32
        %add3A_510 = arith.addi %multiple_of3A_318, %add3A_509 : i32
        %ge3A_511 = arith.cmpi sge, %add3A_510, %add3A_330 : i32
        %add3A_512 = arith.constant 17 : i32
        %add3A_513 = arith.addi %multiple_of3A_318, %add3A_512 : i32
        %lt3A_514 = arith.cmpi slt, %add3A_513, %reduce_sum3A_339 : i32
        %and3A_515 = arith.andi %ge3A_511, %lt3A_514 : i1
        %jit3A_516 = arith.constant 1.000000e+00 : f32
        %jit3A_517 = arith.constant 0.000000e+00 : f32
        %select_n3A_518 = arith.select %and3A_515, %jit3A_516, %jit3A_517 : f32
        %add3A_519 = arith.constant 18 : i32
        %add3A_520 = arith.addi %multiple_of3A_318, %add3A_519 : i32
        %ge3A_521 = arith.cmpi sge, %add3A_520, %add3A_330 : i32
        %add3A_522 = arith.constant 18 : i32
        %add3A_523 = arith.addi %multiple_of3A_318, %add3A_522 : i32
        %lt3A_524 = arith.cmpi slt, %add3A_523, %reduce_sum3A_339 : i32
        %and3A_525 = arith.andi %ge3A_521, %lt3A_524 : i1
        %jit3A_526 = arith.constant 1.000000e+00 : f32
        %jit3A_527 = arith.constant 0.000000e+00 : f32
        %select_n3A_528 = arith.select %and3A_525, %jit3A_526, %jit3A_527 : f32
        %add3A_529 = arith.constant 19 : i32
        %add3A_530 = arith.addi %multiple_of3A_318, %add3A_529 : i32
        %ge3A_531 = arith.cmpi sge, %add3A_530, %add3A_330 : i32
        %add3A_532 = arith.constant 19 : i32
        %add3A_533 = arith.addi %multiple_of3A_318, %add3A_532 : i32
        %lt3A_534 = arith.cmpi slt, %add3A_533, %reduce_sum3A_339 : i32
        %and3A_535 = arith.andi %ge3A_531, %lt3A_534 : i1
        %jit3A_536 = arith.constant 1.000000e+00 : f32
        %jit3A_537 = arith.constant 0.000000e+00 : f32
        %select_n3A_538 = arith.select %and3A_535, %jit3A_536, %jit3A_537 : f32
        %add3A_539 = arith.constant 20 : i32
        %add3A_540 = arith.addi %multiple_of3A_318, %add3A_539 : i32
        %ge3A_541 = arith.cmpi sge, %add3A_540, %add3A_330 : i32
        %add3A_542 = arith.constant 20 : i32
        %add3A_543 = arith.addi %multiple_of3A_318, %add3A_542 : i32
        %lt3A_544 = arith.cmpi slt, %add3A_543, %reduce_sum3A_339 : i32
        %and3A_545 = arith.andi %ge3A_541, %lt3A_544 : i1
        %jit3A_546 = arith.constant 1.000000e+00 : f32
        %jit3A_547 = arith.constant 0.000000e+00 : f32
        %select_n3A_548 = arith.select %and3A_545, %jit3A_546, %jit3A_547 : f32
        %add3A_549 = arith.constant 21 : i32
        %add3A_550 = arith.addi %multiple_of3A_318, %add3A_549 : i32
        %ge3A_551 = arith.cmpi sge, %add3A_550, %add3A_330 : i32
        %add3A_552 = arith.constant 21 : i32
        %add3A_553 = arith.addi %multiple_of3A_318, %add3A_552 : i32
        %lt3A_554 = arith.cmpi slt, %add3A_553, %reduce_sum3A_339 : i32
        %and3A_555 = arith.andi %ge3A_551, %lt3A_554 : i1
        %jit3A_556 = arith.constant 1.000000e+00 : f32
        %jit3A_557 = arith.constant 0.000000e+00 : f32
        %select_n3A_558 = arith.select %and3A_555, %jit3A_556, %jit3A_557 : f32
        %add3A_559 = arith.constant 22 : i32
        %add3A_560 = arith.addi %multiple_of3A_318, %add3A_559 : i32
        %ge3A_561 = arith.cmpi sge, %add3A_560, %add3A_330 : i32
        %add3A_562 = arith.constant 22 : i32
        %add3A_563 = arith.addi %multiple_of3A_318, %add3A_562 : i32
        %lt3A_564 = arith.cmpi slt, %add3A_563, %reduce_sum3A_339 : i32
        %and3A_565 = arith.andi %ge3A_561, %lt3A_564 : i1
        %jit3A_566 = arith.constant 1.000000e+00 : f32
        %jit3A_567 = arith.constant 0.000000e+00 : f32
        %select_n3A_568 = arith.select %and3A_565, %jit3A_566, %jit3A_567 : f32
        %add3A_569 = arith.constant 23 : i32
        %add3A_570 = arith.addi %multiple_of3A_318, %add3A_569 : i32
        %ge3A_571 = arith.cmpi sge, %add3A_570, %add3A_330 : i32
        %add3A_572 = arith.constant 23 : i32
        %add3A_573 = arith.addi %multiple_of3A_318, %add3A_572 : i32
        %lt3A_574 = arith.cmpi slt, %add3A_573, %reduce_sum3A_339 : i32
        %and3A_575 = arith.andi %ge3A_571, %lt3A_574 : i1
        %jit3A_576 = arith.constant 1.000000e+00 : f32
        %jit3A_577 = arith.constant 0.000000e+00 : f32
        %select_n3A_578 = arith.select %and3A_575, %jit3A_576, %jit3A_577 : f32
        %add3A_579 = arith.constant 24 : i32
        %add3A_580 = arith.addi %multiple_of3A_318, %add3A_579 : i32
        %ge3A_581 = arith.cmpi sge, %add3A_580, %add3A_330 : i32
        %add3A_582 = arith.constant 24 : i32
        %add3A_583 = arith.addi %multiple_of3A_318, %add3A_582 : i32
        %lt3A_584 = arith.cmpi slt, %add3A_583, %reduce_sum3A_339 : i32
        %and3A_585 = arith.andi %ge3A_581, %lt3A_584 : i1
        %jit3A_586 = arith.constant 1.000000e+00 : f32
        %jit3A_587 = arith.constant 0.000000e+00 : f32
        %select_n3A_588 = arith.select %and3A_585, %jit3A_586, %jit3A_587 : f32
        %add3A_589 = arith.constant 25 : i32
        %add3A_590 = arith.addi %multiple_of3A_318, %add3A_589 : i32
        %ge3A_591 = arith.cmpi sge, %add3A_590, %add3A_330 : i32
        %add3A_592 = arith.constant 25 : i32
        %add3A_593 = arith.addi %multiple_of3A_318, %add3A_592 : i32
        %lt3A_594 = arith.cmpi slt, %add3A_593, %reduce_sum3A_339 : i32
        %and3A_595 = arith.andi %ge3A_591, %lt3A_594 : i1
        %jit3A_596 = arith.constant 1.000000e+00 : f32
        %jit3A_597 = arith.constant 0.000000e+00 : f32
        %select_n3A_598 = arith.select %and3A_595, %jit3A_596, %jit3A_597 : f32
        %add3A_599 = arith.constant 26 : i32
        %add3A_600 = arith.addi %multiple_of3A_318, %add3A_599 : i32
        %ge3A_601 = arith.cmpi sge, %add3A_600, %add3A_330 : i32
        %add3A_602 = arith.constant 26 : i32
        %add3A_603 = arith.addi %multiple_of3A_318, %add3A_602 : i32
        %lt3A_604 = arith.cmpi slt, %add3A_603, %reduce_sum3A_339 : i32
        %and3A_605 = arith.andi %ge3A_601, %lt3A_604 : i1
        %jit3A_606 = arith.constant 1.000000e+00 : f32
        %jit3A_607 = arith.constant 0.000000e+00 : f32
        %select_n3A_608 = arith.select %and3A_605, %jit3A_606, %jit3A_607 : f32
        %add3A_609 = arith.constant 27 : i32
        %add3A_610 = arith.addi %multiple_of3A_318, %add3A_609 : i32
        %ge3A_611 = arith.cmpi sge, %add3A_610, %add3A_330 : i32
        %add3A_612 = arith.constant 27 : i32
        %add3A_613 = arith.addi %multiple_of3A_318, %add3A_612 : i32
        %lt3A_614 = arith.cmpi slt, %add3A_613, %reduce_sum3A_339 : i32
        %and3A_615 = arith.andi %ge3A_611, %lt3A_614 : i1
        %jit3A_616 = arith.constant 1.000000e+00 : f32
        %jit3A_617 = arith.constant 0.000000e+00 : f32
        %select_n3A_618 = arith.select %and3A_615, %jit3A_616, %jit3A_617 : f32
        %add3A_619 = arith.constant 28 : i32
        %add3A_620 = arith.addi %multiple_of3A_318, %add3A_619 : i32
        %ge3A_621 = arith.cmpi sge, %add3A_620, %add3A_330 : i32
        %add3A_622 = arith.constant 28 : i32
        %add3A_623 = arith.addi %multiple_of3A_318, %add3A_622 : i32
        %lt3A_624 = arith.cmpi slt, %add3A_623, %reduce_sum3A_339 : i32
        %and3A_625 = arith.andi %ge3A_621, %lt3A_624 : i1
        %jit3A_626 = arith.constant 1.000000e+00 : f32
        %jit3A_627 = arith.constant 0.000000e+00 : f32
        %select_n3A_628 = arith.select %and3A_625, %jit3A_626, %jit3A_627 : f32
        %add3A_629 = arith.constant 29 : i32
        %add3A_630 = arith.addi %multiple_of3A_318, %add3A_629 : i32
        %ge3A_631 = arith.cmpi sge, %add3A_630, %add3A_330 : i32
        %add3A_632 = arith.constant 29 : i32
        %add3A_633 = arith.addi %multiple_of3A_318, %add3A_632 : i32
        %lt3A_634 = arith.cmpi slt, %add3A_633, %reduce_sum3A_339 : i32
        %and3A_635 = arith.andi %ge3A_631, %lt3A_634 : i1
        %jit3A_636 = arith.constant 1.000000e+00 : f32
        %jit3A_637 = arith.constant 0.000000e+00 : f32
        %select_n3A_638 = arith.select %and3A_635, %jit3A_636, %jit3A_637 : f32
        %add3A_639 = arith.constant 30 : i32
        %add3A_640 = arith.addi %multiple_of3A_318, %add3A_639 : i32
        %ge3A_641 = arith.cmpi sge, %add3A_640, %add3A_330 : i32
        %add3A_642 = arith.constant 30 : i32
        %add3A_643 = arith.addi %multiple_of3A_318, %add3A_642 : i32
        %lt3A_644 = arith.cmpi slt, %add3A_643, %reduce_sum3A_339 : i32
        %and3A_645 = arith.andi %ge3A_641, %lt3A_644 : i1
        %jit3A_646 = arith.constant 1.000000e+00 : f32
        %jit3A_647 = arith.constant 0.000000e+00 : f32
        %select_n3A_648 = arith.select %and3A_645, %jit3A_646, %jit3A_647 : f32
        %add3A_649 = arith.constant 31 : i32
        %add3A_650 = arith.addi %multiple_of3A_318, %add3A_649 : i32
        %ge3A_651 = arith.cmpi sge, %add3A_650, %add3A_330 : i32
        %add3A_652 = arith.constant 31 : i32
        %add3A_653 = arith.addi %multiple_of3A_318, %add3A_652 : i32
        %lt3A_654 = arith.cmpi slt, %add3A_653, %reduce_sum3A_339 : i32
        %and3A_655 = arith.andi %ge3A_651, %lt3A_654 : i1
        %jit3A_656 = arith.constant 1.000000e+00 : f32
        %jit3A_657 = arith.constant 0.000000e+00 : f32
        %select_n3A_658 = arith.select %and3A_655, %jit3A_656, %jit3A_657 : f32
        %scan3A_659 = arith.constant 0 : i32
        %scan3A_660 = arith.constant 0 : i32
        %scan3A_661 = arith.constant 32 : i32
        %scan3A_662 = arith.addi %scan3A_660, %scan3A_661 : i32
        %scan3A_663 = arith.constant 1 : i32
        %scan3A_664 = scf.for %scan3A_666 = %scan3A_660 to %scan3A_662 step %scan3A_663 iter_args(%scan3A_667 = %scan3A_659) -> (i32)  : i32 {
          %mul3A_668 = arith.constant 16 : i32
          %mul3A_669 = arith.muli %scan3A_666, %mul3A_668 : i32
          %get3A_670 = arith.index_cast %while3A_193 : i32 to index
          %get3A_671 = arith.index_cast %mul3A_669 : i32 to index
          %get3A_672 = tpu.vector_load %arg7[%get3A_670, %get3A_671] {strides = array<i32>} : memref<16x512xf32, #tpu.memory_space<vmem>>, vector<16xf32>,
          %get3A_673 = arith.constant 0 : i32
          %get3A_674 = arith.index_cast %and3A_202 : i32 to index
          %get3A_675 = arith.index_cast %get3A_673 : i32 to index
          %get3A_676 = arith.index_cast %mul3A_669 : i32 to index
          %get3A_677 = tpu.vector_load %arg6[%get3A_674, %get3A_675, %get3A_676] {strides = array<i32>} : memref<4x32x512xf32, #tpu.memory_space<vmem>>, vector<16xf32>,
          %mul3A_678 = vector.broadcast %select_n3A_348 : f32 to vector<16xf32>
          %mul3A_679 = arith.mulf %get3A_677, %mul3A_678 : vector<16xf32>
          %add3A_680 = arith.addf %get3A_672, %mul3A_679 : vector<16xf32>
          %get3A_681 = arith.constant 1 : i32
          %get3A_682 = arith.index_cast %and3A_202 : i32 to index
          %get3A_683 = arith.index_cast %get3A_681 : i32 to index
          %get3A_684 = arith.index_cast %mul3A_669 : i32 to index
          %get3A_685 = tpu.vector_load %arg6[%get3A_682, %get3A_683, %get3A_684] {strides = array<i32>} : memref<4x32x512xf32, #tpu.memory_space<vmem>>, vector<16xf32>,
          %mul3A_686 = vector.broadcast %select_n3A_358 : f32 to vector<16xf32>
          %mul3A_687 = arith.mulf %get3A_685, %mul3A_686 : vector<16xf32>
          %add3A_688 = arith.addf %add3A_680, %mul3A_687 : vector<16xf32>
          %get3A_689 = arith.constant 2 : i32
          %get3A_690 = arith.index_cast %and3A_202 : i32 to index
          %get3A_691 = arith.index_cast %get3A_689 : i32 to index
          %get3A_692 = arith.index_cast %mul3A_669 : i32 to index
          %get3A_693 = tpu.vector_load %arg6[%get3A_690, %get3A_691, %get3A_692] {strides = array<i32>} : memref<4x32x512xf32, #tpu.memory_space<vmem>>, vector<16xf32>,
          %mul3A_694 = vector.broadcast %select_n3A_368 : f32 to vector<16xf32>
          %mul3A_695 = arith.mulf %get3A_693, %mul3A_694 : vector<16xf32>
          %add3A_696 = arith.addf %add3A_688, %mul3A_695 : vector<16xf32>
          %get3A_697 = arith.constant 3 : i32
          %get3A_698 = arith.index_cast %and3A_202 : i32 to index
          %get3A_699 = arith.index_cast %get3A_697 : i32 to index
          %get3A_700 = arith.index_cast %mul3A_669 : i32 to index
          %get3A_701 = tpu.vector_load %arg6[%get3A_698, %get3A_699, %get3A_700] {strides = array<i32>} : memref<4x32x512xf32, #tpu.memory_space<vmem>>, vector<16xf32>,
          %mul3A_702 = vector.broadcast %select_n3A_378 : f32 to vector<16xf32>
          %mul3A_703 = arith.mulf %get3A_701, %mul3A_702 : vector<16xf32>
          %add3A_704 = arith.addf %add3A_696, %mul3A_703 : vector<16xf32>
          %get3A_705 = arith.constant 4 : i32
          %get3A_706 = arith.index_cast %and3A_202 : i32 to index
          %get3A_707 = arith.index_cast %get3A_705 : i32 to index
          %get3A_708 = arith.index_cast %mul3A_669 : i32 to index
          %get3A_709 = tpu.vector_load %arg6[%get3A_706, %get3A_707, %get3A_708] {strides = array<i32>} : memref<4x32x512xf32, #tpu.memory_space<vmem>>, vector<16xf32>,
          %mul3A_710 = vector.broadcast %select_n3A_388 : f32 to vector<16xf32>
          %mul3A_711 = arith.mulf %get3A_709, %mul3A_710 : vector<16xf32>
          %add3A_712 = arith.addf %add3A_704, %mul3A_711 : vector<16xf32>
          %get3A_713 = arith.constant 5 : i32
          %get3A_714 = arith.index_cast %and3A_202 : i32 to index
          %get3A_715 = arith.index_cast %get3A_713 : i32 to index
          %get3A_716 = arith.index_cast %mul3A_669 : i32 to index
          %get3A_717 = tpu.vector_load %arg6[%get3A_714, %get3A_715, %get3A_716] {strides = array<i32>} : memref<4x32x512xf32, #tpu.memory_space<vmem>>, vector<16xf32>,
          %mul3A_718 = vector.broadcast %select_n3A_398 : f32 to vector<16xf32>
          %mul3A_719 = arith.mulf %get3A_717, %mul3A_718 : vector<16xf32>
          %add3A_720 = arith.addf %add3A_712, %mul3A_719 : vector<16xf32>
          %get3A_721 = arith.constant 6 : i32
          %get3A_722 = arith.index_cast %and3A_202 : i32 to index
          %get3A_723 = arith.index_cast %get3A_721 : i32 to index
          %get3A_724 = arith.index_cast %mul3A_669 : i32 to index
          %get3A_725 = tpu.vector_load %arg6[%get3A_722, %get3A_723, %get3A_724] {strides = array<i32>} : memref<4x32x512xf32, #tpu.memory_space<vmem>>, vector<16xf32>,
          %mul3A_726 = vector.broadcast %select_n3A_408 : f32 to vector<16xf32>
          %mul3A_727 = arith.mulf %get3A_725, %mul3A_726 : vector<16xf32>
          %add3A_728 = arith.addf %add3A_720, %mul3A_727 : vector<16xf32>
          %get3A_729 = arith.constant 7 : i32
          %get3A_730 = arith.index_cast %and3A_202 : i32 to index
          %get3A_731 = arith.index_cast %get3A_729 : i32 to index
          %get3A_732 = arith.index_cast %mul3A_669 : i32 to index
          %get3A_733 = tpu.vector_load %arg6[%get3A_730, %get3A_731, %get3A_732] {strides = array<i32>} : memref<4x32x512xf32, #tpu.memory_space<vmem>>, vector<16xf32>,
          %mul3A_734 = vector.broadcast %select_n3A_418 : f32 to vector<16xf32>
          %mul3A_735 = arith.mulf %get3A_733, %mul3A_734 : vector<16xf32>
          %add3A_736 = arith.addf %add3A_728, %mul3A_735 : vector<16xf32>
          %get3A_737 = arith.constant 8 : i32
          %get3A_738 = arith.index_cast %and3A_202 : i32 to index
          %get3A_739 = arith.index_cast %get3A_737 : i32 to index
          %get3A_740 = arith.index_cast %mul3A_669 : i32 to index
          %get3A_741 = tpu.vector_load %arg6[%get3A_738, %get3A_739, %get3A_740] {strides = array<i32>} : memref<4x32x512xf32, #tpu.memory_space<vmem>>, vector<16xf32>,
          %mul3A_742 = vector.broadcast %select_n3A_428 : f32 to vector<16xf32>
          %mul3A_743 = arith.mulf %get3A_741, %mul3A_742 : vector<16xf32>
          %add3A_744 = arith.addf %add3A_736, %mul3A_743 : vector<16xf32>
          %get3A_745 = arith.constant 9 : i32
          %get3A_746 = arith.index_cast %and3A_202 : i32 to index
          %get3A_747 = arith.index_cast %get3A_745 : i32 to index
          %get3A_748 = arith.index_cast %mul3A_669 : i32 to index
          %get3A_749 = tpu.vector_load %arg6[%get3A_746, %get3A_747, %get3A_748] {strides = array<i32>} : memref<4x32x512xf32, #tpu.memory_space<vmem>>, vector<16xf32>,
          %mul3A_750 = vector.broadcast %select_n3A_438 : f32 to vector<16xf32>
          %mul3A_751 = arith.mulf %get3A_749, %mul3A_750 : vector<16xf32>
          %add3A_752 = arith.addf %add3A_744, %mul3A_751 : vector<16xf32>
          %get3A_753 = arith.constant 10 : i32
          %get3A_754 = arith.index_cast %and3A_202 : i32 to index
          %get3A_755 = arith.index_cast %get3A_753 : i32 to index
          %get3A_756 = arith.index_cast %mul3A_669 : i32 to index
          %get3A_757 = tpu.vector_load %arg6[%get3A_754, %get3A_755, %get3A_756] {strides = array<i32>} : memref<4x32x512xf32, #tpu.memory_space<vmem>>, vector<16xf32>,
          %mul3A_758 = vector.broadcast %select_n3A_448 : f32 to vector<16xf32>
          %mul3A_759 = arith.mulf %get3A_757, %mul3A_758 : vector<16xf32>
          %add3A_760 = arith.addf %add3A_752, %mul3A_759 : vector<16xf32>
          %get3A_761 = arith.constant 11 : i32
          %get3A_762 = arith.index_cast %and3A_202 : i32 to index
          %get3A_763 = arith.index_cast %get3A_761 : i32 to index
          %get3A_764 = arith.index_cast %mul3A_669 : i32 to index
          %get3A_765 = tpu.vector_load %arg6[%get3A_762, %get3A_763, %get3A_764] {strides = array<i32>} : memref<4x32x512xf32, #tpu.memory_space<vmem>>, vector<16xf32>,
          %mul3A_766 = vector.broadcast %select_n3A_458 : f32 to vector<16xf32>
          %mul3A_767 = arith.mulf %get3A_765, %mul3A_766 : vector<16xf32>
          %add3A_768 = arith.addf %add3A_760, %mul3A_767 : vector<16xf32>
          %get3A_769 = arith.constant 12 : i32
          %get3A_770 = arith.index_cast %and3A_202 : i32 to index
          %get3A_771 = arith.index_cast %get3A_769 : i32 to index
          %get3A_772 = arith.index_cast %mul3A_669 : i32 to index
          %get3A_773 = tpu.vector_load %arg6[%get3A_770, %get3A_771, %get3A_772] {strides = array<i32>} : memref<4x32x512xf32, #tpu.memory_space<vmem>>, vector<16xf32>,
          %mul3A_774 = vector.broadcast %select_n3A_468 : f32 to vector<16xf32>
          %mul3A_775 = arith.mulf %get3A_773, %mul3A_774 : vector<16xf32>
          %add3A_776 = arith.addf %add3A_768, %mul3A_775 : vector<16xf32>
          %get3A_777 = arith.constant 13 : i32
          %get3A_778 = arith.index_cast %and3A_202 : i32 to index
          %get3A_779 = arith.index_cast %get3A_777 : i32 to index
          %get3A_780 = arith.index_cast %mul3A_669 : i32 to index
          %get3A_781 = tpu.vector_load %arg6[%get3A_778, %get3A_779, %get3A_780] {strides = array<i32>} : memref<4x32x512xf32, #tpu.memory_space<vmem>>, vector<16xf32>,
          %mul3A_782 = vector.broadcast %select_n3A_478 : f32 to vector<16xf32>
          %mul3A_783 = arith.mulf %get3A_781, %mul3A_782 : vector<16xf32>
          %add3A_784 = arith.addf %add3A_776, %mul3A_783 : vector<16xf32>
          %get3A_785 = arith.constant 14 : i32
          %get3A_786 = arith.index_cast %and3A_202 : i32 to index
          %get3A_787 = arith.index_cast %get3A_785 : i32 to index
          %get3A_788 = arith.index_cast %mul3A_669 : i32 to index
          %get3A_789 = tpu.vector_load %arg6[%get3A_786, %get3A_787, %get3A_788] {strides = array<i32>} : memref<4x32x512xf32, #tpu.memory_space<vmem>>, vector<16xf32>,
          %mul3A_790 = vector.broadcast %select_n3A_488 : f32 to vector<16xf32>
          %mul3A_791 = arith.mulf %get3A_789, %mul3A_790 : vector<16xf32>
          %add3A_792 = arith.addf %add3A_784, %mul3A_791 : vector<16xf32>
          %get3A_793 = arith.constant 15 : i32
          %get3A_794 = arith.index_cast %and3A_202 : i32 to index
          %get3A_795 = arith.index_cast %get3A_793 : i32 to index
          %get3A_796 = arith.index_cast %mul3A_669 : i32 to index
          %get3A_797 = tpu.vector_load %arg6[%get3A_794, %get3A_795, %get3A_796] {strides = array<i32>} : memref<4x32x512xf32, #tpu.memory_space<vmem>>, vector<16xf32>,
          %mul3A_798 = vector.broadcast %select_n3A_498 : f32 to vector<16xf32>
          %mul3A_799 = arith.mulf %get3A_797, %mul3A_798 : vector<16xf32>
          %add3A_800 = arith.addf %add3A_792, %mul3A_799 : vector<16xf32>
          %get3A_801 = arith.constant 16 : i32
          %get3A_802 = arith.index_cast %and3A_202 : i32 to index
          %get3A_803 = arith.index_cast %get3A_801 : i32 to index
          %get3A_804 = arith.index_cast %mul3A_669 : i32 to index
          %get3A_805 = tpu.vector_load %arg6[%get3A_802, %get3A_803, %get3A_804] {strides = array<i32>} : memref<4x32x512xf32, #tpu.memory_space<vmem>>, vector<16xf32>,
          %mul3A_806 = vector.broadcast %select_n3A_508 : f32 to vector<16xf32>
          %mul3A_807 = arith.mulf %get3A_805, %mul3A_806 : vector<16xf32>
          %add3A_808 = arith.addf %add3A_800, %mul3A_807 : vector<16xf32>
          %get3A_809 = arith.constant 17 : i32
          %get3A_810 = arith.index_cast %and3A_202 : i32 to index
          %get3A_811 = arith.index_cast %get3A_809 : i32 to index
          %get3A_812 = arith.index_cast %mul3A_669 : i32 to index
          %get3A_813 = tpu.vector_load %arg6[%get3A_810, %get3A_811, %get3A_812] {strides = array<i32>} : memref<4x32x512xf32, #tpu.memory_space<vmem>>, vector<16xf32>,
          %mul3A_814 = vector.broadcast %select_n3A_518 : f32 to vector<16xf32>
          %mul3A_815 = arith.mulf %get3A_813, %mul3A_814 : vector<16xf32>
          %add3A_816 = arith.addf %add3A_808, %mul3A_815 : vector<16xf32>
          %get3A_817 = arith.constant 18 : i32
          %get3A_818 = arith.index_cast %and3A_202 : i32 to index
          %get3A_819 = arith.index_cast %get3A_817 : i32 to index
          %get3A_820 = arith.index_cast %mul3A_669 : i32 to index
          %get3A_821 = tpu.vector_load %arg6[%get3A_818, %get3A_819, %get3A_820] {strides = array<i32>} : memref<4x32x512xf32, #tpu.memory_space<vmem>>, vector<16xf32>,
          %mul3A_822 = vector.broadcast %select_n3A_528 : f32 to vector<16xf32>
          %mul3A_823 = arith.mulf %get3A_821, %mul3A_822 : vector<16xf32>
          %add3A_824 = arith.addf %add3A_816, %mul3A_823 : vector<16xf32>
          %get3A_825 = arith.constant 19 : i32
          %get3A_826 = arith.index_cast %and3A_202 : i32 to index
          %get3A_827 = arith.index_cast %get3A_825 : i32 to index
          %get3A_828 = arith.index_cast %mul3A_669 : i32 to index
          %get3A_829 = tpu.vector_load %arg6[%get3A_826, %get3A_827, %get3A_828] {strides = array<i32>} : memref<4x32x512xf32, #tpu.memory_space<vmem>>, vector<16xf32>,
          %mul3A_830 = vector.broadcast %select_n3A_538 : f32 to vector<16xf32>
          %mul3A_831 = arith.mulf %get3A_829, %mul3A_830 : vector<16xf32>
          %add3A_832 = arith.addf %add3A_824, %mul3A_831 : vector<16xf32>
          %get3A_833 = arith.constant 20 : i32
          %get3A_834 = arith.index_cast %and3A_202 : i32 to index
          %get3A_835 = arith.index_cast %get3A_833 : i32 to index
          %get3A_836 = arith.index_cast %mul3A_669 : i32 to index
          %get3A_837 = tpu.vector_load %arg6[%get3A_834, %get3A_835, %get3A_836] {strides = array<i32>} : memref<4x32x512xf32, #tpu.memory_space<vmem>>, vector<16xf32>,
          %mul3A_838 = vector.broadcast %select_n3A_548 : f32 to vector<16xf32>
          %mul3A_839 = arith.mulf %get3A_837, %mul3A_838 : vector<16xf32>
          %add3A_840 = arith.addf %add3A_832, %mul3A_839 : vector<16xf32>
          %get3A_841 = arith.constant 21 : i32
          %get3A_842 = arith.index_cast %and3A_202 : i32 to index
          %get3A_843 = arith.index_cast %get3A_841 : i32 to index
          %get3A_844 = arith.index_cast %mul3A_669 : i32 to index
          %get3A_845 = tpu.vector_load %arg6[%get3A_842, %get3A_843, %get3A_844] {strides = array<i32>} : memref<4x32x512xf32, #tpu.memory_space<vmem>>, vector<16xf32>,
          %mul3A_846 = vector.broadcast %select_n3A_558 : f32 to vector<16xf32>
          %mul3A_847 = arith.mulf %get3A_845, %mul3A_846 : vector<16xf32>
          %add3A_848 = arith.addf %add3A_840, %mul3A_847 : vector<16xf32>
          %get3A_849 = arith.constant 22 : i32
          %get3A_850 = arith.index_cast %and3A_202 : i32 to index
          %get3A_851 = arith.index_cast %get3A_849 : i32 to index
          %get3A_852 = arith.index_cast %mul3A_669 : i32 to index
          %get3A_853 = tpu.vector_load %arg6[%get3A_850, %get3A_851, %get3A_852] {strides = array<i32>} : memref<4x32x512xf32, #tpu.memory_space<vmem>>, vector<16xf32>,
          %mul3A_854 = vector.broadcast %select_n3A_568 : f32 to vector<16xf32>
          %mul3A_855 = arith.mulf %get3A_853, %mul3A_854 : vector<16xf32>
          %add3A_856 = arith.addf %add3A_848, %mul3A_855 : vector<16xf32>
          %get3A_857 = arith.constant 23 : i32
          %get3A_858 = arith.index_cast %and3A_202 : i32 to index
          %get3A_859 = arith.index_cast %get3A_857 : i32 to index
          %get3A_860 = arith.index_cast %mul3A_669 : i32 to index
          %get3A_861 = tpu.vector_load %arg6[%get3A_858, %get3A_859, %get3A_860] {strides = array<i32>} : memref<4x32x512xf32, #tpu.memory_space<vmem>>, vector<16xf32>,
          %mul3A_862 = vector.broadcast %select_n3A_578 : f32 to vector<16xf32>
          %mul3A_863 = arith.mulf %get3A_861, %mul3A_862 : vector<16xf32>
          %add3A_864 = arith.addf %add3A_856, %mul3A_863 : vector<16xf32>
          %get3A_865 = arith.constant 24 : i32
          %get3A_866 = arith.index_cast %and3A_202 : i32 to index
          %get3A_867 = arith.index_cast %get3A_865 : i32 to index
          %get3A_868 = arith.index_cast %mul3A_669 : i32 to index
          %get3A_869 = tpu.vector_load %arg6[%get3A_866, %get3A_867, %get3A_868] {strides = array<i32>} : memref<4x32x512xf32, #tpu.memory_space<vmem>>, vector<16xf32>,
          %mul3A_870 = vector.broadcast %select_n3A_588 : f32 to vector<16xf32>
          %mul3A_871 = arith.mulf %get3A_869, %mul3A_870 : vector<16xf32>
          %add3A_872 = arith.addf %add3A_864, %mul3A_871 : vector<16xf32>
          %get3A_873 = arith.constant 25 : i32
          %get3A_874 = arith.index_cast %and3A_202 : i32 to index
          %get3A_875 = arith.index_cast %get3A_873 : i32 to index
          %get3A_876 = arith.index_cast %mul3A_669 : i32 to index
          %get3A_877 = tpu.vector_load %arg6[%get3A_874, %get3A_875, %get3A_876] {strides = array<i32>} : memref<4x32x512xf32, #tpu.memory_space<vmem>>, vector<16xf32>,
          %mul3A_878 = vector.broadcast %select_n3A_598 : f32 to vector<16xf32>
          %mul3A_879 = arith.mulf %get3A_877, %mul3A_878 : vector<16xf32>
          %add3A_880 = arith.addf %add3A_872, %mul3A_879 : vector<16xf32>
          %get3A_881 = arith.constant 26 : i32
          %get3A_882 = arith.index_cast %and3A_202 : i32 to index
          %get3A_883 = arith.index_cast %get3A_881 : i32 to index
          %get3A_884 = arith.index_cast %mul3A_669 : i32 to index
          %get3A_885 = tpu.vector_load %arg6[%get3A_882, %get3A_883, %get3A_884] {strides = array<i32>} : memref<4x32x512xf32, #tpu.memory_space<vmem>>, vector<16xf32>,
          %mul3A_886 = vector.broadcast %select_n3A_608 : f32 to vector<16xf32>
          %mul3A_887 = arith.mulf %get3A_885, %mul3A_886 : vector<16xf32>
          %add3A_888 = arith.addf %add3A_880, %mul3A_887 : vector<16xf32>
          %get3A_889 = arith.constant 27 : i32
          %get3A_890 = arith.index_cast %and3A_202 : i32 to index
          %get3A_891 = arith.index_cast %get3A_889 : i32 to index
          %get3A_892 = arith.index_cast %mul3A_669 : i32 to index
          %get3A_893 = tpu.vector_load %arg6[%get3A_890, %get3A_891, %get3A_892] {strides = array<i32>} : memref<4x32x512xf32, #tpu.memory_space<vmem>>, vector<16xf32>,
          %mul3A_894 = vector.broadcast %select_n3A_618 : f32 to vector<16xf32>
          %mul3A_895 = arith.mulf %get3A_893, %mul3A_894 : vector<16xf32>
          %add3A_896 = arith.addf %add3A_888, %mul3A_895 : vector<16xf32>
          %get3A_897 = arith.constant 28 : i32
          %get3A_898 = arith.index_cast %and3A_202 : i32 to index
          %get3A_899 = arith.index_cast %get3A_897 : i32 to index
          %get3A_900 = arith.index_cast %mul3A_669 : i32 to index
          %get3A_901 = tpu.vector_load %arg6[%get3A_898, %get3A_899, %get3A_900] {strides = array<i32>} : memref<4x32x512xf32, #tpu.memory_space<vmem>>, vector<16xf32>,
          %mul3A_902 = vector.broadcast %select_n3A_628 : f32 to vector<16xf32>
          %mul3A_903 = arith.mulf %get3A_901, %mul3A_902 : vector<16xf32>
          %add3A_904 = arith.addf %add3A_896, %mul3A_903 : vector<16xf32>
          %get3A_905 = arith.constant 29 : i32
          %get3A_906 = arith.index_cast %and3A_202 : i32 to index
          %get3A_907 = arith.index_cast %get3A_905 : i32 to index
          %get3A_908 = arith.index_cast %mul3A_669 : i32 to index
          %get3A_909 = tpu.vector_load %arg6[%get3A_906, %get3A_907, %get3A_908] {strides = array<i32>} : memref<4x32x512xf32, #tpu.memory_space<vmem>>, vector<16xf32>,
          %mul3A_910 = vector.broadcast %select_n3A_638 : f32 to vector<16xf32>
          %mul3A_911 = arith.mulf %get3A_909, %mul3A_910 : vector<16xf32>
          %add3A_912 = arith.addf %add3A_904, %mul3A_911 : vector<16xf32>
          %get3A_913 = arith.constant 30 : i32
          %get3A_914 = arith.index_cast %and3A_202 : i32 to index
          %get3A_915 = arith.index_cast %get3A_913 : i32 to index
          %get3A_916 = arith.index_cast %mul3A_669 : i32 to index
          %get3A_917 = tpu.vector_load %arg6[%get3A_914, %get3A_915, %get3A_916] {strides = array<i32>} : memref<4x32x512xf32, #tpu.memory_space<vmem>>, vector<16xf32>,
          %mul3A_918 = vector.broadcast %select_n3A_648 : f32 to vector<16xf32>
          %mul3A_919 = arith.mulf %get3A_917, %mul3A_918 : vector<16xf32>
          %add3A_920 = arith.addf %add3A_912, %mul3A_919 : vector<16xf32>
          %get3A_921 = arith.constant 31 : i32
          %get3A_922 = arith.index_cast %and3A_202 : i32 to index
          %get3A_923 = arith.index_cast %get3A_921 : i32 to index
          %get3A_924 = arith.index_cast %mul3A_669 : i32 to index
          %get3A_925 = tpu.vector_load %arg6[%get3A_922, %get3A_923, %get3A_924] {strides = array<i32>} : memref<4x32x512xf32, #tpu.memory_space<vmem>>, vector<16xf32>,
          %mul3A_926 = vector.broadcast %select_n3A_658 : f32 to vector<16xf32>
          %mul3A_927 = arith.mulf %get3A_925, %mul3A_926 : vector<16xf32>
          %add3A_928 = arith.addf %add3A_920, %mul3A_927 : vector<16xf32>
          %swap3A = arith.index_cast %while3A_193 : i32 to index
          %swap3A_929 = arith.index_cast %mul3A_669 : i32 to index
          %swap3A_930 = tpu.vector_load %arg7[%swap3A, %swap3A_929] {strides = array<i32>} : memref<16x512xf32, #tpu.memory_space<vmem>>, vector<16xf32>,
          tpu.vector_store %arg7[%swap3A, %swap3A_929], %add3A_928 {strides = array<i32>} : memref<16x512xf32, #tpu.memory_space<vmem>>, vector<16xf32>,
          %scan3A_931 = arith.constant 0 : i32
          scf.yield %scan3A_931 : i32
        }
        %scan3A_665 = arith.constant 32 : i32
      } else {
      }
      %add3A_277 = arith.constant 1 : i32
      %add3A_278 = arith.addi %while3A_200, %add3A_277 : i32
      %while3A_279:2 = scf.while (%while3A_280 = %while3A_199, %while3A_281 = %add3A_278) : (i32, i32) -> (i32, i32) {
        %lt3A_282 = arith.constant 16 : i32
        %lt3A_283 = arith.cmpi slt, %while3A_280, %lt3A_282 : i32
        %eq3A_284 = vector.broadcast %while3A_280 : i32 to vector<16xi32>
        %eq3A_285 = arith.cmpi eq, %iota3A, %eq3A_284 : vector<16xi32>
        %jit3A_286 = arith.constant 0 : i32
        %broadcast_in_dim3A_287 = vector.broadcast %jit3A_286 : i32 to vector<16xi32>
        %select_n3A_288 = arith.select %eq3A_285, %select_n3A_142, %broadcast_in_dim3A_287 : vector<16xi1>, vector<16xi32>
        %reduce_sum3A_289 = arith.constant true
        %reduce_sum3A_290 = vector.broadcast %reduce_sum3A_289 : i1 to vector<16xi1>
        %reduce_sum3A_291 = tpu.scan <sum>, %select_n3A_288 masked %reduce_sum3A_290 : vector<16xi32>, vector<16xi1> -> vector<16xi32>
        %reduce_sum3A_292 = vector.extract %reduce_sum3A_291[15] : i32 from vector<16xi32>
        %ge3A = arith.cmpi sge, %while3A_281, %reduce_sum3A_292 : i32
        %and3A_293 = arith.andi %lt3A_283, %ge3A : i1
        scf.condition(%and3A_293) %while3A_280, %while3A_281 : i32, i32
      } do {
      ^bb0(%while3A_280: i32, %while3A_281: i32):
        %add3A_282 = arith.constant 1 : i32
        %add3A_283 = arith.addi %while3A_280, %add3A_282 : i32
        %while3A_284 = arith.constant 0 : i32
        scf.yield %add3A_283, %while3A_284 : i32, i32
      }
      scf.yield %while3A_195, %while3A_196, %while3A_197, %while3A_198, %while3A_199, %while3A_200, %while3A_279#0, %while3A_279#1 : i32, i32, i32, i32, i32, i32, i32, i32
    }
    "tpu.region"() ({
      %run_scoped3A = tpu.sem_alloc : memref<!tpu.dma_semaphore, #tpu.memory_space<semaphore_mem>>
      %dma_start3A = arith.constant 0 : i32
      %dma_start3A_192 = arith.constant 0 : i32
      %dma_start3A_193 = tpu.memref_slice %arg9[%arg1, %dma_start3A, %dma_start3A_192] : memref<16x16x512xf32, #tpu.memory_space<vmem_shared>> -> memref<1x16x512xf32, #tpu.memory_space<vmem_shared>>
      %dma_start3A_194 = tpu.memref_squeeze %dma_start3A_193 : memref<1x16x512xf32, #tpu.memory_space<vmem_shared>> -> memref<16x512xf32, #tpu.memory_space<vmem_shared>>
      %dma_start3A_195 = arith.constant 0 : i32
      %dma_start3A_196 = arith.constant 0 : i32
      %dma_start3A_197 = tpu.memref_slice %arg9[%arg1, %dma_start3A_195, %dma_start3A_196] : memref<16x16x512xf32, #tpu.memory_space<vmem_shared>> -> memref<1x16x512xf32, #tpu.memory_space<vmem_shared>>
      %dma_start3A_198 = tpu.memref_squeeze %dma_start3A_197 : memref<1x16x512xf32, #tpu.memory_space<vmem_shared>> -> memref<16x512xf32, #tpu.memory_space<vmem_shared>>
      tpu.enqueue_dma source(%arg7 : memref<16x512xf32, #tpu.memory_space<vmem>>) target(%dma_start3A_198 : memref<16x512xf32, #tpu.memory_space<vmem_shared>>) target_semaphore(%run_scoped3A : memref<!tpu.dma_semaphore, #tpu.memory_space<semaphore_mem>>)
      %dma_wait3A = arith.constant 0 : i32
      %dma_wait3A_199 = arith.constant 0 : i32
      %dma_wait3A_200 = tpu.memref_slice %arg9[%arg1, %dma_wait3A, %dma_wait3A_199] : memref<16x16x512xf32, #tpu.memory_space<vmem_shared>> -> memref<1x16x512xf32, #tpu.memory_space<vmem_shared>>
      %dma_wait3A_201 = tpu.memref_squeeze %dma_wait3A_200 : memref<1x16x512xf32, #tpu.memory_space<vmem_shared>> -> memref<16x512xf32, #tpu.memory_space<vmem_shared>>
      %dma_wait3A_202 = arith.constant 0 : i32
      %dma_wait3A_203 = arith.constant 0 : i32
      %dma_wait3A_204 = tpu.memref_slice %arg9[%arg1, %dma_wait3A_202, %dma_wait3A_203] : memref<16x16x512xf32, #tpu.memory_space<vmem_shared>> -> memref<1x16x512xf32, #tpu.memory_space<vmem_shared>>
      %dma_wait3A_205 = tpu.memref_squeeze %dma_wait3A_204 : memref<1x16x512xf32, #tpu.memory_space<vmem_shared>> -> memref<16x512xf32, #tpu.memory_space<vmem_shared>>
      tpu.wait_dma2 semaphore(%run_scoped3A : memref<!tpu.dma_semaphore, #tpu.memory_space<semaphore_mem>>) src(%arg7 : memref<16x512xf32, #tpu.memory_space<vmem>>) dst(%dma_wait3A_205 : memref<16x512xf32, #tpu.memory_space<vmem_shared>>)
      tpu.yield
    }) : () -> ()
    %barrier3A = arith.constant 0 : index
    tpu.barrier barrier_id(%barrier3A)
    "tpu.region"() ({
      %run_scoped3A = tpu.sem_alloc : memref<!tpu.dma_semaphore, #tpu.memory_space<semaphore_mem>>
      %dma_start3A = arith.constant 0 : i32
      %dma_start3A_192 = arith.constant 0 : i32
      %dma_start3A_193 = tpu.memref_slice %arg9[%dma_start3A, %arg1, %dma_start3A_192] : memref<16x16x512xf32, #tpu.memory_space<vmem_shared>> -> memref<16x1x512xf32, #tpu.memory_space<vmem_shared>>
      %dma_start3A_194 = tpu.memref_squeeze %dma_start3A_193 : memref<16x1x512xf32, #tpu.memory_space<vmem_shared>> -> memref<16x512xf32, #tpu.memory_space<vmem_shared>>
      %dma_start3A_195 = arith.constant 0 : i32
      %dma_start3A_196 = arith.constant 0 : i32
      %dma_start3A_197 = tpu.memref_slice %arg9[%dma_start3A_195, %arg1, %dma_start3A_196] : memref<16x16x512xf32, #tpu.memory_space<vmem_shared>> -> memref<16x1x512xf32, #tpu.memory_space<vmem_shared>>
      %dma_start3A_198 = tpu.memref_squeeze %dma_start3A_197 : memref<16x1x512xf32, #tpu.memory_space<vmem_shared>> -> memref<16x512xf32, #tpu.memory_space<vmem_shared>>
      tpu.enqueue_dma source(%dma_start3A_198 : memref<16x512xf32, #tpu.memory_space<vmem_shared>>) target(%arg7 : memref<16x512xf32, #tpu.memory_space<vmem>>) target_semaphore(%run_scoped3A : memref<!tpu.dma_semaphore, #tpu.memory_space<semaphore_mem>>)
      %dma_wait3A = arith.constant 0 : i32
      %dma_wait3A_199 = arith.constant 0 : i32
      %dma_wait3A_200 = tpu.memref_slice %arg9[%dma_wait3A, %arg1, %dma_wait3A_199] : memref<16x16x512xf32, #tpu.memory_space<vmem_shared>> -> memref<16x1x512xf32, #tpu.memory_space<vmem_shared>>
      %dma_wait3A_201 = tpu.memref_squeeze %dma_wait3A_200 : memref<16x1x512xf32, #tpu.memory_space<vmem_shared>> -> memref<16x512xf32, #tpu.memory_space<vmem_shared>>
      %dma_wait3A_202 = arith.constant 0 : i32
      %dma_wait3A_203 = arith.constant 0 : i32
      %dma_wait3A_204 = tpu.memref_slice %arg9[%dma_wait3A_202, %arg1, %dma_wait3A_203] : memref<16x16x512xf32, #tpu.memory_space<vmem_shared>> -> memref<16x1x512xf32, #tpu.memory_space<vmem_shared>>
      %dma_wait3A_205 = tpu.memref_squeeze %dma_wait3A_204 : memref<16x1x512xf32, #tpu.memory_space<vmem_shared>> -> memref<16x512xf32, #tpu.memory_space<vmem_shared>>
      tpu.wait_dma2 semaphore(%run_scoped3A : memref<!tpu.dma_semaphore, #tpu.memory_space<semaphore_mem>>) src(%dma_wait3A_205 : memref<16x512xf32, #tpu.memory_space<vmem_shared>>) dst(%arg7 : memref<16x512xf32, #tpu.memory_space<vmem>>)
      tpu.yield
    }) : () -> ()
    %scan3A_180 = arith.constant 0 : i32
    %scan3A_181 = arith.constant 0 : i32
    %scan3A_182 = arith.constant 32 : i32
    %scan3A_183 = arith.addi %scan3A_181, %scan3A_182 : i32
    %scan3A_184 = arith.constant 1 : i32
    %scan3A_185 = scf.for %scan3A_192 = %scan3A_181 to %scan3A_183 step %scan3A_184 iter_args(%scan3A_193 = %scan3A_180) -> (i32)  : i32 {
      %mul3A_194 = arith.constant 16 : i32
      %mul3A_195 = arith.muli %scan3A_192, %mul3A_194 : i32
      %get3A_196 = arith.constant 0 : i32
      %get3A_197 = arith.index_cast %get3A_196 : i32 to index
      %get3A_198 = arith.index_cast %mul3A_195 : i32 to index
      %get3A_199 = tpu.vector_load %arg7[%get3A_197, %get3A_198] {strides = array<i32>} : memref<16x512xf32, #tpu.memory_space<vmem>>, vector<16xf32>,
      %get3A_200 = arith.constant 1 : i32
      %get3A_201 = arith.index_cast %get3A_200 : i32 to index
      %get3A_202 = arith.index_cast %mul3A_195 : i32 to index
      %get3A_203 = tpu.vector_load %arg7[%get3A_201, %get3A_202] {strides = array<i32>} : memref<16x512xf32, #tpu.memory_space<vmem>>, vector<16xf32>,
      %add3A_204 = arith.addf %get3A_199, %get3A_203 : vector<16xf32>
      %get3A_205 = arith.constant 2 : i32
      %get3A_206 = arith.index_cast %get3A_205 : i32 to index
      %get3A_207 = arith.index_cast %mul3A_195 : i32 to index
      %get3A_208 = tpu.vector_load %arg7[%get3A_206, %get3A_207] {strides = array<i32>} : memref<16x512xf32, #tpu.memory_space<vmem>>, vector<16xf32>,
      %add3A_209 = arith.addf %add3A_204, %get3A_208 : vector<16xf32>
      %get3A_210 = arith.constant 3 : i32
      %get3A_211 = arith.index_cast %get3A_210 : i32 to index
      %get3A_212 = arith.index_cast %mul3A_195 : i32 to index
      %get3A_213 = tpu.vector_load %arg7[%get3A_211, %get3A_212] {strides = array<i32>} : memref<16x512xf32, #tpu.memory_space<vmem>>, vector<16xf32>,
      %add3A_214 = arith.addf %add3A_209, %get3A_213 : vector<16xf32>
      %get3A_215 = arith.constant 4 : i32
      %get3A_216 = arith.index_cast %get3A_215 : i32 to index
      %get3A_217 = arith.index_cast %mul3A_195 : i32 to index
      %get3A_218 = tpu.vector_load %arg7[%get3A_216, %get3A_217] {strides = array<i32>} : memref<16x512xf32, #tpu.memory_space<vmem>>, vector<16xf32>,
      %add3A_219 = arith.addf %add3A_214, %get3A_218 : vector<16xf32>
      %get3A_220 = arith.constant 5 : i32
      %get3A_221 = arith.index_cast %get3A_220 : i32 to index
      %get3A_222 = arith.index_cast %mul3A_195 : i32 to index
      %get3A_223 = tpu.vector_load %arg7[%get3A_221, %get3A_222] {strides = array<i32>} : memref<16x512xf32, #tpu.memory_space<vmem>>, vector<16xf32>,
      %add3A_224 = arith.addf %add3A_219, %get3A_223 : vector<16xf32>
      %get3A_225 = arith.constant 6 : i32
      %get3A_226 = arith.index_cast %get3A_225 : i32 to index
      %get3A_227 = arith.index_cast %mul3A_195 : i32 to index
      %get3A_228 = tpu.vector_load %arg7[%get3A_226, %get3A_227] {strides = array<i32>} : memref<16x512xf32, #tpu.memory_space<vmem>>, vector<16xf32>,
      %add3A_229 = arith.addf %add3A_224, %get3A_228 : vector<16xf32>
      %get3A_230 = arith.constant 7 : i32
      %get3A_231 = arith.index_cast %get3A_230 : i32 to index
      %get3A_232 = arith.index_cast %mul3A_195 : i32 to index
      %get3A_233 = tpu.vector_load %arg7[%get3A_231, %get3A_232] {strides = array<i32>} : memref<16x512xf32, #tpu.memory_space<vmem>>, vector<16xf32>,
      %add3A_234 = arith.addf %add3A_229, %get3A_233 : vector<16xf32>
      %get3A_235 = arith.constant 8 : i32
      %get3A_236 = arith.index_cast %get3A_235 : i32 to index
      %get3A_237 = arith.index_cast %mul3A_195 : i32 to index
      %get3A_238 = tpu.vector_load %arg7[%get3A_236, %get3A_237] {strides = array<i32>} : memref<16x512xf32, #tpu.memory_space<vmem>>, vector<16xf32>,
      %add3A_239 = arith.addf %add3A_234, %get3A_238 : vector<16xf32>
      %get3A_240 = arith.constant 9 : i32
      %get3A_241 = arith.index_cast %get3A_240 : i32 to index
      %get3A_242 = arith.index_cast %mul3A_195 : i32 to index
      %get3A_243 = tpu.vector_load %arg7[%get3A_241, %get3A_242] {strides = array<i32>} : memref<16x512xf32, #tpu.memory_space<vmem>>, vector<16xf32>,
      %add3A_244 = arith.addf %add3A_239, %get3A_243 : vector<16xf32>
      %get3A_245 = arith.constant 10 : i32
      %get3A_246 = arith.index_cast %get3A_245 : i32 to index
      %get3A_247 = arith.index_cast %mul3A_195 : i32 to index
      %get3A_248 = tpu.vector_load %arg7[%get3A_246, %get3A_247] {strides = array<i32>} : memref<16x512xf32, #tpu.memory_space<vmem>>, vector<16xf32>,
      %add3A_249 = arith.addf %add3A_244, %get3A_248 : vector<16xf32>
      %get3A_250 = arith.constant 11 : i32
      %get3A_251 = arith.index_cast %get3A_250 : i32 to index
      %get3A_252 = arith.index_cast %mul3A_195 : i32 to index
      %get3A_253 = tpu.vector_load %arg7[%get3A_251, %get3A_252] {strides = array<i32>} : memref<16x512xf32, #tpu.memory_space<vmem>>, vector<16xf32>,
      %add3A_254 = arith.addf %add3A_249, %get3A_253 : vector<16xf32>
      %get3A_255 = arith.constant 12 : i32
      %get3A_256 = arith.index_cast %get3A_255 : i32 to index
      %get3A_257 = arith.index_cast %mul3A_195 : i32 to index
      %get3A_258 = tpu.vector_load %arg7[%get3A_256, %get3A_257] {strides = array<i32>} : memref<16x512xf32, #tpu.memory_space<vmem>>, vector<16xf32>,
      %add3A_259 = arith.addf %add3A_254, %get3A_258 : vector<16xf32>
      %get3A_260 = arith.constant 13 : i32
      %get3A_261 = arith.index_cast %get3A_260 : i32 to index
      %get3A_262 = arith.index_cast %mul3A_195 : i32 to index
      %get3A_263 = tpu.vector_load %arg7[%get3A_261, %get3A_262] {strides = array<i32>} : memref<16x512xf32, #tpu.memory_space<vmem>>, vector<16xf32>,
      %add3A_264 = arith.addf %add3A_259, %get3A_263 : vector<16xf32>
      %get3A_265 = arith.constant 14 : i32
      %get3A_266 = arith.index_cast %get3A_265 : i32 to index
      %get3A_267 = arith.index_cast %mul3A_195 : i32 to index
      %get3A_268 = tpu.vector_load %arg7[%get3A_266, %get3A_267] {strides = array<i32>} : memref<16x512xf32, #tpu.memory_space<vmem>>, vector<16xf32>,
      %add3A_269 = arith.addf %add3A_264, %get3A_268 : vector<16xf32>
      %get3A_270 = arith.constant 15 : i32
      %get3A_271 = arith.index_cast %get3A_270 : i32 to index
      %get3A_272 = arith.index_cast %mul3A_195 : i32 to index
      %get3A_273 = tpu.vector_load %arg7[%get3A_271, %get3A_272] {strides = array<i32>} : memref<16x512xf32, #tpu.memory_space<vmem>>, vector<16xf32>,
      %add3A_274 = arith.addf %add3A_269, %get3A_273 : vector<16xf32>
      %swap3A = arith.index_cast %mul3A_195 : i32 to index
      %swap3A_275 = tpu.vector_load %arg8[%swap3A] {strides = array<i32>} : memref<512xf32, #tpu.memory_space<vmem>>, vector<16xf32>,
      tpu.vector_store %arg8[%swap3A], %add3A_274 {strides = array<i32>} : memref<512xf32, #tpu.memory_space<vmem>>, vector<16xf32>,
      %scan3A_276 = arith.constant 0 : i32
      scf.yield %scan3A_276 : i32
    }
    %scan3A_186 = arith.constant 32 : i32
    "tpu.region"() ({
      %run_scoped3A = tpu.sem_alloc : memref<!tpu.dma_semaphore, #tpu.memory_space<semaphore_mem>>
      %dma_start3A = arith.constant 0 : i32
      %dma_start3A_192 = tpu.memref_slice %arg10[%arg1, %dma_start3A] : memref<16x512xf32, #tpu.memory_space<vmem_shared>> -> memref<1x512xf32, #tpu.memory_space<vmem_shared>>
      %dma_start3A_193 = tpu.memref_squeeze %dma_start3A_192 : memref<1x512xf32, #tpu.memory_space<vmem_shared>> -> memref<512xf32, #tpu.memory_space<vmem_shared>>
      %dma_start3A_194 = arith.constant 0 : i32
      %dma_start3A_195 = tpu.memref_slice %arg10[%arg1, %dma_start3A_194] : memref<16x512xf32, #tpu.memory_space<vmem_shared>> -> memref<1x512xf32, #tpu.memory_space<vmem_shared>>
      %dma_start3A_196 = tpu.memref_squeeze %dma_start3A_195 : memref<1x512xf32, #tpu.memory_space<vmem_shared>> -> memref<512xf32, #tpu.memory_space<vmem_shared>>
      tpu.enqueue_dma source(%arg8 : memref<512xf32, #tpu.memory_space<vmem>>) target(%dma_start3A_196 : memref<512xf32, #tpu.memory_space<vmem_shared>>) target_semaphore(%run_scoped3A : memref<!tpu.dma_semaphore, #tpu.memory_space<semaphore_mem>>)
      %dma_wait3A = arith.constant 0 : i32
      %dma_wait3A_197 = tpu.memref_slice %arg10[%arg1, %dma_wait3A] : memref<16x512xf32, #tpu.memory_space<vmem_shared>> -> memref<1x512xf32, #tpu.memory_space<vmem_shared>>
      %dma_wait3A_198 = tpu.memref_squeeze %dma_wait3A_197 : memref<1x512xf32, #tpu.memory_space<vmem_shared>> -> memref<512xf32, #tpu.memory_space<vmem_shared>>
      %dma_wait3A_199 = arith.constant 0 : i32
      %dma_wait3A_200 = tpu.memref_slice %arg10[%arg1, %dma_wait3A_199] : memref<16x512xf32, #tpu.memory_space<vmem_shared>> -> memref<1x512xf32, #tpu.memory_space<vmem_shared>>
      %dma_wait3A_201 = tpu.memref_squeeze %dma_wait3A_200 : memref<1x512xf32, #tpu.memory_space<vmem_shared>> -> memref<512xf32, #tpu.memory_space<vmem_shared>>
      tpu.wait_dma2 semaphore(%run_scoped3A : memref<!tpu.dma_semaphore, #tpu.memory_space<semaphore_mem>>) src(%arg8 : memref<512xf32, #tpu.memory_space<vmem>>) dst(%dma_wait3A_201 : memref<512xf32, #tpu.memory_space<vmem_shared>>)
      tpu.yield
    }) : () -> ()
    %barrier3A_187 = arith.constant 0 : index
    tpu.barrier barrier_id(%barrier3A_187)
    %eq3A = arith.constant 0 : i32
    %eq3A_188 = arith.cmpi eq, %arg1, %eq3A : i32
    %convert_element_type3A_189 = arith.extui %eq3A_188 : i1 to i32
    %cond3A_190 = arith.constant 0 : i32
    %cond3A_191 = arith.cmpi ne, %convert_element_type3A_189, %cond3A_190 : i32
    scf.if %cond3A_191 {
      "tpu.region"() ({
        %run_scoped3A = tpu.sem_alloc : memref<!tpu.dma_semaphore, #tpu.memory_space<semaphore_mem>>
        %dma_start3A = arith.constant 0 : i32
        %dma_start3A_192 = tpu.memref_slice %arg4[%dma_start3A, %mul3A_0] : memref<16x1024xf32, #tpu.memory_space<hbm>> -> memref<16x512xf32, #tpu.memory_space<hbm>>
        tpu.enqueue_dma source(%arg10 : memref<16x512xf32, #tpu.memory_space<vmem_shared>>) target(%dma_start3A_192 : memref<16x512xf32, #tpu.memory_space<hbm>>) target_semaphore(%run_scoped3A : memref<!tpu.dma_semaphore, #tpu.memory_space<semaphore_mem>>)
        %dma_wait3A = arith.constant 0 : i32
        %dma_wait3A_193 = tpu.memref_slice %arg4[%dma_wait3A, %mul3A_0] : memref<16x1024xf32, #tpu.memory_space<hbm>> -> memref<16x512xf32, #tpu.memory_space<hbm>>
        tpu.wait_dma2 semaphore(%run_scoped3A : memref<!tpu.dma_semaphore, #tpu.memory_space<semaphore_mem>>) src(%arg10 : memref<16x512xf32, #tpu.memory_space<vmem_shared>>) dst(%dma_wait3A_193 : memref<16x512xf32, #tpu.memory_space<hbm>>)
        tpu.yield
      }) : () -> ()
    } else {
    }
    return
  }
}

module attributes {stable_mosaic.version = 14 : i64} {
  func.func @_tc_body(%arg0: i32, %arg1: i32, %arg2: memref<16xi32, #tpu.memory_space<smem>>, %arg3: memref<16xi32, #tpu.memory_space<smem>>, %arg4: memref<16xi32, #tpu.memory_space<smem>>, %arg5: memref<1x512x1024xf32, #tpu.memory_space<vmem>>, %arg6: memref<1x1x1024xf32, #tpu.memory_space<vmem>>) attributes {dimension_semantics = [#tpu.dimension_semantics<arbitrary>, #tpu.dimension_semantics<arbitrary>], iteration_bounds = array<i64: 16, 8>, scalar_prefetch = 3 : i64, scratch_operands = 0 : i64, tpu.core_type = #tpu.core_type<tc>, window_params = [{transform_indices = @transform_0, window_bounds = array<i64: 1, 512, 1024>}, {transform_indices = @transform_1, window_bounds = array<i64: 1, 1, 1024>}]} {
    %eq3A = arith.constant 0 : i32
    %eq3A_0 = arith.cmpi eq, %arg1, %eq3A : i32
    %convert_element_type3A = arith.extui %eq3A_0 : i1 to i32
    %cond3A = arith.constant 0 : i32
    %cond3A_1 = arith.cmpi ne, %convert_element_type3A, %cond3A : i32
    scf.if %cond3A_1 {
      %broadcast_in_dim3A = arith.constant 0.000000e+00 : f32
      %broadcast_in_dim3A_8 = vector.broadcast %broadcast_in_dim3A : f32 to vector<1x1x1024xf32>
      %swap3A = arith.constant 0 : index
      %swap3A_9 = arith.constant 0 : index
      %swap3A_10 = arith.constant 0 : index
      %swap3A_11 = vector.load %arg6[%swap3A, %swap3A_9, %swap3A_10] : memref<1x1x1024xf32, #tpu.memory_space<vmem>>, vector<1x1x1024xf32>
      tpu.vector_store %arg6[%swap3A, %swap3A_9, %swap3A_10], %broadcast_in_dim3A_8 {strides = array<i32>} : memref<1x1x1024xf32, #tpu.memory_space<vmem>>, vector<1x1x1024xf32>,
    } else {
    }
    %get3A = arith.index_cast %arg0 : i32 to index
    %get3A_2 = memref.load %arg2[%get3A] : memref<16xi32, #tpu.memory_space<smem>>
    %get3A_3 = arith.index_cast %arg0 : i32 to index
    %get3A_4 = memref.load %arg3[%get3A_3] : memref<16xi32, #tpu.memory_space<smem>>
    %add3A = arith.addi %get3A_2, %arg1 : i32
    %lt3A = arith.cmpi slt, %add3A, %get3A_4 : i32
    %convert_element_type3A_5 = arith.extui %lt3A : i1 to i32
    %cond3A_6 = arith.constant 0 : i32
    %cond3A_7 = arith.cmpi ne, %convert_element_type3A_5, %cond3A_6 : i32
    scf.if %cond3A_7 {
      %add3A_8 = arith.addi %get3A_2, %arg1 : i32
      %mul3A = arith.constant 512 : i32
      %mul3A_9 = arith.muli %add3A_8, %mul3A : i32
      %iota3A = tpu.iota {dimensions = array<i32: 1>} : vector<1x512xi32>
      %add3A_10 = vector.broadcast %mul3A_9 : i32 to vector<1x512xi32>
      %add3A_11 = arith.addi %add3A_10, %iota3A : vector<1x512xi32>
      %get3A_12 = arith.index_cast %arg0 : i32 to index
      %get3A_13 = memref.load %arg4[%get3A_12] : memref<16xi32, #tpu.memory_space<smem>>
      %lt3A_14 = vector.broadcast %get3A_13 : i32 to vector<1x512xi32>
      %lt3A_15 = arith.cmpi slt, %add3A_11, %lt3A_14 : vector<1x512xi32>
      %convert_element_type3A_16 = arith.extui %lt3A_15 : vector<1x512xi1> to vector<1x512xi32>
      %convert_element_type3A_17 = arith.sitofp %convert_element_type3A_16 : vector<1x512xi32> to vector<1x512xf32>
      %get3A_18 = arith.constant 0 : index
      %get3A_19 = arith.constant 0 : index
      %get3A_20 = arith.constant 0 : index
      %get3A_21 = vector.load %arg6[%get3A_18, %get3A_19, %get3A_20] : memref<1x1x1024xf32, #tpu.memory_space<vmem>>, vector<1x1x1024xf32>
      %get3A_22 = arith.constant 0 : index
      %get3A_23 = arith.constant 0 : index
      %get3A_24 = arith.constant 0 : index
      %get3A_25 = vector.load %arg5[%get3A_22, %get3A_23, %get3A_24] : memref<1x512x1024xf32, #tpu.memory_space<vmem>>, vector<1x512x1024xf32>
      %get3A_26 = vector.shape_cast %get3A_25 : vector<1x512x1024xf32> to vector<512x1024xf32>
      %dot_general3A = arith.constant dense<0.000000e+00> : vector<1x1024xf32>
      %dot_general3A_27 = tpu.matmul %convert_element_type3A_17, %get3A_26, %dot_general3A {dimension_numbers = #tpu.dot_dimension_numbers<[1], [0], [0], [1], [0, 0, 1, 1], [], []>, transpose_lhs_hint = false} : vector<1x512xf32>, vector<512x1024xf32>, vector<1x1024xf32> -> vector<1x1024xf32>
      %broadcast_in_dim3A = vector.shape_cast %dot_general3A_27 : vector<1x1024xf32> to vector<1x1x1024xf32>
      %add3A_28 = arith.addf %get3A_21, %broadcast_in_dim3A : vector<1x1x1024xf32>
      %swap3A = arith.constant 0 : index
      %swap3A_29 = arith.constant 0 : index
      %swap3A_30 = arith.constant 0 : index
      %swap3A_31 = vector.load %arg6[%swap3A, %swap3A_29, %swap3A_30] : memref<1x1x1024xf32, #tpu.memory_space<vmem>>, vector<1x1x1024xf32>
      tpu.vector_store %arg6[%swap3A, %swap3A_29, %swap3A_30], %add3A_28 {strides = array<i32>} : memref<1x1x1024xf32, #tpu.memory_space<vmem>>, vector<1x1x1024xf32>,
    } else {
    }
    return
  }
  func.func @transform_0(%arg0: i32, %arg1: i32, %arg2: memref<16xi32, #tpu.memory_space<smem>>, %arg3: memref<16xi32, #tpu.memory_space<smem>>, %arg4: memref<16xi32, #tpu.memory_space<smem>>) -> (i32, i32, i32) {
    %get3A = arith.index_cast %arg0 : i32 to index
    %get3A_0 = memref.load %arg2[%get3A] : memref<16xi32, #tpu.memory_space<smem>>
    %add3A = arith.addi %get3A_0, %arg1 : i32
    %get3A_1 = arith.index_cast %arg0 : i32 to index
    %get3A_2 = memref.load %arg3[%get3A_1] : memref<16xi32, #tpu.memory_space<smem>>
    %sub3A = arith.constant 1 : i32
    %sub3A_3 = arith.subi %get3A_2, %sub3A : i32
    %min3A = arith.minsi %add3A, %sub3A_3 : i32
    %max3A = arith.constant 0 : i32
    %max3A_4 = arith.maxsi %min3A, %max3A : i32
    %c0_i32 = arith.constant 0 : i32
    %c0_i32_5 = arith.constant 0 : i32
    return %arg0, %max3A_4, %c0_i32 : i32, i32, i32
  }
  func.func @transform_1(%arg0: i32, %arg1: i32, %arg2: memref<16xi32, #tpu.memory_space<smem>>, %arg3: memref<16xi32, #tpu.memory_space<smem>>, %arg4: memref<16xi32, #tpu.memory_space<smem>>) -> (i32, i32, i32) {
    %c0_i32 = arith.constant 0 : i32
    %c0_i32_0 = arith.constant 0 : i32
    %c0_i32_1 = arith.constant 0 : i32
    return %arg0, %c0_i32, %c0_i32_0 : i32, i32, i32
  }
}

module attributes {stable_mosaic.version = 14 : i64} {
  func.func @_combine_body(%arg0: memref<16x1024xf32, #tpu.memory_space<vmem>>, %arg1: memref<16x1024xf32, #tpu.memory_space<vmem>>, %arg2: memref<16x1xf32, #tpu.memory_space<vmem>>, %arg3: memref<16x1024xf32, #tpu.memory_space<vmem>>) attributes {dimension_semantics = [], scalar_prefetch = 0 : i64, scratch_operands = 0 : i64, tpu.core_type = #tpu.core_type<tc>} {
    %get3A = arith.constant 0 : index
    %get3A_0 = arith.constant 0 : index
    %get3A_1 = vector.load %arg0[%get3A, %get3A_0] : memref<16x1024xf32, #tpu.memory_space<vmem>>, vector<16x1024xf32>
    %get3A_2 = arith.constant 0 : index
    %get3A_3 = arith.constant 0 : index
    %get3A_4 = vector.load %arg1[%get3A_2, %get3A_3] : memref<16x1024xf32, #tpu.memory_space<vmem>>, vector<16x1024xf32>
    %add3A = arith.addf %get3A_1, %get3A_4 : vector<16x1024xf32>
    %get3A_5 = arith.constant 0 : index
    %get3A_6 = arith.constant 0 : index
    %get3A_7 = vector.load %arg2[%get3A_5, %get3A_6] : memref<16x1xf32, #tpu.memory_space<vmem>>, vector<16x1xf32>
    %mul3A = vector.broadcast %get3A_7 : vector<16x1xf32> to vector<16x1024xf32>
    %mul3A_8 = arith.mulf %add3A, %mul3A : vector<16x1024xf32>
    %swap3A = arith.constant 0 : index
    %swap3A_9 = arith.constant 0 : index
    %swap3A_10 = vector.load %arg3[%swap3A, %swap3A_9] : memref<16x1024xf32, #tpu.memory_space<vmem>>, vector<16x1024xf32>
    tpu.vector_store %arg3[%swap3A, %swap3A_9], %mul3A_8 {strides = array<i32>} : memref<16x1024xf32, #tpu.memory_space<vmem>>, vector<16x1024xf32>,
    return
  }
}

</mosaic_0001>

<sc_bundles>
// kernel: kernel.5.cloned.1.call-start
scs
__scs_entry_jumppad:
0x0: {  	(pc) =	sbr.rel $0x88, $3  }
0x1: {  	(tag) =	ssettag $0x0;
	lr =	simm.s32 $0x1  }
0x2: {  	[smem:$0x3F9F] =	sst lr;
	_ =	strace $0xD0000000  }
0x3: {  	_ = 	snop  }
0x4: {  	_ = 	snop  }
0x5: {  	_ = 	snop  }
0x6: {  	_ = 	snop  }
0x7: {  	_ = 	snop  }
__scs_overlays_trampoline_lowered:
0x8: {  	[smem:$0x3FAE] =	sst s0  }
0x9: {  	[smem:$0x3FAF] =	sst s1  }
0xa: {  	[smem:$0x3FB0] =	sst s2  }
0xb: {  	[smem:$0x3FB1] =	sst s3  }
0xc: {  	[smem:$0x3FB2] =	sst s4  }
0xd: {  	[smem:$0x3FB3] =	sst s5  }
0xe: {  	[smem:$0x3FB4] =	sst s6  }
0xf: {  	[smem:$0x3FB5] =	sst s7  }
0x10: {  	[smem:$0x3FB6] =	sst s8  }
0x11: {  	[smem:$0x3FB7] =	sst s9;
	s0 =	simm.s32 @!p0 $0x0  }
0x12: {  	s1 =	sld [smem:$0x3F9D];
	s0 =	simm.s32 @p0 $0x1  }
0x13: {  	[smem:$0x3FB8] =	sst s0;
	s0 =	simm.s32 @!p1 $0x0  }
0x14: {  	s2 =	sld [smem:$0x3F9C];
	s0 =	simm.s32 @p1 $0x1  }
0x15: {  	[smem:$0x3FB9] =	sst s0;
	s0 =	simm.s32 @!p2 $0x0  }
0x16: {  	s3 =	sld [smem:$0x3FDB];
	s0 =	simm.s32 @p2 $0x1  }
0x17: {  	s4 =	simm.s32 $0x1BF5;
	[smem:$0x3FBB] =	sst s0  }
0x18: {  	s0 =	sld [smem:$0x3F9E];
	_ =	swait.ge [sflag:s4], $0x0  }
0x19: {  	s7 =	sld [smem:$0x3F9F]  }
0x1a: {  	s8 =	sadd.s32 $0xFFFFE003, lr  }
0x1b: {  	s9 =	sadd.s32 $0xFFFFFEF7, lr;
	s5 =	simm.s32 $0xFFFFFFFF;
	p2 =	slt.u32 s8, $0xFFFFF086  }
0x1c: {  	p1 =	slt.u32 s9, $0xF7A;
	s5 =	simm.s32 @!p2 $0x0  }
0x1d: {  	s5 =	simm.s32 @p1 $0x1;
	p0 =	seq.s32 s7, s2  }
0x1e: {  	s7 =	smul.u32 @!p0 $0xF7A, s2;
	p2 =	seq.s32 @!p0 s5, $0x0  }
0x1f: {  	s9 =	smul.u32 $0xF7A, s1;
	s8 =	simm.s32 @!p0 $0x1BF5;
	p2 =	por !p2, p0  }
0x20: {  	[sflag:s8] =	ssyncset.s32 @!p0 $0xFFFFF086;
	s6 =	sadd.s32 @!p0 s3, s7;
	s7 =	simm.s32 @!p0 $0x108  }
0x21: {  	s3 =	sadd.s32 s3, s9;
	s6 =	sadd.s32 @!p0 $0x88, s6;
	s7 =	simm.s32 @p2 $0x1082  }
0x22: {  	[simem:s7], [sflag:s8] =	dma.local @!p0 [hbm:s6], $0xF7A  }
0x23: {  	s9 =	sor.u32 $0xD0000000, s2;
	s6 =	simm.s32 $0x108;
	_ =	swait.ge @!p0 [sflag:s8], $0x0  }
0x24: {  	s3 =	sadd.s32 $0x88, s3;
	s6 =	simm.s32 @!p1 $0x1082;
	[sflag:s4] =	ssyncset.s32 $0xFFFFF086  }
0x25: {  	[simem:s6], [sflag:s4] =	dma.local [hbm:s3], $0xF7A  }
0x26: {  	[smem:$0x3F9F] =	sst s1;
	(tag) =	ssettag s2;
	_ =	strace s9  }
0x27: {  	s1 =	sld [smem:$0x3FAF]  }
0x28: {  	s2 =	sld [smem:$0x3FB0]  }
0x29: {  	s4 =	sld [smem:$0x3FB2]  }
0x2a: {  	p0 =	seq.s32 s5, $0x0;
	s5 =	sld [smem:$0x3FB3]  }
0x2b: {  	s6 =	sld [smem:$0x3FB4]  }
0x2c: {  	s7 =	sld [smem:$0x3FB5]  }
0x2d: {  	s3 =	simm.s32 $0x108;
	s8 =	sld [smem:$0x3FB6]  }
0x2e: {  	s3 =	simm.s32 @!p0 $0x1082;
	s9 =	sld [smem:$0x3FB7]  }
0x2f: {  	lr =	sadd.s32 s0, s3;
	s0 =	sld [smem:$0x3FAE]  }
0x30: {  	s3 =	sld [smem:$0x3FB1]  }
0x31: {  	[smem:$0x3FBA] =	sst s10  }
0x32: {  	s10 =	sld [smem:$0x3FB8];
	_ =	sdelay $0x3  }
0x33: {  	p0 =	seq.s32 s10, $0x1;
	s10 =	sld [smem:$0x3FBA];
	_ =	sdelay $0x3  }
0x34: {  	[smem:$0x3FBA] =	sst s10  }
0x35: {  	s10 =	sld [smem:$0x3FB9];
	_ =	sdelay $0x3  }
0x36: {  	p1 =	seq.s32 s10, $0x1;
	s10 =	sld [smem:$0x3FBA];
	_ =	sdelay $0x3  }
0x37: {  	[smem:$0x3FBA] =	sst s10  }
0x38: {  	s10 =	sld [smem:$0x3FBB]  }
0x39: {  	_ = 	snop;
	(pc) =	sbr.ind lr, $3  }
0x3a: {  	_ = 	snop  }
0x3b: {  	_ = 	snop  }
0x3c: {  	p2 =	seq.s32 s10, $0x1;
	s10 =	sld [smem:$0x3FBA]  }
0x3d: {  	_ =	shalt  }
0x3e: {  	_ =	shalt  }
0x3f: {  	_ =	shalt  }
0x40: {  	_ =	shalt  }
0x41: {  	_ =	shalt  }
0x42: {  	_ =	shalt  }
0x43: {  	_ =	shalt  }
0x44: {  	_ =	shalt  }
0x45: {  	_ =	shalt  }
0x46: {  	_ =	shalt  }
0x47: {  	_ =	shalt  }
0x48: {  	_ =	shalt  }
0x49: {  	_ =	shalt  }
0x4a: {  	_ =	shalt  }
0x4b: {  	_ =	shalt  }
0x4c: {  	_ =	shalt  }
0x4d: {  	_ =	shalt  }
0x4e: {  	_ =	shalt  }
0x4f: {  	_ =	shalt  }
0x50: {  	_ =	shalt  }
0x51: {  	_ =	shalt  }
0x52: {  	_ =	shalt  }
0x53: {  	_ =	shalt  }
0x54: {  	_ =	shalt  }
0x55: {  	_ =	shalt  }
0x56: {  	_ =	shalt  }
0x57: {  	_ =	shalt  }
0x58: {  	_ =	shalt  }
0x59: {  	_ =	shalt  }
0x5a: {  	_ =	shalt  }
0x5b: {  	_ =	shalt  }
0x5c: {  	_ =	shalt  }
0x5d: {  	_ =	shalt  }
0x5e: {  	_ =	shalt  }
0x5f: {  	_ =	shalt  }
0x60: {  	_ =	shalt  }
0x61: {  	_ =	shalt  }
0x62: {  	_ =	shalt  }
0x63: {  	_ =	shalt  }
0x64: {  	_ =	shalt  }
0x65: {  	_ =	shalt  }
0x66: {  	_ =	shalt  }
0x67: {  	_ =	shalt  }
0x68: {  	_ =	shalt  }
0x69: {  	_ =	shalt  }
0x6a: {  	_ =	shalt  }
0x6b: {  	_ =	shalt  }
0x6c: {  	_ =	shalt  }
0x6d: {  	_ =	shalt  }
0x6e: {  	_ =	shalt  }
0x6f: {  	_ =	shalt  }
0x70: {  	_ =	shalt  }
0x71: {  	_ =	shalt  }
0x72: {  	_ =	shalt  }
0x73: {  	_ =	shalt  }
0x74: {  	_ =	shalt  }
0x75: {  	_ =	shalt  }
0x76: {  	_ =	shalt  }
0x77: {  	_ =	shalt  }
0x78: {  	_ =	shalt  }
0x79: {  	_ =	shalt  }
0x7a: {  	_ =	shalt  }
0x7b: {  	_ =	shalt  }
0x7c: {  	_ =	shalt  }
0x7d: {  	_ =	shalt  }
0x7e: {  	_ =	shalt  }
0x7f: {  	_ =	shalt  }
0x80: {  	_ =	shalt  }
0x81: {  	_ =	shalt  }
0x82: {  	_ =	shalt  }
0x83: {  	_ =	shalt  }
0x84: {  	_ =	shalt  }
0x85: {  	_ =	shalt  }
0x86: {  	_ =	shalt  }
0x87: {  	_ =	shalt  }
.Lfunc_end0:
.L_simem_size_0:
called_computation_lowered:
.L_overlay_start_0:
0x88: {  	s2 =	sld [smem:$0x3FD9]  }
0x89: {  	s3 =	sld [smem:$0x3FFE];
	_ =	sdelay $0x1  }
0x8a: {  	s1 =	srdreg.scid  }
0x8b: {  	s0 =	sand.u32 $0x1, s1  }
0x8c: {  	s17 =	sshll.u32 s0, $0xA;
	s2 =	sadd.s32 s3, s2  }
0x8d: {  	s2 =	sadd.s32 s2, s17  }
0x8e: {  	[smem:$0x3FC6] =	sst s2  }
0x8f: {  	_ = 	snop  }
0x90: {  	s2 =	sld [smem:$0x3FC9]  }
0x91: {  	s18 =	sld [smem:$0x3FD0];
	(tm) =	ssettm $0x1  }
0x92: {  	s4 =	sld [smem:$0x3FFB];
	_ =	sdelay $0x3  }
0x93: {  	_ =	strace s4  }
0x94: {  	s4 =	sld [smem:$0x3FFC];
	_ =	sdelay $0x3  }
0x95: {  	_ =	strace s4  }
0x96: {  	s4 =	sld [smem:$0x3FFD];
	_ =	sdelay $0x3  }
0x97: {  	_ =	strace s4  }
0x98: {  	_ =	strace $0x8FFFFFFF  }
0x99: {  	s19 =	sld [smem:$0x3FDB];
	_ =	sdelay $0x1  }
0x9a: {  	s5 =	simm.s32 $_scs_section_size  }
0x9b: {  	s6 =	simm.s32 $_size__tile_overlayer_lowered;
	s7 =	simm.s32 $_tile_overlayer_lowered  }
0x9c: {  	s22 =	simm.s32 $0x1BFF;
	s21 =	sshll.u32 s7, $0x1;
	s4 =	sadd.s32 s5, s19  }
0x9d: {  	s8 =	simm.s32 $0x0;
	s20 =	sshll.u32 s6, $0x1;
	s6 =	sadd.s32 s21, s4  }
0x9e: {  	[timem:s8], [sflag:s22] =	dma.local [hbm:s6], s20  }
0x9f: {  	_ =	swait.ge [sflag:s22], s20  }
0xa0: {  	s5 =	ssub.s32 $0x0, s20;
	[sflag:s22] =	ssyncset.done $0x0  }
0xa1: {  	[sflag:s22] =	ssyncadd.s32 s5;
	_ =	sdelay $0x1  }
0xa2: {  	s23 =	simm.s32 $0x1B8B  }
0xa3: {  	_ =	swait.ge [sflag:s23], $0x1  }
0xa4: {  	[sflag:s23] =	ssyncset.done $0x0  }
0xa5: {  	s25 =	simm.s32 $0x1B8E;
	s24 =	sld [smem:$0x3FFE];
	[sflag:s23] =	ssyncadd.s32 $0xFFFFFFFF  }
0xa6: {  	s26 =	simm.s32 $execute0_lowered;
	[smem:$0x3FD2] =	sst s25  }
0xa7: {  	s6 =	sshll.u32 s26, $0x1;
	_ =	strace $0x80000046;
	[dreg:$0x1] =	wrdreg $0xFFFFFFFF  }
0xa8: {  	s28 =	simm.s32 $_size_execute0_lowered;
	s4 =	sadd.s32 s4, s6;
	[dreg:$0x0] =	wrdreg $0x0  }
0xa9: {  	s6 =	sshll.u32 s28, $0x1;
	[dreg:$0x2] =	wrdreg s4  }
0xaa: {  	[dreg:$0x3] =	wrdreg s6  }
0xab: {  	[dreg:$0x4] =	wrdreg $0xC0  }
0xac: {  	_ =	task [dreg:s8], $0x5FFFF  }
0xad: {  	[dreg:$0x1] =	wrdreg $0xFFFFFFFF  }
0xae: {  	[dreg:$0x0] =	wrdreg $0x60  }
0xaf: {  	[dreg:$0x2] =	wrdreg s2  }
0xb0: {  	[dreg:$0x3] =	wrdreg s24  }
0xb1: {  	[dreg:$0x4] =	wrdreg s18  }
0xb2: {  	[dreg:$0x5] =	wrdreg $0x122800  }
0xb3: {  	[dreg:$0x6] =	wrdreg $0x142800  }
0xb4: {  	[dreg:$0x7] =	wrdreg $0x9  }
0xb5: {  	_ =	task.clear_ibuf [dreg:s8], $0x8FFFF;
	_ =	strace $0x90000046  }
0xb6: {  	s29 =	simm.s32 $0x9;
	_ =	strace $0x80000048  }
0xb7: {  	_ =	swait.ge [sflag:s29], $0x1  }
0xb8: {  	[sflag:s29] =	ssyncadd.s32 $0xFFFFFFFF  }
0xb9: {  	_ =	strace $0x90000048  }
0xba: {  	_ =	sfence  }
0xbb: {  	s30 =	sld [smem:$0x0];
	_ =	sdelay $0x2  }
0xbc: {  	s31 =	sshll.u32 s1, $0xD;
	s1 =	sshrl.u32 s1, $0x2  }
0xbd: {  	s3 =	sand.u32 $0x4000, s31;
	s1 =	sadd.s32 s1, s30  }
0xbe: {  	s0 =	sor.u32 s3, s0;
	s1 =	sshll.u32 s1, $0x11  }
0xbf: {  	s0 =	sor.u32 s1, s0  }
0xc0: {  	s0 =	sadd.s32 $0x8F2B, s0  }
0xc1: {  	[sflag:s0] =	ssyncadd.remote.s32 $0x1  }
0xc2: {  	_ =	sfence.sel $0xFFFF  }
0xc3: {  	[dreg:$0x0] =	wrdreg $0xFFFFFFFF;
	(pc) =	sbr.abs _section_cstart, $3  }
0xc4: {  	[dreg:$0x1] =	wrdreg $0xFFFFFFFF  }
0xc5: {  	_ =	task.clear_ibuf [dreg:s8], $0x2FFFF;
	_ =	strace $0x9FFFFFFF  }
0xc6: {  	(tm) =	ssettm $0x7FFFFFFF  }
0xc7: {  	_ =	shalt  }
tec
execute0_lowered:
.L_overlay_start_1:
0x0: {  	(tag) =	ssettag $0x1  }
0x1: {  	s1 =	rddreg [dreg:$0x0]  }
0x2: {  	s0 =	rddreg [dreg:$0x1]  }
0x3: {  	s2 =	rddreg [dreg:$0x2]  }
0x4: {  	s3 =	rddreg [dreg:$0x3]  }
0x5: {  	s11 =	rddreg [dreg:$0x4];
	s5 =	simm.s32 $0x0;
	s4 =	srdreg.scid  }
0x6: {  	s23 =	stileid.u32;
	s19 =	simm.s32 $0x5;
	s21 =	simm.s32 $0x2000  }
0x7: {  	[smem:$0x7FF] =	sst s5;
	s4 =	sand.u32 $0x1, s4;
	s0 =	sadd.s32 $0x1C00, s0  }
0x8: {  	s24 =	sshll.u32 s23, $0x9;
	s7 =	sshll.u32 s23, $0x7;
	s8 =	sadd.s32 $0x1, s23  }
0x9: {  	s10 =	sshll.u32 s23, $0xD;
	p0 =	sne.s32 s23, $0x0;
	_ =	strace $0x80000047  }
0xa: {  	s22 =	ssub.s32 $0x2, s4;
	[dreg:$0x6] =	wrdreg s0;
	s9 =	sand.u32 $0x1000, s24  }
0xb: {  	s7 =	sand.u32 $0x380, s7;
	s5 =	sshll.u32 s4, $0xC;
	s25 =	sadd.s32 s10, s3  }
0xc: {  	s26 =	sshll.u32 s4, $0x9;
	s24 =	simm.s32 $0x0;
	s6 =	sshrl.u32 s22, $0x1  }
0xd: {  	s9 =	sor.u32 s7, s9;
	[dreg:$0x7] =	wrdreg s25;
	s2 =	sadd.s32 s2, s26  }
0xe: {  	s18 =	sor.u32 $0xFFC00000, s5;
	s6 =	ssub.s32 s22, s6;
	s7 =	sadd.s32 s9, s3  }
0xf: {  	s28 =	sadd.s32 s9, s11;
	[dreg:$0x9] =	wrdreg s2;
	s22 =	simm.s32 $0x80  }
0x10: {  	[dreg:$0x8] =	wrdreg s28;
	s29 =	smax.u32 s6, $0x1;
	s30 =	sadd.s32 $0x400, s7  }
0x11: {  	s31 =	sadd.s32 $0x800, s7;
	s13 =	sadd.s32 $0xC00, s7;
	[dreg:$0xa] =	wrdreg s29  }
0x12: {  	v2 =	vimm.f32 $0.0e+00;
	v3 =	vimm.s32 $0x0;
	s14 =	sadd.s32 $0x10000, s7;
	s15 =	sadd.s32 $0x10400, s7;
	[dreg:$0xb] =	wrdreg s30  }
0x13: {  	v4 =	vlaneseq.u32;
	v0 =	vmov s23;
	v1 =	vmov s8;
	s16 =	sadd.s32 $0x10800, s7;
	s17 =	sadd.s32 $0x10C00, s7;
	[dreg:$0xc] =	wrdreg s31  }
.LBB2_1:
0x14: {  	s0 =	simm.s32 $0x0;
	s2 =	rddreg [dreg:$0x6]  }
0x15: {  	[tilespmem:s0], [sflag:$0x5] =	stream.linear.gather [hbm4b:s2+s0], $0x80, $0x38;
	[tilespmem:$0x14480] =	vst v63  }
0x16: {  	_ =	swait.ge [sflag:s19], $0x80  }
0x17: {  	[sflag:s19] =	ssyncset.done $0x0  }
0x18: {  	[sflag:s19] =	ssyncadd.s32 $0xFFFFFF80  }
0x19: {  	s0 =	simm.s32 $0x0;
	v5 =	vld [tilespmem:$0x0]  }
.LBB2_2:
0x1a: {  	s2 =	sshll.u32 s0, $0x9;
	s3 =	sshll.u32 s0, $0x7  }
0x1b: {  	s2 =	sand.u32 $0x1000, s2;
	s3 =	sand.u32 $0x380, s3  }
0x1c: {  	s3 =	sor.u32 s3, s2;
	s2 =	simm.s32 $0x0  }
0x1d: {  	s3 =	sadd.s32 $0x10080, s3;
	s4 =	sand.u32 $0xC00, s2  }
0x1e: {  	s6 =	sand.u32 $0x70, s2;
	s8 =	sadd.s32 s4, s3  }
0x1f: {  	s4 =	simm.s32 $0x10;
	s6 =	sadd.s32 s6, s8  }
.LBB2_3:
0x20: {  	p1 =	sne.s32 s4, $0x1F0  }
0x21: {  	[tilespmem:s6+$0x0] =	vst v2;
	s2 =	sadd.s32 $0x80, s2;
	s6 =	smov.u32 s4;
	s4 =	sadd.s32 $0x10, s4  }
.Ltmp0:
0x22: {  	(pc) =	sbr.rel @p1 .LBB2_3-.Ltmp0, $4  }
0x23: {  	_ = 	snop  }
0x24: {  	s8 =	sand.u32 $0xC00, s2  }
0x25: {  	s6 =	sand.u32 $0x70, s6;
	s8 =	sadd.s32 s8, s3  }
0x26: {  	s6 =	sadd.s32 s6, s8  }
0x27: {  	s0 =	sadd.s32 $0x1, s0  }
0x28: {  	p1 =	sne.s32 s0, $0x10  }
.Ltmp1:
0x29: {  	_ = 	snop;
	(pc) =	sbr.rel @p1 .LBB2_2-.Ltmp1, $2  }
0x2a: {  	_ =	sdelay $0x2  }
0x2b: {  	[tilespmem:s6+$0x0] =	vst v2  }
0x2c: {  	v6 =	vshra.s32 v5, $0x1F;
	v7 =	vand.u32 $0x7, v5  }
0x2d: {  	vm0 =	vlt.s32 v5, $0x1;
	v6 =	vshrl.u32 v6, $0x1D;
	vm1 =	vne.s32 v7, $0x0  }
0x2e: {  	v5 =	vadd.s32 v6, v5;
	vm0 =	vmand vm0, vm1  }
0x2f: {  	v5 =	vshra.s32 v5, $0x3;
	v6 =	vsel vm0, $0xFFFFFFFF, v3  }
0x30: {  	v5 =	vadd.s32 v6, v5  }
0x31: {  	v6 =	vmul.u32 v0, v5  }
0x32: {  	v5 =	vmul.u32 v1, v5  }
0x33: {  	v7 =	vshra.s32 v6, $0x1F;
	v8 =	vand.u32 $0xF, v6;
	vm13 =	vlt.s32 v6, $0x1  }
0x34: {  	vm15 =	vlt.s32 v5, $0x1;
	v7 =	vshrl.u32 v7, $0x1C;
	vm14 =	vne.s32 v8, $0x0  }
0x35: {  	v8 =	vand.u32 $0xF, v5;
	v7 =	vadd.s32 v7, v6;
	v6 =	vshra.s32 v5, $0x1F  }
0x36: {  	vm0 =	vmand vm13, vm14;
	vm2 =	vne.s32 v8, $0x0;
	v6 =	vshrl.u32 v6, $0x1C  }
0x37: {  	vm1 =	vmand vm15, vm2;
	v7 =	vshra.s32 v7, $0x4;
	v5 =	vadd.s32 v6, v5  }
0x38: {  	v6 =	vsel vm0, $0xFFFFFFFF, v3;
	v8 =	vsel vm1, $0xFFFFFFFF, v3;
	v5 =	vshra.s32 v5, $0x4  }
0x39: {  	v6 =	vadd.s32 v6, v7;
	v7 =	vadd.s32 v8, v5  }
0x3a: {  	v5 =	vshll.u32 v6, $0x3;
	v6 =	vshll.u32 v7, $0x3  }
0x3b: {  	v7 =	vsub.s32 v6, v5  }
0x3c: {  	v7 =	vadd.s32 $0x1F, v7  }
0x3d: {  	v8 =	vshra.s32 v7, $0x1F  }
0x3e: {  	v9 =	vshrl.u32 v8, $0x1B  }
0x3f: {  	v7 =	vadd.s32 v9, v7  }
0x40: {  	v7 =	vshra.s32 v7, $0x5  }
0x41: {  	s0 =	simm.s32 $0xFFFFFFFF;
	s3 =	simm.s32 $0x0;
	s2 =	smov.u32 s18;
	v7 =	vadd.s32 v8, v7  }
.LBB2_6:
0x42: {  	s0 =	sadd.s32 $0x1, s0  }
0x43: {  	v8 =	vmov s0  }
0x44: {  	vm0 =	veq.s32 v8, v4  }
0x45: {  	v9 =	vnsel vm0, $0x0, v7  }
0x46: {  	(xrf0) =	vadd.scan.msk.s32 $0xffff, v9;
	_ =	sdelay $0x5  }
0x47: {  	v9, _, _ =	vpop (xrf0)  }
0x48: {  	(v2sf) =	vpush v9, $0xF;
	_ =	sdelay $0xe  }
0x49: {  	p1 =	sgt.u32 s0, $0xF;
	s8 =	spop (v2sf)  }
0x4a: {  	p2 =	slt.s32 @!p1 s8, $0x1  }
0x4b: {  	p2 =	por p1, !p2  }
.Ltmp2:
0x4c: {  	_ = 	snop;
	(pc) =	sbr.rel @!p2 .LBB2_6-.Ltmp2, $2  }
0x4d: {  	_ =	sdelay $0x2  }
0x4e: {  	s25 =	smov.u32 s3;
	s2 =	sadd.s32 $0x400000, s2;
	s3 =	sadd.s32 $0x1, s3  }
0x4f: {  	p2 =	sgt.s32 @!p1 s8, $0x1  }
0x50: {  	p2 =	por p1, p2  }
.Ltmp3:
0x51: {  	_ = 	snop;
	(pc) =	sbr.rel @p2 .LBB2_8-.Ltmp3, $1  }
0x52: {  	_ =	sdelay $0x3  }
.LBB2_9:
0x53: {  	s25 =	sadd.s32 $0x1, s25  }
0x54: {  	v8 =	vmov s25  }
0x55: {  	vm1 =	veq.s32 v8, v4  }
0x56: {  	v9 =	vnsel vm1, $0x0, v7  }
0x57: {  	(xrf0) =	vadd.scan.msk.s32 $0xffff, v9;
	_ =	sdelay $0x5  }
0x58: {  	v9, _, _ =	vpop (xrf0)  }
0x59: {  	(v2sf) =	vpush v9, $0xF;
	_ =	sdelay $0xe  }
0x5a: {  	p1 =	sgt.u32 s25, $0xF;
	s9 =	spop (v2sf)  }
0x5b: {  	p2 =	slt.s32 @!p1 s9, $0x1  }
0x5c: {  	p1 =	por p1, !p2  }
.Ltmp4:
0x5d: {  	_ = 	snop;
	(pc) =	sbr.rel @!p1 .LBB2_9-.Ltmp4, $1  }
0x5e: {  	_ =	sdelay $0x3  }
.Ltmp5:
0x5f: {  	(pc) =	sbr.rel .LBB2_11-.Ltmp5, $2  }
0x60: {  	_ =	sdelay $0x2  }
0x61: {  	s6 =	sadd.s32 $0x1, s25;
	s3 =	simm.s32 $0x0  }
.LBB2_8:
0x62: {  	s6 =	sadd.s32 $0x1, s0;
	s9 =	smov.u32 s8  }
0x63: {  	s25 =	smov.u32 s0;
	s3 =	simm.s32 $0x1;
	vm1 =	vmmov vm0;
	s6 =	smov.u32 @p1 s6  }
0x64: {  	v8 =	vpsel p1, v8, v8;
	s9 =	smov.u32 @p1 s8;
	s25 =	smov.u32 @p1 s0;
	s3 =	simm.s32 @p1 $0x1;
	vm1 =	vmmov @p1 vm0  }
.LBB2_11:
0x65: {  	s26 =	sadd.s32 $0x1, s3;
	p1 =	sgt.u32 s25, $0xF  }
0x66: {  	p2 =	slt.s32 @!p1 s26, s9  }
0x67: {  	p2 =	por p1, p2  }
.Ltmp6:
0x68: {  	_ = 	snop;
	(pc) =	sbr.rel @p2 .LBB2_12-.Ltmp6, $1  }
0x69: {  	_ =	sdelay $0x3  }
0x6a: {  	s28 =	sadd.s32 $0xFFFFFFFF, s6  }
.LBB2_14:
0x6b: {  	s28 =	sadd.s32 $0x1, s28  }
0x6c: {  	v8 =	vmov s28  }
0x6d: {  	vm2 =	veq.s32 v8, v4  }
0x6e: {  	v8 =	vnsel vm2, $0x0, v7  }
0x6f: {  	(xrf0) =	vadd.scan.msk.s32 $0xffff, v8;
	_ =	sdelay $0x5  }
0x70: {  	v8, _, _ =	vpop (xrf0)  }
0x71: {  	(v2sf) =	vpush v8, $0xF;
	_ =	sdelay $0xe  }
0x72: {  	p1 =	sgt.u32 s28, $0xF;
	s20 =	spop (v2sf)  }
0x73: {  	p2 =	slt.s32 @!p1 s20, $0x1  }
0x74: {  	p1 =	por p1, !p2  }
.Ltmp7:
0x75: {  	_ = 	snop;
	(pc) =	sbr.rel @!p1 .LBB2_14-.Ltmp7, $1  }
0x76: {  	_ =	sdelay $0x3  }
.Ltmp8:
0x77: {  	(pc) =	sbr.rel .LBB2_16-.Ltmp8, $2  }
0x78: {  	_ =	sdelay $0x2  }
0x79: {  	s6 =	sadd.s32 $0x1, s28;
	s26 =	simm.s32 $0x0  }
.LBB2_12:
0x7a: {  	s20 =	smov.u32 s9;
	vm2 =	veq.s32 v8, v4;
	s6 =	smov.u32 @p1 s6;
	s28 =	smov.u32 s25  }
0x7b: {  	s26 =	smov.u32 @p1 s26;
	s20 =	smov.u32 @p1 s9;
	s28 =	smov.u32 @p1 s25;
	vm2 =	vmmov @p1 vm2  }
.LBB2_16:
0x7c: {  	s4 =	sadd.s32 $0x1, s26;
	p1 =	sgt.u32 s28, $0xF  }
0x7d: {  	p2 =	slt.s32 @!p1 s4, s20  }
0x7e: {  	p2 =	por p1, p2  }
.Ltmp9:
0x7f: {  	_ = 	snop;
	(pc) =	sbr.rel @p2 .LBB2_17-.Ltmp9, $1  }
0x80: {  	_ =	sdelay $0x3  }
0x81: {  	s6 =	sadd.s32 $0xFFFFFFFF, s6  }
.LBB2_19:
0x82: {  	s6 =	sadd.s32 $0x1, s6  }
0x83: {  	v8 =	vmov s6  }
0x84: {  	vm3 =	veq.s32 v8, v4  }
0x85: {  	v8 =	vnsel vm3, $0x0, v7  }
0x86: {  	(xrf0) =	vadd.scan.msk.s32 $0xffff, v8;
	_ =	sdelay $0x5  }
0x87: {  	v8, _, _ =	vpop (xrf0)  }
0x88: {  	(v2sf) =	vpush v8, $0xF;
	_ =	sdelay $0xe  }
0x89: {  	p1 =	sgt.u32 s6, $0xF;
	s4 =	spop (v2sf)  }
0x8a: {  	p2 =	slt.s32 @!p1 s4, $0x1  }
0x8b: {  	p2 =	por p1, !p2  }
.Ltmp10:
0x8c: {  	_ = 	snop;
	(pc) =	sbr.rel @!p2 .LBB2_19-.Ltmp10, $1  }
0x8d: {  	_ =	sdelay $0x3  }
.Ltmp11:
0x8e: {  	(pc) =	sbr.rel .LBB2_21-.Ltmp11, $3  }
0x8f: {  	_ =	sdelay $0x1  }
0x90: {  	s4 =	simm.s32 $0x0  }
0x91: {  	s6 =	smov.u32 @p1 s6;
	s4 =	simm.s32 @p1 $0x0  }
.LBB2_17:
0x92: {  	s6 =	smov.u32 s28  }
0x93: {  	s4 =	smov.u32 @p1 s4;
	s6 =	smov.u32 @p1 s28  }
.LBB2_21:
0x94: {  	(xrf0) =	vadd.scan.msk.s32 $0xffff, v7;
	_ =	sdelay $0x5  }
0x95: {  	v8, _, _ =	vpop (xrf0)  }
0x96: {  	(v2sf) =	vpush v8, $0xF;
	_ =	sdelay $0xe  }
0x97: {  	s30 =	spop (v2sf)  }
0x98: {  	p1 =	slt.s32 s30, $0x1  }
.Ltmp12:
0x99: {  	_ = 	snop;
	(pc) =	sbr.rel @p1 .LBB2_35-.Ltmp12, $1  }
0x9a: {  	_ =	sdelay $0x3  }
0x9b: {  	v8 =	vnsel vm0, $0x0, v6  }
0x9c: {  	(xrf0) =	vadd.scan.msk.s32 $0xffff, v8;
	_ =	sdelay $0x2  }
0x9d: {  	v8 =	vnsel vm0, $0x0, v5  }
0x9e: {  	(xrf0) =	vadd.scan.msk.s32 $0xffff, v8;
	_ =	sdelay $0x1  }
0x9f: {  	p1 =	seq.s32 s30, $0x1;
	v8, _, _ =	vpop (xrf0)  }
0xa0: {  	(v2sf) =	vpush v8, $0xF;
	v8 =	vnsel @!p1 vm1, $0x0, v6  }
0xa1: {  	(xrf0) =	vadd.scan.msk.s32 @!p1 $0xffff, v8;
	_ =	sdelay $0x1  }
0xa2: {  	v8, _, _ =	vpop (xrf0)  }
0xa3: {  	(v2sf) =	vpush v8, $0xF;
	v8 =	vnsel @!p1 vm1, $0x0, v5;
	_ =	sdelay $0x1  }
0xa4: {  	(xrf0) =	vadd.scan.msk.s32 @!p1 $0xffff, v8  }
0xa5: {  	v8, _, _ =	vpop @!p1 (xrf0)  }
0xa6: {  	(v2sf) =	vpush @!p1 v8, $0xF;
	_ =	sdelay $0x3  }
0xa7: {  	v8, _, _ =	vpop @!p1 (xrf0)  }
0xa8: {  	p3 =	slt.u32 @!p1 s30, $0x3;
	(v2sf) =	vpush @!p1 v8, $0xF  }
0xa9: {  	p2 =	por p3, p1  }
0xaa: {  	v8 =	vnsel @!p2 vm2, $0x0, v6  }
0xab: {  	(xrf0) =	vadd.scan.msk.s32 @!p2 $0xffff, v8;
	s10 =	spop (v2sf)  }
0xac: {  	s10 =	sadd.s32 $0xFFFFFFE0, s10  }
0xad: {  	p4 =	sgt.s32 s10, $0x0  }
0xae: {  	p5 =	seq.s32 s8, $0x1;
	v8 =	vnsel @!p2 vm2, $0x0, v5;
	s10 =	simm.s32 @!p4 $0x0;
	s8 =	spop (v2sf)  }
0xaf: {  	(xrf0) =	vadd.scan.msk.s32 @!p2 $0xffff, v8;
	s8 =	smov.u32 @p5 s10  }
0xb0: {  	s8 =	sshll.u32 s8, $0xA  }
0xb1: {  	v8, _, _ =	vpop @!p2 (xrf0);
	s8 =	sand.u32 $0x7FFFE000, s8  }
0xb2: {  	(v2sf) =	vpush @!p2 v8, $0xF;
	s2 =	sadd.s32 s2, s8;
	s8 =	spop @!p1 (v2sf)  }
0xb3: {  	s2 =	sshrl.u32 s2, $0x3;
	s8 =	sadd.s32 @!p1 $0xFFFFFFE0, s8  }
0xb4: {  	s29 =	simm.s32 $0x1000;
	s2 =	sadd.s32 s1, s2;
	p5 =	sgt.s32 @!p1 s8, $0x0  }
0xb5: {  	v8, _, _ =	vpop @!p2 (xrf0);
	[tilespmem:s22], [sflag:$0x1] =	stream.strided.gather [hbm4b:s2+s29], $0x4000, s21, s29, $0x38;
	[tilespmem:$0x14480] =	vst v63  }
0xb6: {  	(v2sf) =	vpush @!p2 v8, $0xF;
	s2 =	sadd.s32 @!p1 $0xFFFFFFFF, s9;
	p5 =	por !p5, p1  }
0xb7: {  	s9 =	sshll.u32 @!p1 s3, $0x5;
	p4 =	seq.s32 @!p1 s3, s2;
	s2 =	spop @!p1 (v2sf)  }
0xb8: {  	s8 =	simm.s32 @p5 $0x0;
	s2 =	sadd.s32 @!p1 s9, s2;
	p4 =	por !p4, p1  }
0xb9: {  	s8 =	smov.u32 @p4 s2  }
0xba: {  	s2 =	sshll.u32 @!p1 s8, $0xA  }
0xbb: {  	s8 =	sshll.u32 @!p1 s25, $0x16;
	s2 =	sand.u32 @!p1 $0x7FFFE000, s2  }
0xbc: {  	s2 =	sadd.s32 @!p1 s8, s2  }
0xbd: {  	s2 =	sor.u32 @!p1 s5, s2  }
0xbe: {  	s10 =	simm.s32 @!p1 $0x4080;
	s2 =	sshrl.u32 @!p1 s2, $0x3  }
0xbf: {  	s9 =	simm.s32 @!p1 $0x2000;
	s8 =	simm.s32 @!p1 $0x1000;
	s2 =	sadd.s32 @!p1 s1, s2  }
0xc0: {  	[tilespmem:s10], [sflag:$0x2] =	stream.strided.gather @!p1 [hbm4b:s2+s8], $0x4000, s9, s8, $0x38;
	[tilespmem:$0x14480] =	vst v63  }
0xc1: {  	s2 =	spop @!p2 (v2sf)  }
0xc2: {  	s2 =	sadd.s32 @!p2 $0xFFFFFFE0, s2  }
0xc3: {  	s8 =	sadd.s32 @!p2 $0xFFFFFFFF, s20;
	p4 =	sgt.s32 @!p2 s2, $0x0  }
0xc4: {  	s9 =	sshll.u32 @!p2 s26, $0x5;
	p5 =	seq.s32 @!p2 s26, s8;
	p4 =	por @!p1 !p4, p3  }
0xc5: {  	s8 =	spop @!p2 (v2sf);
	p3 =	por @!p1 !p5, p3;
	p4 =	por !p4, p1  }
0xc6: {  	s8 =	sadd.s32 @!p2 s9, s8;
	p1 =	por !p3, p1;
	s2 =	simm.s32 @!p4 $0x0  }
0xc7: {  	s8 =	smov.u32 @p1 s2  }
0xc8: {  	s2 =	sshll.u32 @!p2 s8, $0xA  }
0xc9: {  	s8 =	sshll.u32 @!p2 s28, $0x16;
	s2 =	sand.u32 @!p2 $0x7FFFE000, s2  }
0xca: {  	s2 =	sadd.s32 @!p2 s8, s2  }
.Ltmp13:
0xcb: {  	s2 =	sor.u32 @!p2 s5, s2;
	(pc) =	sbr.rel .LBB2_23-.Ltmp13, $4  }
0xcc: {  	s10 =	simm.s32 @!p2 $0x8080;
	s2 =	sshrl.u32 @!p2 s2, $0x3  }
0xcd: {  	s9 =	simm.s32 @!p2 $0x2000;
	s8 =	simm.s32 @!p2 $0x1000;
	s2 =	sadd.s32 @!p2 s1, s2  }
0xce: {  	[tilespmem:s10], [sflag:$0x3] =	stream.strided.gather @!p2 [hbm4b:s2+s8], $0x4000, s9, s8, $0x38;
	[tilespmem:$0x14480] =	vst v63  }
0xcf: {  	s31 =	simm.s32 $0x0;
	s8 =	simm.s32 $0x0  }
.LBB2_31:
0xd0: {  	s6 =	smov.u32 s28  }
0xd1: {  	s4 =	smov.u32 @p1 s4;
	s6 =	smov.u32 @p1 s28  }
.LBB2_34:
0xd2: {  	s31 =	sadd.s32 $0x1, s31  }
0xd3: {  	p1 =	sne.s32 s31, s30  }
.Ltmp14:
0xd4: {  	_ = 	snop;
	(pc) =	sbr.rel @!p1 .LBB2_35-.Ltmp14, $2  }
0xd5: {  	_ =	sdelay $0x2  }
0xd6: {  	s8 =	smov.u32 s29;
	s0 =	smov.u32 s2  }
.LBB2_23:
0xd7: {  	s9 =	sadd.s32 $0x3, s31  }
0xd8: {  	p1 =	sge.s32 s9, s30  }
0xd9: {  	v8 =	vmov @!p1 s6;
	v9 =	vlaneseq.u32 @!p1  }
0xda: {  	vm0 =	veq.s32 @!p1 v8, v9  }
0xdb: {  	v8 =	vnsel @!p1 vm0, $0x0, v7  }
0xdc: {  	(xrf0) =	vadd.scan.msk.s32 @!p1 $0xffff, v8;
	v8 =	vnsel @!p1 vm0, $0x0, v6  }
0xdd: {  	(xrf0) =	vadd.scan.msk.s32 @!p1 $0xffff, v8;
	_ =	sdelay $0x1  }
0xde: {  	v8 =	vnsel @!p1 vm0, $0x0, v5  }
0xdf: {  	(xrf0) =	vadd.scan.msk.s32 @!p1 $0xffff, v8;
	_ =	sdelay $0x1  }
0xe0: {  	v8, _, _ =	vpop @!p1 (xrf0)  }
0xe1: {  	v9, _, _ =	vpop @!p1 (xrf0);
	(v2sf) =	vpush @!p1 v8, $0xF  }
0xe2: {  	(v2sf) =	vpush @!p1 v9, $0xF;
	_ =	sdelay $0x1  }
0xe3: {  	v8, _, _ =	vpop @!p1 (xrf0)  }
0xe4: {  	(v2sf) =	vpush @!p1 v8, $0xF;
	_ =	sdelay $0x9  }
0xe5: {  	s2 =	smov.u32 s25  }
0xe6: {  	s25 =	smov.u32 s28;
	s28 =	smov.u32 s6;
	s6 =	spop @!p1 (v2sf)  }
0xe7: {  	s29 =	smov.u32 s3;
	s3 =	smov.u32 s26;
	s10 =	spop @!p1 (v2sf)  }
0xe8: {  	s26 =	smov.u32 s4;
	s4 =	sadd.s32 @!p1 $0xFFFFFFFF, s6;
	s6 =	sadd.s32 @!p1 $0xFFFFFFE0, s10  }
0xe9: {  	p2 =	seq.s32 @!p1 s26, s4;
	p3 =	sgt.s32 @!p1 s6, $0x0  }
0xea: {  	s4 =	spop @!p1 (v2sf);
	s10 =	sshll.u32 @!p1 s26, $0x5;
	p3 =	por !p3, p1  }
0xeb: {  	v8 =	vmov s0;
	s4 =	sadd.s32 @!p1 s10, s4;
	p2 =	por !p2, p1;
	s6 =	simm.s32 @p3 $0x0  }
0xec: {  	vm0 =	veq.s32 v8, v4;
	s6 =	smov.u32 @p2 s4  }
0xed: {  	v8 =	vnsel vm0, $0x0, v7;
	s4 =	sshll.u32 @!p1 s6, $0xA  }
0xee: {  	(xrf0) =	vadd.scan.msk.s32 $0xffff, v8;
	s6 =	sshll.u32 @!p1 s28, $0x16;
	s4 =	sand.u32 @!p1 $0x7FFFE000, s4  }
0xef: {  	s9 =	sand.u32 @!p1 $0x3, s9;
	s6 =	sadd.s32 @!p1 s6, s4  }
0xf0: {  	s20 =	simm.s32 @!p1 $0x1000;
	s23 =	simm.s32 @!p1 $0x2000;
	s6 =	sor.u32 @!p1 s5, s6  }
0xf1: {  	s10 =	sshll.u32 @!p1 s9, $0xE;
	s9 =	sadd.s32 @!p1 $0x1, s9;
	s6 =	sshrl.u32 @!p1 s6, $0x3  }
0xf2: {  	s10 =	sor.u32 @!p1 $0x80, s10;
	s4 =	sand.u32 $0x3, s31;
	s6 =	sadd.s32 @!p1 s1, s6  }
0xf3: {  	[tilespmem:s10], [sflag:s9] =	stream.strided.gather @!p1 [hbm4b:s6+s20], $0x4000, s23, s20, $0x38;
	[tilespmem:$0x14480] =	vst v63  }
0xf4: {  	v8, _, _ =	vpop (xrf0);
	s20 =	sadd.s32 $0x1, s4  }
0xf5: {  	_ =	swait.ge [sflag:s20], $0x4000  }
0xf6: {  	(v2sf) =	vpush v8, $0xF;
	_ =	sdelay $0xe  }
0xf7: {  	s23 =	spop (v2sf)  }
0xf8: {  	s9 =	sadd.s32 $0xFFFFFFFF, s23  }
0xf9: {  	p1 =	seq.s32 s8, s9  }
.Ltmp15:
0xfa: {  	_ = 	snop;
	(pc) =	sbr.rel @!p1 .LBB2_24-.Ltmp15, $3  }
0xfb: {  	_ =	sdelay $0x1  }
0xfc: {  	[sflag:s20] =	ssyncset.done $0x0  }
0xfd: {  	[sflag:s20] =	ssyncadd.s32 $0xFFFFC000  }
0xfe: {  	v8 =	vnsel vm0, $0x0, v6  }
0xff: {  	(xrf0) =	vadd.scan.msk.s32 $0xffff, v8;
	v8 =	vnsel vm0, $0x0, v5  }
0x100: {  	(xrf0) =	vadd.scan.msk.s32 $0xffff, v8;
	_ =	sdelay $0x4  }
0x101: {  	v8, _, _ =	vpop (xrf0)  }
0x102: {  	v9, _, _ =	vpop (xrf0)  }
0x103: {  	(v2sf) =	vpush v9, $0xF  }
0x104: {  	(v2sf) =	vpush v8, $0xF;
	_ =	sdelay $0xb  }
0x105: {  	s9 =	sshll.u32 s0, $0x9;
	s11 =	sshll.u32 s0, $0x7;
	s4 =	sshll.u32 s4, $0xE  }
0x106: {  	s9 =	sand.u32 $0xFFFFF000, s9;
	s0 =	sand.u32 $0x380, s11;
	s11 =	simm.s32 $0x0  }
0x107: {  	s9 =	sor.u32 s0, s9;
	s0 =	sor.u32 $0x80, s4;
	s10 =	spop (v2sf)  }
0x108: {  	s4 =	sand.u32 $0xC00, s11;
	s11 =	sand.u32 $0x70, s11;
	s23 =	spop (v2sf)  }
0x109: {  	s20 =	sadd.s32 $0x10080, s9;
	s12 =	sadd.s32 s4, s0;
	s6 =	sadd.s32 $0xFFFFFFE0, s23  }
0x10a: {  	s4 =	sadd.s32 s4, s20;
	s9 =	sadd.s32 s11, s12;
	p1 =	sgt.s32 s6, $0x0  }
0x10b: {  	s8 =	sshll.u32 s8, $0x5;
	s4 =	sadd.s32 s11, s4;
	v9 =	vld [tilespmem:s9+$0x0];
	s6 =	simm.s32 @!p1 $0x0  }
0x10c: {  	v11 =	vld [tilespmem:s9+$0x80];
	s8 =	sadd.s32 s8, s10;
	s10 =	simm.f32 $1.000000000e+00;
	p1 =	slt.s32 s6, s23  }
0x10d: {  	v10 =	vld [tilespmem:s4+$0x0];
	p2 =	sge.s32 s6, s8;
	s11 =	sor.u32 $0x1, s6;
	s10 =	simm.s32 @!p1 $0x0  }
0x10e: {  	s12 =	simm.f32 $1.000000000e+00;
	p1 =	slt.s32 s11, s23;
	s10 =	simm.s32 @!p2 $0x0  }
0x10f: {  	v12 =	vld [tilespmem:s9+$0x100];
	p2 =	sge.s32 s11, s8;
	s12 =	simm.s32 @!p1 $0x0;
	s11 =	sor.u32 $0x2, s6;
	v8 =	vmov s10  }
0x110: {  	s12 =	simm.s32 @!p2 $0x0;
	p1 =	slt.s32 s11, s23;
	s10 =	simm.f32 $1.000000000e+00;
	v13 =	vmul.f32 v9, v8  }
0x111: {  	v14 =	vld [tilespmem:s9+$0x180];
	p2 =	sge.s32 s11, s8;
	s11 =	sor.u32 $0x3, s6;
	s10 =	simm.s32 @!p1 $0x0;
	v9 =	vmov s12  }
0x112: {  	p1 =	slt.s32 s11, s23;
	s12 =	simm.f32 $1.000000000e+00;
	s10 =	simm.s32 @!p2 $0x0;
	v11 =	vmul.f32 v11, v9;
	v13 =	vadd.f32 v13, v10  }
0x113: {  	v15 =	vld [tilespmem:s9+$0x200];
	p2 =	sge.s32 s11, s8;
	s12 =	simm.s32 @!p1 $0x0;
	s11 =	sor.u32 $0x4, s6;
	v10 =	vmov s10  }
0x114: {  	s12 =	simm.s32 @!p2 $0x0;
	p1 =	slt.s32 s11, s23;
	s10 =	simm.f32 $1.000000000e+00;
	v12 =	vmul.f32 v12, v10;
	v13 =	vadd.f32 v11, v13  }
0x115: {  	v16 =	vld [tilespmem:s9+$0x280];
	p2 =	sge.s32 s11, s8;
	s11 =	sor.u32 $0x5, s6;
	s10 =	simm.s32 @!p1 $0x0;
	v11 =	vmov s12  }
0x116: {  	p1 =	slt.s32 s11, s23;
	s10 =	simm.s32 @!p2 $0x0;
	s12 =	simm.f32 $1.000000000e+00;
	v14 =	vmul.f32 v14, v11;
	v13 =	vadd.f32 v12, v13  }
0x117: {  	v17 =	vld [tilespmem:s9+$0x300];
	p2 =	sge.s32 s11, s8;
	s11 =	sor.u32 $0x6, s6;
	s12 =	simm.s32 @!p1 $0x0;
	v12 =	vmov s10  }
0x118: {  	p1 =	slt.s32 s11, s23;
	s12 =	simm.s32 @!p2 $0x0;
	s10 =	simm.f32 $1.000000000e+00;
	v15 =	vmul.f32 v15, v12;
	v14 =	vadd.f32 v14, v13  }
0x119: {  	v18 =	vld [tilespmem:s9+$0x380];
	p2 =	sge.s32 s11, s8;
	s11 =	sor.u32 $0x7, s6;
	s10 =	simm.s32 @!p1 $0x0;
	v13 =	vmov s12  }
0x11a: {  	p1 =	slt.s32 s11, s23;
	s10 =	simm.s32 @!p2 $0x0;
	s12 =	simm.f32 $1.000000000e+00;
	v16 =	vmul.f32 v16, v13;
	v15 =	vadd.f32 v15, v14  }
0x11b: {  	v19 =	vld [tilespmem:s9+$0x1000];
	p2 =	sge.s32 s11, s8;
	s11 =	sadd.s32 $0x8, s6;
	s12 =	simm.s32 @!p1 $0x0;
	v14 =	vmov s10  }
0x11c: {  	p1 =	slt.s32 s11, s23;
	s12 =	simm.s32 @!p2 $0x0;
	s10 =	simm.f32 $1.000000000e+00;
	v17 =	vmul.f32 v17, v14;
	v16 =	vadd.f32 v16, v15  }
0x11d: {  	v20 =	vld [tilespmem:s9+$0x1080];
	p2 =	sge.s32 s11, s8;
	s11 =	sadd.s32 $0x9, s6;
	s10 =	simm.s32 @!p1 $0x0;
	v15 =	vmov s12  }
0x11e: {  	p1 =	slt.s32 s11, s23;
	s10 =	simm.s32 @!p2 $0x0;
	s12 =	simm.f32 $1.000000000e+00;
	v18 =	vmul.f32 v18, v15;
	v17 =	vadd.f32 v17, v16  }
0x11f: {  	v21 =	vld [tilespmem:s9+$0x1100];
	p2 =	sge.s32 s11, s8;
	s11 =	sadd.s32 $0xA, s6;
	s12 =	simm.s32 @!p1 $0x0;
	v16 =	vmov s10  }
0x120: {  	p1 =	slt.s32 s11, s23;
	s12 =	simm.s32 @!p2 $0x0;
	s10 =	simm.f32 $1.000000000e+00;
	v19 =	vmul.f32 v19, v16;
	v18 =	vadd.f32 v18, v17  }
0x121: {  	v22 =	vld [tilespmem:s9+$0x1180];
	p2 =	sge.s32 s11, s8;
	s11 =	sadd.s32 $0xB, s6;
	s10 =	simm.s32 @!p1 $0x0;
	v17 =	vmov s12  }
0x122: {  	p1 =	slt.s32 s11, s23;
	s10 =	simm.s32 @!p2 $0x0;
	s12 =	simm.f32 $1.000000000e+00;
	v20 =	vmul.f32 v20, v17;
	v19 =	vadd.f32 v19, v18  }
0x123: {  	v23 =	vld [tilespmem:s9+$0x1200];
	p2 =	sge.s32 s11, s8;
	s11 =	sadd.s32 $0xC, s6;
	s12 =	simm.s32 @!p1 $0x0;
	v18 =	vmov s10  }
0x124: {  	p1 =	slt.s32 s11, s23;
	s12 =	simm.s32 @!p2 $0x0;
	s10 =	simm.f32 $1.000000000e+00;
	v21 =	vmul.f32 v21, v18;
	v20 =	vadd.f32 v20, v19  }
0x125: {  	v24 =	vld [tilespmem:s9+$0x1280];
	p2 =	sge.s32 s11, s8;
	s11 =	sadd.s32 $0xD, s6;
	s10 =	simm.s32 @!p1 $0x0;
	v19 =	vmov s12  }
0x126: {  	p1 =	slt.s32 s11, s23;
	s10 =	simm.s32 @!p2 $0x0;
	s12 =	simm.f32 $1.000000000e+00;
	v22 =	vmul.f32 v22, v19;
	v21 =	vadd.f32 v21, v20  }
0x127: {  	v25 =	vld [tilespmem:s9+$0x1300];
	p2 =	sge.s32 s11, s8;
	s11 =	sadd.s32 $0xE, s6;
	s12 =	simm.s32 @!p1 $0x0;
	v20 =	vmov s10  }
0x128: {  	p1 =	slt.s32 s11, s23;
	s12 =	simm.s32 @!p2 $0x0;
	s10 =	simm.f32 $1.000000000e+00;
	v23 =	vmul.f32 v23, v20;
	v22 =	vadd.f32 v22, v21  }
0x129: {  	v26 =	vld [tilespmem:s9+$0x1380];
	p2 =	sge.s32 s11, s8;
	s11 =	sadd.s32 $0xF, s6;
	s10 =	simm.s32 @!p1 $0x0;
	v21 =	vmov s12  }
0x12a: {  	p1 =	slt.s32 s11, s23;
	s10 =	simm.s32 @!p2 $0x0;
	s12 =	simm.f32 $1.000000000e+00;
	v24 =	vmul.f32 v24, v21;
	v23 =	vadd.f32 v23, v22  }
0x12b: {  	v27 =	vld [tilespmem:s9+$0x2000];
	p2 =	sge.s32 s11, s8;
	s11 =	sadd.s32 $0x10, s6;
	s12 =	simm.s32 @!p1 $0x0;
	v22 =	vmov s10  }
0x12c: {  	p1 =	slt.s32 s11, s23;
	s12 =	simm.s32 @!p2 $0x0;
	s10 =	simm.f32 $1.000000000e+00;
	v25 =	vmul.f32 v25, v22;
	v24 =	vadd.f32 v24, v23  }
0x12d: {  	v28 =	vld [tilespmem:s9+$0x2080];
	p2 =	sge.s32 s11, s8;
	s11 =	sadd.s32 $0x11, s6;
	s10 =	simm.s32 @!p1 $0x0;
	v23 =	vmov s12  }
0x12e: {  	p1 =	slt.s32 s11, s23;
	s10 =	simm.s32 @!p2 $0x0;
	s12 =	simm.f32 $1.000000000e+00;
	v26 =	vmul.f32 v26, v23;
	v25 =	vadd.f32 v25, v24  }
0x12f: {  	v29 =	vld [tilespmem:s9+$0x2100];
	p2 =	sge.s32 s11, s8;
	s11 =	sadd.s32 $0x12, s6;
	s12 =	simm.s32 @!p1 $0x0;
	v24 =	vmov s10  }
0x130: {  	p1 =	slt.s32 s11, s23;
	s12 =	simm.s32 @!p2 $0x0;
	s10 =	simm.f32 $1.000000000e+00;
	v27 =	vmul.f32 v27, v24;
	v26 =	vadd.f32 v26, v25  }
0x131: {  	v30 =	vld [tilespmem:s9+$0x2180];
	p2 =	sge.s32 s11, s8;
	s11 =	sadd.s32 $0x13, s6;
	s10 =	simm.s32 @!p1 $0x0;
	v25 =	vmov s12  }
0x132: {  	p1 =	slt.s32 s11, s23;
	s10 =	simm.s32 @!p2 $0x0;
	s12 =	simm.f32 $1.000000000e+00;
	v28 =	vmul.f32 v28, v25;
	v27 =	vadd.f32 v27, v26  }
0x133: {  	v31 =	vld [tilespmem:s9+$0x2200];
	p2 =	sge.s32 s11, s8;
	s11 =	sadd.s32 $0x14, s6;
	s12 =	simm.s32 @!p1 $0x0;
	v26 =	vmov s10  }
0x134: {  	p1 =	slt.s32 s11, s23;
	s12 =	simm.s32 @!p2 $0x0;
	s10 =	simm.f32 $1.000000000e+00;
	v29 =	vmul.f32 v29, v26;
	v28 =	vadd.f32 v28, v27  }
0x135: {  	v32 =	vld [tilespmem:s9+$0x2280];
	p2 =	sge.s32 s11, s8;
	s11 =	sadd.s32 $0x15, s6;
	s10 =	simm.s32 @!p1 $0x0;
	v27 =	vmov s12  }
0x136: {  	p1 =	slt.s32 s11, s23;
	s10 =	simm.s32 @!p2 $0x0;
	s12 =	simm.f32 $1.000000000e+00;
	v30 =	vmul.f32 v30, v27;
	v29 =	vadd.f32 v29, v28  }
0x137: {  	v33 =	vld [tilespmem:s9+$0x2300];
	p2 =	sge.s32 s11, s8;
	s11 =	sadd.s32 $0x16, s6;
	s12 =	simm.s32 @!p1 $0x0;
	v28 =	vmov s10  }
0x138: {  	p1 =	slt.s32 s11, s23;
	s12 =	simm.s32 @!p2 $0x0;
	s10 =	simm.f32 $1.000000000e+00;
	v31 =	vmul.f32 v31, v28;
	v30 =	vadd.f32 v30, v29  }
0x139: {  	v34 =	vld [tilespmem:s9+$0x2380];
	p2 =	sge.s32 s11, s8;
	s11 =	sadd.s32 $0x17, s6;
	s10 =	simm.s32 @!p1 $0x0;
	v29 =	vmov s12  }
0x13a: {  	p1 =	slt.s32 s11, s23;
	s10 =	simm.s32 @!p2 $0x0;
	s12 =	simm.f32 $1.000000000e+00;
	v32 =	vmul.f32 v32, v29;
	v31 =	vadd.f32 v31, v30  }
0x13b: {  	v35 =	vld [tilespmem:s9+$0x3000];
	p2 =	sge.s32 s11, s8;
	s11 =	sadd.s32 $0x18, s6;
	s12 =	simm.s32 @!p1 $0x0;
	v30 =	vmov s10  }
0x13c: {  	p1 =	slt.s32 s11, s23;
	s12 =	simm.s32 @!p2 $0x0;
	s10 =	simm.f32 $1.000000000e+00;
	v33 =	vmul.f32 v33, v30;
	v32 =	vadd.f32 v32, v31  }
0x13d: {  	v36 =	vld [tilespmem:s9+$0x3080];
	p2 =	sge.s32 s11, s8;
	s11 =	sadd.s32 $0x19, s6;
	s10 =	simm.s32 @!p1 $0x0;
	v31 =	vmov s12  }
0x13e: {  	p1 =	slt.s32 s11, s23;
	s10 =	simm.s32 @!p2 $0x0;
	s12 =	simm.f32 $1.000000000e+00;
	v34 =	vmul.f32 v34, v31;
	v33 =	vadd.f32 v33, v32  }
0x13f: {  	v37 =	vld [tilespmem:s9+$0x3100];
	p2 =	sge.s32 s11, s8;
	s11 =	sadd.s32 $0x1A, s6;
	s12 =	simm.s32 @!p1 $0x0;
	v32 =	vmov s10  }
0x140: {  	p1 =	slt.s32 s11, s23;
	s12 =	simm.s32 @!p2 $0x0;
	s10 =	simm.f32 $1.000000000e+00;
	v35 =	vmul.f32 v35, v32;
	v34 =	vadd.f32 v34, v33  }
0x141: {  	v38 =	vld [tilespmem:s9+$0x3180];
	p2 =	sge.s32 s11, s8;
	s11 =	sadd.s32 $0x1B, s6;
	s10 =	simm.s32 @!p1 $0x0;
	v33 =	vmov s12  }
0x142: {  	p1 =	slt.s32 s11, s23;
	s10 =	simm.s32 @!p2 $0x0;
	s12 =	simm.f32 $1.000000000e+00;
	v36 =	vmul.f32 v36, v33;
	v35 =	vadd.f32 v35, v34  }
0x143: {  	v39 =	vld [tilespmem:s9+$0x3200];
	p2 =	sge.s32 s11, s8;
	s11 =	sadd.s32 $0x1C, s6;
	s12 =	simm.s32 @!p1 $0x0;
	v34 =	vmov s10  }
0x144: {  	p1 =	slt.s32 s11, s23;
	s12 =	simm.s32 @!p2 $0x0;
	s10 =	simm.f32 $1.000000000e+00;
	v37 =	vmul.f32 v37, v34;
	v36 =	vadd.f32 v36, v35  }
0x145: {  	v40 =	vld [tilespmem:s9+$0x3280];
	p2 =	sge.s32 s11, s8;
	s11 =	sadd.s32 $0x1D, s6;
	s10 =	simm.s32 @!p1 $0x0;
	v35 =	vmov s12  }
0x146: {  	p1 =	slt.s32 s11, s23;
	s10 =	simm.s32 @!p2 $0x0;
	s12 =	simm.f32 $1.000000000e+00;
	v38 =	vmul.f32 v38, v35;
	v37 =	vadd.f32 v37, v36  }
0x147: {  	v41 =	vld [tilespmem:s9+$0x3300];
	p2 =	sge.s32 s11, s8;
	s11 =	sadd.s32 $0x1E, s6;
	s12 =	simm.s32 @!p1 $0x0;
	v36 =	vmov s10  }
0x148: {  	p1 =	slt.s32 s11, s23;
	s12 =	simm.s32 @!p2 $0x0;
	s10 =	simm.f32 $1.000000000e+00;
	v39 =	vmul.f32 v39, v36;
	v38 =	vadd.f32 v38, v37  }
0x149: {  	v42 =	vld [tilespmem:s9+$0x3380];
	s6 =	sadd.s32 $0x1F, s6;
	p2 =	sge.s32 s11, s8;
	s10 =	simm.s32 @!p1 $0x0;
	v37 =	vmov s12  }
0x14a: {  	s9 =	simm.f32 $1.000000000e+00;
	p1 =	slt.s32 s6, s23;
	s10 =	simm.s32 @!p2 $0x0;
	v40 =	vmul.f32 v40, v37;
	v39 =	vadd.f32 v39, v38  }
0x14b: {  	p2 =	sge.s32 s6, s8;
	s9 =	simm.s32 @!p1 $0x0;
	v38 =	vmov s10  }
0x14c: {  	s9 =	simm.s32 @!p2 $0x0;
	v41 =	vmul.f32 v41, v38;
	v40 =	vadd.f32 v40, v39  }
0x14d: {  	v39 =	vmov s9  }
0x14e: {  	v63 =	vmul.f32 v42, v39;
	v40 =	vadd.f32 v41, v40  }
0x14f: {  	s6 =	simm.s32 $0x80  }
0x150: {  	s8 =	simm.s32 $0x20;
	s23 =	sand.u32 $0xC00, s6;
	s9 =	simm.s32 $0x10;
	v40 =	vadd.f32 v63, v40  }
.LBB2_28:
0x151: {  	p1 =	sne.s32 s8, $0x1F0;
	s10 =	sand.u32 $0x70, s9;
	s9 =	sadd.s32 s23, s0  }
0x152: {  	s11 =	sadd.s32 s23, s20;
	s23 =	sadd.s32 s10, s9;
	[tilespmem:s4+$0x0] =	vst v40;
	s9 =	smov.u32 s8  }
0x153: {  	s4 =	sadd.s32 s10, s11;
	v40 =	vld [tilespmem:s23+$0x0]  }
0x154: {  	v41 =	vld [tilespmem:s4+$0x0]  }
0x155: {  	v42 =	vld [tilespmem:s23+$0x80];
	_ =	sdelay $0x1  }
0x156: {  	v43 =	vld [tilespmem:s23+$0x100]  }
0x157: {  	v40 =	vmul.f32 v40, v8  }
0x158: {  	v44 =	vld [tilespmem:s23+$0x180]  }
0x159: {  	v40 =	vadd.f32 v40, v41;
	v41 =	vmul.f32 v42, v9  }
0x15a: {  	v42 =	vld [tilespmem:s23+$0x200]  }
0x15b: {  	v40 =	vadd.f32 v41, v40;
	v41 =	vmul.f32 v43, v10  }
0x15c: {  	v43 =	vld [tilespmem:s23+$0x280]  }
0x15d: {  	v40 =	vadd.f32 v41, v40;
	v41 =	vmul.f32 v44, v11  }
0x15e: {  	v44 =	vld [tilespmem:s23+$0x300]  }
0x15f: {  	v40 =	vadd.f32 v41, v40;
	v41 =	vmul.f32 v42, v12  }
0x160: {  	v42 =	vld [tilespmem:s23+$0x380]  }
0x161: {  	v40 =	vadd.f32 v41, v40;
	v41 =	vmul.f32 v43, v13  }
0x162: {  	v43 =	vld [tilespmem:s23+$0x1000]  }
0x163: {  	v40 =	vadd.f32 v41, v40;
	v41 =	vmul.f32 v44, v14  }
0x164: {  	v44 =	vld [tilespmem:s23+$0x1080]  }
0x165: {  	v40 =	vadd.f32 v41, v40;
	v41 =	vmul.f32 v42, v15  }
0x166: {  	v42 =	vld [tilespmem:s23+$0x1100]  }
0x167: {  	v40 =	vadd.f32 v41, v40;
	v41 =	vmul.f32 v43, v16  }
0x168: {  	v43 =	vld [tilespmem:s23+$0x1180]  }
0x169: {  	v40 =	vadd.f32 v41, v40;
	v41 =	vmul.f32 v44, v17  }
0x16a: {  	v44 =	vld [tilespmem:s23+$0x1200]  }
0x16b: {  	v40 =	vadd.f32 v41, v40;
	v41 =	vmul.f32 v42, v18  }
0x16c: {  	v42 =	vld [tilespmem:s23+$0x1280]  }
0x16d: {  	v40 =	vadd.f32 v41, v40;
	v41 =	vmul.f32 v43, v19  }
0x16e: {  	v43 =	vld [tilespmem:s23+$0x1300]  }
0x16f: {  	v40 =	vadd.f32 v41, v40;
	v41 =	vmul.f32 v44, v20  }
0x170: {  	v44 =	vld [tilespmem:s23+$0x1380]  }
0x171: {  	v40 =	vadd.f32 v41, v40;
	v41 =	vmul.f32 v42, v21  }
0x172: {  	v42 =	vld [tilespmem:s23+$0x2000]  }
0x173: {  	v40 =	vadd.f32 v41, v40;
	v41 =	vmul.f32 v43, v22  }
0x174: {  	v43 =	vld [tilespmem:s23+$0x2080]  }
0x175: {  	v40 =	vadd.f32 v41, v40;
	v41 =	vmul.f32 v44, v23  }
0x176: {  	v44 =	vld [tilespmem:s23+$0x2100]  }
0x177: {  	v40 =	vadd.f32 v41, v40;
	v41 =	vmul.f32 v42, v24  }
0x178: {  	v42 =	vld [tilespmem:s23+$0x2180]  }
0x179: {  	v40 =	vadd.f32 v41, v40;
	v41 =	vmul.f32 v43, v25  }
0x17a: {  	v43 =	vld [tilespmem:s23+$0x2200]  }
0x17b: {  	v40 =	vadd.f32 v41, v40;
	v41 =	vmul.f32 v44, v26  }
0x17c: {  	v44 =	vld [tilespmem:s23+$0x2280]  }
0x17d: {  	v40 =	vadd.f32 v41, v40;
	v41 =	vmul.f32 v42, v27  }
0x17e: {  	v42 =	vld [tilespmem:s23+$0x2300]  }
0x17f: {  	v40 =	vadd.f32 v41, v40;
	v41 =	vmul.f32 v43, v28  }
0x180: {  	v43 =	vld [tilespmem:s23+$0x2380]  }
0x181: {  	v40 =	vadd.f32 v41, v40;
	v41 =	vmul.f32 v44, v29  }
0x182: {  	v44 =	vld [tilespmem:s23+$0x3000]  }
0x183: {  	v40 =	vadd.f32 v41, v40;
	v41 =	vmul.f32 v42, v30  }
0x184: {  	v42 =	vld [tilespmem:s23+$0x3080]  }
0x185: {  	v40 =	vadd.f32 v41, v40;
	v41 =	vmul.f32 v43, v31  }
0x186: {  	v43 =	vld [tilespmem:s23+$0x3100]  }
0x187: {  	v40 =	vadd.f32 v41, v40;
	v41 =	vmul.f32 v44, v32  }
0x188: {  	v44 =	vld [tilespmem:s23+$0x3180]  }
0x189: {  	v40 =	vadd.f32 v41, v40;
	v41 =	vmul.f32 v42, v33  }
0x18a: {  	v42 =	vld [tilespmem:s23+$0x3200]  }
0x18b: {  	v40 =	vadd.f32 v41, v40;
	v41 =	vmul.f32 v43, v34  }
0x18c: {  	v43 =	vld [tilespmem:s23+$0x3280]  }
0x18d: {  	v40 =	vadd.f32 v41, v40;
	v41 =	vmul.f32 v44, v35  }
0x18e: {  	v44 =	vld [tilespmem:s23+$0x3300]  }
0x18f: {  	v40 =	vadd.f32 v41, v40;
	v41 =	vmul.f32 v42, v36  }
0x190: {  	v42 =	vld [tilespmem:s23+$0x3380]  }
0x191: {  	v40 =	vadd.f32 v41, v40;
	v41 =	vmul.f32 v43, v37;
	_ =	sdelay $0x1  }
.Ltmp16:
0x192: {  	v40 =	vadd.f32 v41, v40;
	v41 =	vmul.f32 v44, v38;
	(pc) =	sbr.rel @p1 .LBB2_28-.Ltmp16, $4  }
0x193: {  	_ = 	snop  }
0x194: {  	v40 =	vadd.f32 v41, v40;
	v41 =	vmul.f32 v42, v39  }
0x195: {  	s6 =	sadd.s32 $0x80, s6  }
0x196: {  	s8 =	sadd.s32 $0x10, s8;
	s23 =	sand.u32 $0xC00, s6;
	v40 =	vadd.f32 v41, v40  }
0x197: {  	s8 =	sand.u32 $0x70, s9;
	s0 =	sadd.s32 s23, s0  }
0x198: {  	s20 =	sadd.s32 s23, s20;
	s6 =	sadd.s32 s8, s0;
	[tilespmem:s4+$0x0] =	vst v40  }
0x199: {  	s23 =	sadd.s32 s8, s20;
	v40 =	vld [tilespmem:s6+$0x0]  }
0x19a: {  	v41 =	vld [tilespmem:s23+$0x0]  }
0x19b: {  	v42 =	vld [tilespmem:s6+$0x80];
	_ =	sdelay $0x1  }
0x19c: {  	v43 =	vld [tilespmem:s6+$0x100]  }
0x19d: {  	v8 =	vmul.f32 v40, v8  }
0x19e: {  	v62 =	vld [tilespmem:s6+$0x180]  }
0x19f: {  	v9 =	vmul.f32 v42, v9;
	v8 =	vadd.f32 v8, v41  }
0x1a0: {  	v63 =	vld [tilespmem:s6+$0x200]  }
0x1a1: {  	v42 =	vmul.f32 v43, v10;
	v8 =	vadd.f32 v9, v8  }
0x1a2: {  	v43 =	vld [tilespmem:s6+$0x280]  }
0x1a3: {  	v44 =	vmul.f32 v62, v11;
	v8 =	vadd.f32 v42, v8  }
0x1a4: {  	v45 =	vld [tilespmem:s6+$0x300]  }
0x1a5: {  	v46 =	vmul.f32 v63, v12;
	v8 =	vadd.f32 v44, v8  }
0x1a6: {  	v47 =	vld [tilespmem:s6+$0x380]  }
0x1a7: {  	v48 =	vmul.f32 v43, v13;
	v8 =	vadd.f32 v46, v8  }
0x1a8: {  	v49 =	vld [tilespmem:s6+$0x1000]  }
0x1a9: {  	v50 =	vmul.f32 v45, v14;
	v8 =	vadd.f32 v48, v8  }
0x1aa: {  	v51 =	vld [tilespmem:s6+$0x1080]  }
0x1ab: {  	v52 =	vmul.f32 v47, v15;
	v8 =	vadd.f32 v50, v8  }
0x1ac: {  	v53 =	vld [tilespmem:s6+$0x1100]  }
0x1ad: {  	v54 =	vmul.f32 v49, v16;
	v8 =	vadd.f32 v52, v8  }
0x1ae: {  	v55 =	vld [tilespmem:s6+$0x1180]  }
0x1af: {  	v56 =	vmul.f32 v51, v17;
	v8 =	vadd.f32 v54, v8  }
0x1b0: {  	v57 =	vld [tilespmem:s6+$0x1200]  }
0x1b1: {  	v58 =	vmul.f32 v53, v18;
	v8 =	vadd.f32 v56, v8  }
0x1b2: {  	v59 =	vld [tilespmem:s6+$0x1280]  }
0x1b3: {  	v60 =	vmul.f32 v55, v19;
	v8 =	vadd.f32 v58, v8  }
0x1b4: {  	v61 =	vld [tilespmem:s6+$0x1300]  }
0x1b5: {  	v62 =	vmul.f32 v57, v20;
	v8 =	vadd.f32 v60, v8  }
0x1b6: {  	v63 =	vld [tilespmem:s6+$0x1380]  }
0x1b7: {  	v16 =	vmul.f32 v59, v21;
	v8 =	vadd.f32 v62, v8  }
0x1b8: {  	v17 =	vld [tilespmem:s6+$0x2000]  }
0x1b9: {  	v18 =	vmul.f32 v61, v22;
	v8 =	vadd.f32 v16, v8  }
0x1ba: {  	v19 =	vld [tilespmem:s6+$0x2080]  }
0x1bb: {  	v20 =	vmul.f32 v63, v23;
	v8 =	vadd.f32 v18, v8  }
0x1bc: {  	v21 =	vld [tilespmem:s6+$0x2100]  }
0x1bd: {  	v22 =	vmul.f32 v17, v24;
	v8 =	vadd.f32 v20, v8  }
0x1be: {  	v23 =	vld [tilespmem:s6+$0x2180]  }
0x1bf: {  	v24 =	vmul.f32 v19, v25;
	v8 =	vadd.f32 v22, v8  }
0x1c0: {  	v25 =	vld [tilespmem:s6+$0x2200]  }
0x1c1: {  	v26 =	vmul.f32 v21, v26;
	v8 =	vadd.f32 v24, v8  }
0x1c2: {  	v40 =	vld [tilespmem:s6+$0x2280]  }
0x1c3: {  	v41 =	vmul.f32 v23, v27;
	v8 =	vadd.f32 v26, v8  }
0x1c4: {  	v42 =	vld [tilespmem:s6+$0x2300]  }
0x1c5: {  	v43 =	vmul.f32 v25, v28;
	v8 =	vadd.f32 v41, v8  }
0x1c6: {  	v44 =	vld [tilespmem:s6+$0x2380]  }
0x1c7: {  	v45 =	vmul.f32 v40, v29;
	v8 =	vadd.f32 v43, v8  }
0x1c8: {  	v46 =	vld [tilespmem:s6+$0x3000]  }
0x1c9: {  	v47 =	vmul.f32 v42, v30;
	v8 =	vadd.f32 v45, v8  }
0x1ca: {  	v48 =	vld [tilespmem:s6+$0x3080]  }
0x1cb: {  	v49 =	vmul.f32 v44, v31;
	v8 =	vadd.f32 v47, v8  }
0x1cc: {  	v50 =	vld [tilespmem:s6+$0x3100]  }
0x1cd: {  	v51 =	vmul.f32 v46, v32;
	v8 =	vadd.f32 v49, v8  }
0x1ce: {  	v52 =	vld [tilespmem:s6+$0x3180]  }
0x1cf: {  	v53 =	vmul.f32 v48, v33;
	v8 =	vadd.f32 v51, v8  }
0x1d0: {  	v54 =	vld [tilespmem:s6+$0x3200]  }
0x1d1: {  	v55 =	vmul.f32 v50, v34;
	v8 =	vadd.f32 v53, v8  }
0x1d2: {  	v56 =	vld [tilespmem:s6+$0x3280]  }
0x1d3: {  	v57 =	vmul.f32 v52, v35;
	v8 =	vadd.f32 v55, v8  }
0x1d4: {  	v58 =	vld [tilespmem:s6+$0x3300]  }
0x1d5: {  	v59 =	vmul.f32 v54, v36;
	v8 =	vadd.f32 v57, v8  }
0x1d6: {  	v60 =	vld [tilespmem:s6+$0x3380]  }
0x1d7: {  	v61 =	vmul.f32 v56, v37;
	v8 =	vadd.f32 v59, v8;
	_ =	sdelay $0x1  }
0x1d8: {  	v62 =	vmul.f32 v58, v38;
	v8 =	vadd.f32 v61, v8;
	_ =	sdelay $0x1  }
.Ltmp17:
0x1d9: {  	v63 =	vmul.f32 v60, v39;
	v8 =	vadd.f32 v62, v8;
	(pc) =	sbr.rel .LBB2_30-.Ltmp17, $3  }
0x1da: {  	_ = 	snop  }
0x1db: {  	v8 =	vadd.f32 v63, v8;
	_ =	sdelay $0x1  }
0x1dc: {  	[tilespmem:s23+$0x0] =	vst v8  }
.LBB2_24:
0x1dd: {  	s6 =	sshll.u32 s0, $0x9;
	s11 =	sshll.u32 s0, $0x7;
	s4 =	sshll.u32 s4, $0xE  }
0x1de: {  	s8 =	simm.s32 $0x0;
	s6 =	sand.u32 $0xFFFFF000, s6;
	s0 =	sand.u32 $0x380, s11  }
0x1df: {  	s9 =	sand.u32 $0xC00, s8;
	s6 =	sor.u32 s0, s6;
	s0 =	sor.u32 $0x80, s4  }
0x1e0: {  	s12 =	sand.u32 $0x70, s8;
	s4 =	sadd.s32 $0x10080, s6;
	s20 =	sadd.s32 s9, s0  }
0x1e1: {  	s9 =	sadd.s32 s9, s4;
	s8 =	sadd.s32 s12, s20  }
0x1e2: {  	s6 =	sadd.s32 s12, s9;
	v8 =	vld [tilespmem:s8+$0x0]  }
0x1e3: {  	v9 =	vld [tilespmem:s6+$0x0];
	_ =	sdelay $0x1  }
0x1e4: {  	v10 =	vld [tilespmem:s8+$0x80];
	_ =	sdelay $0x1  }
0x1e5: {  	v11 =	vld [tilespmem:s8+$0x100]  }
0x1e6: {  	v8 =	vadd.f32 v8, v9  }
0x1e7: {  	v9 =	vld [tilespmem:s8+$0x180]  }
0x1e8: {  	v8 =	vadd.f32 v10, v8  }
0x1e9: {  	v10 =	vld [tilespmem:s8+$0x200]  }
0x1ea: {  	v8 =	vadd.f32 v11, v8  }
0x1eb: {  	v11 =	vld [tilespmem:s8+$0x280]  }
0x1ec: {  	v8 =	vadd.f32 v9, v8  }
0x1ed: {  	v9 =	vld [tilespmem:s8+$0x300]  }
0x1ee: {  	v8 =	vadd.f32 v10, v8  }
0x1ef: {  	v10 =	vld [tilespmem:s8+$0x380]  }
0x1f0: {  	v8 =	vadd.f32 v11, v8  }
0x1f1: {  	v11 =	vld [tilespmem:s8+$0x1000]  }
0x1f2: {  	v8 =	vadd.f32 v9, v8  }
0x1f3: {  	v9 =	vld [tilespmem:s8+$0x1080]  }
0x1f4: {  	v8 =	vadd.f32 v10, v8  }
0x1f5: {  	v10 =	vld [tilespmem:s8+$0x1100]  }
0x1f6: {  	v8 =	vadd.f32 v11, v8  }
0x1f7: {  	v11 =	vld [tilespmem:s8+$0x1180]  }
0x1f8: {  	v8 =	vadd.f32 v9, v8  }
0x1f9: {  	v9 =	vld [tilespmem:s8+$0x1200]  }
0x1fa: {  	v8 =	vadd.f32 v10, v8  }
0x1fb: {  	v10 =	vld [tilespmem:s8+$0x1280]  }
0x1fc: {  	v8 =	vadd.f32 v11, v8  }
0x1fd: {  	v11 =	vld [tilespmem:s8+$0x1300]  }
0x1fe: {  	v8 =	vadd.f32 v9, v8  }
0x1ff: {  	v9 =	vld [tilespmem:s8+$0x1380]  }
0x200: {  	v8 =	vadd.f32 v10, v8  }
0x201: {  	v10 =	vld [tilespmem:s8+$0x2000]  }
0x202: {  	v8 =	vadd.f32 v11, v8  }
0x203: {  	v11 =	vld [tilespmem:s8+$0x2080]  }
0x204: {  	v8 =	vadd.f32 v9, v8  }
0x205: {  	v9 =	vld [tilespmem:s8+$0x2100]  }
0x206: {  	v8 =	vadd.f32 v10, v8  }
0x207: {  	v10 =	vld [tilespmem:s8+$0x2180]  }
0x208: {  	v8 =	vadd.f32 v11, v8  }
0x209: {  	v11 =	vld [tilespmem:s8+$0x2200]  }
0x20a: {  	v8 =	vadd.f32 v9, v8  }
0x20b: {  	v9 =	vld [tilespmem:s8+$0x2280]  }
0x20c: {  	v8 =	vadd.f32 v10, v8  }
0x20d: {  	v10 =	vld [tilespmem:s8+$0x2300]  }
0x20e: {  	v8 =	vadd.f32 v11, v8  }
0x20f: {  	v11 =	vld [tilespmem:s8+$0x2380]  }
0x210: {  	v8 =	vadd.f32 v9, v8  }
0x211: {  	v9 =	vld [tilespmem:s8+$0x3000]  }
0x212: {  	v8 =	vadd.f32 v10, v8  }
0x213: {  	v10 =	vld [tilespmem:s8+$0x3080]  }
0x214: {  	v8 =	vadd.f32 v11, v8  }
0x215: {  	v11 =	vld [tilespmem:s8+$0x3100]  }
0x216: {  	v8 =	vadd.f32 v9, v8  }
0x217: {  	v9 =	vld [tilespmem:s8+$0x3180]  }
0x218: {  	v8 =	vadd.f32 v10, v8  }
0x219: {  	v10 =	vld [tilespmem:s8+$0x3200]  }
0x21a: {  	v8 =	vadd.f32 v11, v8  }
0x21b: {  	v11 =	vld [tilespmem:s8+$0x3280]  }
0x21c: {  	v8 =	vadd.f32 v9, v8  }
0x21d: {  	v9 =	vld [tilespmem:s8+$0x3300]  }
0x21e: {  	v8 =	vadd.f32 v10, v8  }
0x21f: {  	v10 =	vld [tilespmem:s8+$0x3380]  }
0x220: {  	v8 =	vadd.f32 v11, v8;
	_ =	sdelay $0x1  }
0x221: {  	v8 =	vadd.f32 v9, v8  }
0x222: {  	s8 =	simm.s32 $0x80  }
0x223: {  	s23 =	simm.s32 $0x10;
	s20 =	sand.u32 $0xC00, s8;
	v8 =	vadd.f32 v10, v8  }
0x224: {  	s23 =	sand.u32 $0x70, s23;
	s9 =	simm.s32 $0x20;
	s10 =	sadd.s32 s20, s0  }
.LBB2_25:
0x225: {  	p1 =	seq.s32 s9, $0x1F0;
	s11 =	sadd.s32 s20, s4;
	s20 =	sadd.s32 s23, s10;
	[tilespmem:s6+$0x0] =	vst v8  }
0x226: {  	s6 =	sadd.s32 s23, s11;
	v8 =	vld [tilespmem:s20+$0x0]  }
0x227: {  	v9 =	vld [tilespmem:s6+$0x0];
	_ =	sdelay $0x1  }
0x228: {  	v10 =	vld [tilespmem:s20+$0x80];
	_ =	sdelay $0x1  }
0x229: {  	v11 =	vld [tilespmem:s20+$0x100]  }
0x22a: {  	v8 =	vadd.f32 v8, v9  }
0x22b: {  	v9 =	vld [tilespmem:s20+$0x180]  }
0x22c: {  	v8 =	vadd.f32 v10, v8  }
0x22d: {  	v10 =	vld [tilespmem:s20+$0x200]  }
0x22e: {  	v8 =	vadd.f32 v11, v8  }
0x22f: {  	v11 =	vld [tilespmem:s20+$0x280]  }
0x230: {  	v8 =	vadd.f32 v9, v8  }
0x231: {  	v9 =	vld [tilespmem:s20+$0x300]  }
0x232: {  	v8 =	vadd.f32 v10, v8  }
0x233: {  	v10 =	vld [tilespmem:s20+$0x380]  }
0x234: {  	v8 =	vadd.f32 v11, v8  }
0x235: {  	v11 =	vld [tilespmem:s20+$0x1000]  }
0x236: {  	v8 =	vadd.f32 v9, v8  }
0x237: {  	v9 =	vld [tilespmem:s20+$0x1080]  }
0x238: {  	v8 =	vadd.f32 v10, v8  }
0x239: {  	v10 =	vld [tilespmem:s20+$0x1100]  }
0x23a: {  	v8 =	vadd.f32 v11, v8  }
0x23b: {  	v11 =	vld [tilespmem:s20+$0x1180]  }
0x23c: {  	v8 =	vadd.f32 v9, v8  }
0x23d: {  	v9 =	vld [tilespmem:s20+$0x1200]  }
0x23e: {  	v8 =	vadd.f32 v10, v8  }
0x23f: {  	v10 =	vld [tilespmem:s20+$0x1280]  }
0x240: {  	v8 =	vadd.f32 v11, v8  }
0x241: {  	v11 =	vld [tilespmem:s20+$0x1300]  }
0x242: {  	v8 =	vadd.f32 v9, v8  }
0x243: {  	v9 =	vld [tilespmem:s20+$0x1380]  }
0x244: {  	v8 =	vadd.f32 v10, v8  }
0x245: {  	v10 =	vld [tilespmem:s20+$0x2000]  }
0x246: {  	v8 =	vadd.f32 v11, v8  }
0x247: {  	v11 =	vld [tilespmem:s20+$0x2080]  }
0x248: {  	v8 =	vadd.f32 v9, v8  }
0x249: {  	v9 =	vld [tilespmem:s20+$0x2100]  }
0x24a: {  	v8 =	vadd.f32 v10, v8  }
0x24b: {  	v10 =	vld [tilespmem:s20+$0x2180]  }
0x24c: {  	v8 =	vadd.f32 v11, v8  }
0x24d: {  	v11 =	vld [tilespmem:s20+$0x2200]  }
0x24e: {  	v8 =	vadd.f32 v9, v8  }
0x24f: {  	v9 =	vld [tilespmem:s20+$0x2280]  }
0x250: {  	v8 =	vadd.f32 v10, v8  }
0x251: {  	v10 =	vld [tilespmem:s20+$0x2300]  }
0x252: {  	v8 =	vadd.f32 v11, v8  }
0x253: {  	v11 =	vld [tilespmem:s20+$0x2380]  }
0x254: {  	v8 =	vadd.f32 v9, v8  }
0x255: {  	v9 =	vld [tilespmem:s20+$0x3000]  }
0x256: {  	v8 =	vadd.f32 v10, v8  }
0x257: {  	v10 =	vld [tilespmem:s20+$0x3080]  }
0x258: {  	v8 =	vadd.f32 v11, v8  }
0x259: {  	v11 =	vld [tilespmem:s20+$0x3100]  }
0x25a: {  	v8 =	vadd.f32 v9, v8  }
0x25b: {  	v9 =	vld [tilespmem:s20+$0x3180]  }
0x25c: {  	v8 =	vadd.f32 v10, v8  }
0x25d: {  	v10 =	vld [tilespmem:s20+$0x3200]  }
0x25e: {  	v8 =	vadd.f32 v11, v8  }
0x25f: {  	v11 =	vld [tilespmem:s20+$0x3280]  }
0x260: {  	v8 =	vadd.f32 v9, v8  }
0x261: {  	v9 =	vld [tilespmem:s20+$0x3300]  }
0x262: {  	v8 =	vadd.f32 v10, v8  }
0x263: {  	v10 =	vld [tilespmem:s20+$0x3380]  }
0x264: {  	v8 =	vadd.f32 v11, v8  }
.Ltmp18:
0x265: {  	(pc) =	sbr.rel @!p1 .LBB2_25-.Ltmp18, $4  }
0x266: {  	v8 =	vadd.f32 v9, v8  }
0x267: {  	s8 =	sadd.s32 $0x80, s8  }
0x268: {  	s20 =	sand.u32 $0xC00, s8;
	v8 =	vadd.f32 v10, v8  }
0x269: {  	s23 =	sand.u32 $0x70, s9;
	s9 =	sadd.s32 $0x10, s9;
	s10 =	sadd.s32 s20, s0  }
0x26a: {  	s0 =	sadd.s32 s20, s4;
	s20 =	sadd.s32 s23, s10;
	[tilespmem:s6+$0x0] =	vst v8  }
0x26b: {  	s0 =	sadd.s32 s23, s0;
	v8 =	vld [tilespmem:s20+$0x0]  }
0x26c: {  	v9 =	vld [tilespmem:s0+$0x0];
	_ =	sdelay $0x1  }
0x26d: {  	v10 =	vld [tilespmem:s20+$0x80];
	_ =	sdelay $0x1  }
0x26e: {  	v11 =	vld [tilespmem:s20+$0x100]  }
0x26f: {  	v8 =	vadd.f32 v8, v9  }
0x270: {  	v35 =	vld [tilespmem:s20+$0x180]  }
0x271: {  	v8 =	vadd.f32 v10, v8  }
0x272: {  	v36 =	vld [tilespmem:s20+$0x200]  }
0x273: {  	v8 =	vadd.f32 v11, v8  }
0x274: {  	v37 =	vld [tilespmem:s20+$0x280]  }
0x275: {  	v8 =	vadd.f32 v35, v8  }
0x276: {  	v38 =	vld [tilespmem:s20+$0x300]  }
0x277: {  	v8 =	vadd.f32 v36, v8  }
0x278: {  	v39 =	vld [tilespmem:s20+$0x380]  }
0x279: {  	v8 =	vadd.f32 v37, v8  }
0x27a: {  	v40 =	vld [tilespmem:s20+$0x1000]  }
0x27b: {  	v8 =	vadd.f32 v38, v8  }
0x27c: {  	v41 =	vld [tilespmem:s20+$0x1080]  }
0x27d: {  	v8 =	vadd.f32 v39, v8  }
0x27e: {  	v42 =	vld [tilespmem:s20+$0x1100]  }
0x27f: {  	v8 =	vadd.f32 v40, v8  }
0x280: {  	v43 =	vld [tilespmem:s20+$0x1180]  }
0x281: {  	v8 =	vadd.f32 v41, v8  }
0x282: {  	v44 =	vld [tilespmem:s20+$0x1200]  }
0x283: {  	v8 =	vadd.f32 v42, v8  }
0x284: {  	v45 =	vld [tilespmem:s20+$0x1280]  }
0x285: {  	v8 =	vadd.f32 v43, v8  }
0x286: {  	v46 =	vld [tilespmem:s20+$0x1300]  }
0x287: {  	v8 =	vadd.f32 v44, v8  }
0x288: {  	v47 =	vld [tilespmem:s20+$0x1380]  }
0x289: {  	v8 =	vadd.f32 v45, v8  }
0x28a: {  	v48 =	vld [tilespmem:s20+$0x2000]  }
0x28b: {  	v8 =	vadd.f32 v46, v8  }
0x28c: {  	v49 =	vld [tilespmem:s20+$0x2080]  }
0x28d: {  	v8 =	vadd.f32 v47, v8  }
0x28e: {  	v50 =	vld [tilespmem:s20+$0x2100]  }
0x28f: {  	v8 =	vadd.f32 v48, v8  }
0x290: {  	v51 =	vld [tilespmem:s20+$0x2180]  }
0x291: {  	v8 =	vadd.f32 v49, v8  }
0x292: {  	v52 =	vld [tilespmem:s20+$0x2200]  }
0x293: {  	v8 =	vadd.f32 v50, v8  }
0x294: {  	v53 =	vld [tilespmem:s20+$0x2280]  }
0x295: {  	v8 =	vadd.f32 v51, v8  }
0x296: {  	v54 =	vld [tilespmem:s20+$0x2300]  }
0x297: {  	v8 =	vadd.f32 v52, v8  }
0x298: {  	v55 =	vld [tilespmem:s20+$0x2380]  }
0x299: {  	v8 =	vadd.f32 v53, v8  }
0x29a: {  	v56 =	vld [tilespmem:s20+$0x3000]  }
0x29b: {  	v8 =	vadd.f32 v54, v8  }
0x29c: {  	v57 =	vld [tilespmem:s20+$0x3080]  }
0x29d: {  	v8 =	vadd.f32 v55, v8  }
0x29e: {  	v58 =	vld [tilespmem:s20+$0x3100]  }
0x29f: {  	v8 =	vadd.f32 v56, v8  }
0x2a0: {  	v59 =	vld [tilespmem:s20+$0x3180]  }
0x2a1: {  	v8 =	vadd.f32 v57, v8  }
0x2a2: {  	v60 =	vld [tilespmem:s20+$0x3200]  }
0x2a3: {  	v8 =	vadd.f32 v58, v8  }
0x2a4: {  	v61 =	vld [tilespmem:s20+$0x3280]  }
0x2a5: {  	v8 =	vadd.f32 v59, v8  }
0x2a6: {  	v62 =	vld [tilespmem:s20+$0x3300]  }
0x2a7: {  	v8 =	vadd.f32 v60, v8  }
0x2a8: {  	v63 =	vld [tilespmem:s20+$0x3380]  }
0x2a9: {  	v8 =	vadd.f32 v61, v8;
	_ =	sdelay $0x1  }
0x2aa: {  	v8 =	vadd.f32 v62, v8;
	_ =	sdelay $0x1  }
0x2ab: {  	v8 =	vadd.f32 v63, v8;
	_ =	sdelay $0x1  }
0x2ac: {  	[tilespmem:s0+$0x0] =	vst v8  }
.LBB2_30:
0x2ad: {  	v8 =	vmov s28  }
0x2ae: {  	vm0 =	veq.s32 v8, v4  }
0x2af: {  	v8 =	vnsel vm0, $0x0, v7  }
0x2b0: {  	(xrf0) =	vadd.scan.msk.s32 $0xffff, v8;
	_ =	sdelay $0x5  }
0x2b1: {  	v8, _, _ =	vpop (xrf0)  }
0x2b2: {  	(v2sf) =	vpush v8, $0xF;
	_ =	sdelay $0xe  }
0x2b3: {  	s4 =	sadd.s32 $0x1, s26;
	p1 =	sgt.s32 s28, $0xF;
	s0 =	spop (v2sf)  }
0x2b4: {  	p2 =	slt.s32 @!p1 s4, s0  }
0x2b5: {  	p2 =	por p1, p2  }
.Ltmp19:
0x2b6: {  	_ = 	snop;
	(pc) =	sbr.rel @p2 .LBB2_31-.Ltmp19, $2  }
0x2b7: {  	_ =	sdelay $0x2  }
0x2b8: {  	s6 =	smov.u32 s28  }
.LBB2_32:
0x2b9: {  	s0 =	smov.u32 s6;
	s6 =	sadd.s32 $0x1, s6  }
0x2ba: {  	v8 =	vmov s6  }
0x2bb: {  	vm0 =	veq.s32 v8, v4  }
0x2bc: {  	v8 =	vnsel vm0, $0x0, v7  }
0x2bd: {  	(xrf0) =	vadd.scan.msk.s32 $0xffff, v8;
	_ =	sdelay $0x5  }
0x2be: {  	v8, _, _ =	vpop (xrf0)  }
0x2bf: {  	(v2sf) =	vpush v8, $0xF;
	_ =	sdelay $0xe  }
0x2c0: {  	p1 =	sgt.s32 s0, $0xE;
	s0 =	spop (v2sf)  }
0x2c1: {  	p2 =	slt.s32 @!p1 s0, $0x1  }
0x2c2: {  	p2 =	por p1, !p2  }
.Ltmp20:
0x2c3: {  	_ = 	snop;
	(pc) =	sbr.rel @!p2 .LBB2_32-.Ltmp20, $1  }
0x2c4: {  	_ =	sdelay $0x3  }
.Ltmp21:
0x2c5: {  	(pc) =	sbr.rel .LBB2_34-.Ltmp21, $3  }
0x2c6: {  	_ =	sdelay $0x1  }
0x2c7: {  	s4 =	simm.s32 $0x0  }
0x2c8: {  	s6 =	smov.u32 @p1 s6;
	s4 =	simm.s32 @p1 $0x0  }
.LBB2_35:
0x2c9: {  	s0 =	rddreg [dreg:$0x7];
	s2 =	simm.s32 $0x10080  }
0x2ca: {  	[spmem:s0] =	stream.linear.scatter [tilespmem:s2], [sflag:$0x5], $0x2000, $0x38;
	[tilespmem:$0x14480] =	vst v63  }
0x2cb: {  	_ =	swait.ge [sflag:s19], $0x2000  }
0x2cc: {  	[sflag:s19] =	ssyncset.done $0x0  }
0x2cd: {  	[sflag:s19] =	ssyncadd.s32 $0xFFFFE000  }
0x2ce: {  	[bflag:$0x0] =	sbarrier.arrive $0xFFFF  }
0x2cf: {  	[tilespmem:s2], [sflag:$0x5] =	stream.strided.gather [spmem:s7], $0x400, s21, s22, $0x38;
	[tilespmem:$0x14480] =	vst v63  }
0x2d0: {  	s10 =	simm.s32 $0x10480;
	s9 =	rddreg [dreg:$0xb]  }
0x2d1: {  	[tilespmem:s10], [sflag:$0x5] =	stream.strided.gather [spmem:s9], $0x400, s21, s22, $0x38;
	[tilespmem:$0x14480] =	vst v63  }
0x2d2: {  	s12 =	simm.s32 $0x10880;
	s11 =	rddreg [dreg:$0xc]  }
0x2d3: {  	[tilespmem:s12], [sflag:$0x5] =	stream.strided.gather [spmem:s11], $0x400, s21, s22, $0x38;
	[tilespmem:$0x14480] =	vst v63  }
0x2d4: {  	s20 =	simm.s32 $0x10C80  }
0x2d5: {  	[tilespmem:s20], [sflag:$0x5] =	stream.strided.gather [spmem:s13], $0x400, s21, s22, $0x38;
	[tilespmem:$0x14480] =	vst v63  }
0x2d6: {  	s23 =	simm.s32 $0x11080  }
0x2d7: {  	[tilespmem:s23], [sflag:$0x5] =	stream.strided.gather [spmem:s14], $0x400, s21, s22, $0x38;
	[tilespmem:$0x14480] =	vst v63  }
0x2d8: {  	s25 =	simm.s32 $0x11480  }
0x2d9: {  	[tilespmem:s25], [sflag:$0x5] =	stream.strided.gather [spmem:s15], $0x400, s21, s22, $0x38;
	[tilespmem:$0x14480] =	vst v63  }
0x2da: {  	s26 =	simm.s32 $0x11880  }
0x2db: {  	[tilespmem:s26], [sflag:$0x5] =	stream.strided.gather [spmem:s16], $0x400, s21, s22, $0x38;
	[tilespmem:$0x14480] =	vst v63  }
0x2dc: {  	s28 =	simm.s32 $0x11C80  }
0x2dd: {  	[tilespmem:s28], [sflag:$0x5] =	stream.strided.gather [spmem:s17], $0x400, s21, s22, $0x38;
	[tilespmem:$0x14480] =	vst v63  }
0x2de: {  	s29 =	simm.s32 $0x0;
	_ =	swait.ge [sflag:s19], $0x2000  }
0x2df: {  	s30 =	sand.u32 $0x70, s29;
	s0 =	sand.u32 $0xC00, s29;
	[sflag:s19] =	ssyncset.done $0x0  }
0x2e0: {  	s0 =	sor.u32 s30, s0;
	[sflag:s19] =	ssyncadd.s32 $0xFFFFE000  }
0x2e1: {  	v5 =	vld [tilespmem:s0+$0x10100]  }
0x2e2: {  	v6 =	vld [tilespmem:s0+$0x10080];
	_ =	sdelay $0x1  }
0x2e3: {  	v7 =	vld [tilespmem:s0+$0x10180];
	_ =	sdelay $0x1  }
0x2e4: {  	v8 =	vld [tilespmem:s0+$0x10200]  }
0x2e5: {  	v5 =	vadd.f32 v5, v6  }
0x2e6: {  	v6 =	vld [tilespmem:s0+$0x10280]  }
0x2e7: {  	v5 =	vadd.f32 v7, v5  }
0x2e8: {  	v7 =	vld [tilespmem:s0+$0x10300]  }
0x2e9: {  	v5 =	vadd.f32 v8, v5  }
0x2ea: {  	v60 =	vld [tilespmem:s0+$0x10380]  }
0x2eb: {  	v5 =	vadd.f32 v6, v5  }
0x2ec: {  	v6 =	vld [tilespmem:s0+$0x10400]  }
0x2ed: {  	v5 =	vadd.f32 v7, v5  }
0x2ee: {  	v7 =	vld [tilespmem:s0+$0x11080]  }
0x2ef: {  	v5 =	vadd.f32 v60, v5  }
0x2f0: {  	v61 =	vld [tilespmem:s0+$0x11100]  }
0x2f1: {  	v5 =	vadd.f32 v6, v5  }
0x2f2: {  	v6 =	vld [tilespmem:s0+$0x11180]  }
0x2f3: {  	v5 =	vadd.f32 v7, v5  }
0x2f4: {  	v7 =	vld [tilespmem:s0+$0x11200]  }
0x2f5: {  	v5 =	vadd.f32 v61, v5  }
0x2f6: {  	v62 =	vld [tilespmem:s0+$0x11280]  }
0x2f7: {  	v5 =	vadd.f32 v6, v5  }
0x2f8: {  	v6 =	vld [tilespmem:s0+$0x11300]  }
0x2f9: {  	v5 =	vadd.f32 v7, v5  }
0x2fa: {  	v7 =	vld [tilespmem:s0+$0x11380]  }
0x2fb: {  	v5 =	vadd.f32 v62, v5  }
0x2fc: {  	v63 =	vld [tilespmem:s0+$0x11400]  }
0x2fd: {  	v5 =	vadd.f32 v6, v5;
	_ =	sdelay $0x1  }
0x2fe: {  	v5 =	vadd.f32 v7, v5;
	_ =	sdelay $0x1  }
0x2ff: {  	s31 =	simm.s32 $0x10;
	s3 =	simm.s32 $0x80;
	v5 =	vadd.f32 v63, v5  }
0x300: {  	s4 =	sand.u32 $0xC00, s3;
	s2 =	sand.u32 $0x70, s31;
	s0 =	simm.s32 $0x12080  }
0x301: {  	s2 =	sor.u32 s2, s4;
	s4 =	simm.s32 $0x20;
	[tilespmem:s0+$0x0] =	vst v5  }
.LBB2_36:
0x302: {  	p1 =	sne.s32 s4, $0x1F0;
	v5 =	vld [tilespmem:s2+$0x10100]  }
0x303: {  	v6 =	vld [tilespmem:s2+$0x10080];
	_ =	sdelay $0x1  }
0x304: {  	v7 =	vld [tilespmem:s2+$0x10180];
	_ =	sdelay $0x1  }
0x305: {  	v8 =	vld [tilespmem:s2+$0x10200]  }
0x306: {  	v5 =	vadd.f32 v5, v6  }
0x307: {  	v6 =	vld [tilespmem:s2+$0x10280]  }
0x308: {  	v5 =	vadd.f32 v7, v5  }
0x309: {  	v7 =	vld [tilespmem:s2+$0x10300]  }
0x30a: {  	v5 =	vadd.f32 v8, v5  }
0x30b: {  	v8 =	vld [tilespmem:s2+$0x10380]  }
0x30c: {  	v5 =	vadd.f32 v6, v5  }
0x30d: {  	v6 =	vld [tilespmem:s2+$0x10400]  }
0x30e: {  	v5 =	vadd.f32 v7, v5  }
0x30f: {  	v7 =	vld [tilespmem:s2+$0x11080]  }
0x310: {  	v5 =	vadd.f32 v8, v5  }
0x311: {  	v8 =	vld [tilespmem:s2+$0x11100]  }
0x312: {  	v5 =	vadd.f32 v6, v5  }
0x313: {  	v6 =	vld [tilespmem:s2+$0x11180]  }
0x314: {  	v5 =	vadd.f32 v7, v5  }
0x315: {  	v7 =	vld [tilespmem:s2+$0x11200]  }
0x316: {  	v5 =	vadd.f32 v8, v5  }
0x317: {  	v8 =	vld [tilespmem:s2+$0x11280]  }
0x318: {  	v5 =	vadd.f32 v6, v5  }
0x319: {  	v6 =	vld [tilespmem:s2+$0x11300]  }
0x31a: {  	v5 =	vadd.f32 v7, v5  }
0x31b: {  	v7 =	vld [tilespmem:s2+$0x11380]  }
0x31c: {  	v5 =	vadd.f32 v8, v5  }
0x31d: {  	v8 =	vld [tilespmem:s2+$0x11400]  }
0x31e: {  	v5 =	vadd.f32 v6, v5;
	_ =	sdelay $0x1  }
.Ltmp22:
0x31f: {  	v5 =	vadd.f32 v7, v5;
	(pc) =	sbr.rel @p1 .LBB2_36-.Ltmp22, $4  }
0x320: {  	_ = 	snop  }
0x321: {  	s3 =	sadd.s32 $0x80, s3;
	v5 =	vadd.f32 v8, v5  }
0x322: {  	s0 =	sadd.s32 $0x10, s0;
	s6 =	sand.u32 $0xC00, s3;
	s2 =	sand.u32 $0x70, s4  }
0x323: {  	s4 =	sadd.s32 $0x10, s4;
	s2 =	sor.u32 s2, s6;
	[tilespmem:s0+$0x0] =	vst v5  }
0x324: {  	v5 =	vld [tilespmem:s2+$0x10100]  }
0x325: {  	v6 =	vld [tilespmem:s2+$0x10080];
	_ =	sdelay $0x1  }
0x326: {  	v7 =	vld [tilespmem:s2+$0x10180];
	_ =	sdelay $0x1  }
0x327: {  	v8 =	vld [tilespmem:s2+$0x10200]  }
0x328: {  	v5 =	vadd.f32 v5, v6  }
0x329: {  	v6 =	vld [tilespmem:s2+$0x10280]  }
0x32a: {  	v5 =	vadd.f32 v7, v5  }
0x32b: {  	v7 =	vld [tilespmem:s2+$0x10300]  }
0x32c: {  	v5 =	vadd.f32 v8, v5  }
0x32d: {  	v60 =	vld [tilespmem:s2+$0x10380]  }
0x32e: {  	v5 =	vadd.f32 v6, v5  }
0x32f: {  	v6 =	vld [tilespmem:s2+$0x10400]  }
0x330: {  	v5 =	vadd.f32 v7, v5  }
0x331: {  	v7 =	vld [tilespmem:s2+$0x11080]  }
0x332: {  	v5 =	vadd.f32 v60, v5  }
0x333: {  	v61 =	vld [tilespmem:s2+$0x11100]  }
0x334: {  	v5 =	vadd.f32 v6, v5  }
0x335: {  	v6 =	vld [tilespmem:s2+$0x11180]  }
0x336: {  	v5 =	vadd.f32 v7, v5  }
0x337: {  	v7 =	vld [tilespmem:s2+$0x11200]  }
0x338: {  	v5 =	vadd.f32 v61, v5  }
0x339: {  	v62 =	vld [tilespmem:s2+$0x11280]  }
0x33a: {  	v5 =	vadd.f32 v6, v5  }
0x33b: {  	v6 =	vld [tilespmem:s2+$0x11300]  }
0x33c: {  	v5 =	vadd.f32 v7, v5  }
0x33d: {  	v7 =	vld [tilespmem:s2+$0x11380]  }
0x33e: {  	v5 =	vadd.f32 v62, v5  }
0x33f: {  	v63 =	vld [tilespmem:s2+$0x11400]  }
0x340: {  	v5 =	vadd.f32 v6, v5;
	_ =	sdelay $0x1  }
0x341: {  	v5 =	vadd.f32 v7, v5;
	_ =	sdelay $0x1  }
0x342: {  	v5 =	vadd.f32 v63, v5  }
0x343: {  	s0 =	sadd.s32 $0x10, s0  }
0x344: {  	s29 =	rddreg [dreg:$0x8];
	s30 =	simm.s32 $0x400;
	s3 =	simm.s32 $0x12080;
	[tilespmem:s0+$0x0] =	vst v5  }
0x345: {  	[spmem:s29] =	stream.strided.scatter [tilespmem:s3], [sflag:$0x5], $0x200, s30, s22, $0x38;
	[tilespmem:$0x14480] =	vst v63  }
0x346: {  	_ =	swait.ge [sflag:s19], $0x200  }
0x347: {  	[sflag:s19] =	ssyncset.done $0x0  }
0x348: {  	[sflag:s19] =	ssyncadd.s32 $0xFFFFFE00  }
0x349: {  	s4 =	simm.s32 @!p0 $0x200;
	[bflag:$0x0] =	sbarrier.arrive $0xFFFF  }
0x34a: {  	s6 =	simm.s32 @!p0 $0x1C05;
	s2 =	simm.s32 @!p0 $0x20;
	s0 =	rddreg [dreg:$0x4]  }
0x34b: {  	s3 =	simm.s32 @!p0 $0x400;
	s8 =	rddreg [dreg:$0x9];
	s0 =	sshrl.u32 @!p0 s0, $0x3  }
0x34c: {  	[hbm:s8@s3], [sflag:s6] =	dma.strided @!p0 [spmem:s0@s4], $0x400, s2, $0x10   }
0x34d: {  	s0 =	simm.s32 @!p0 $0x5  }
0x34e: {  	_ =	swait.ge @!p0 [sflag:s0], $0x400  }
0x34f: {  	s24 =	sadd.s32 $0x1, s24;
	s31 =	rddreg [dreg:$0xa]  }
0x350: {  	p1 =	sne.s32 s24, s31  }
.Ltmp23:
0x351: {  	_ = 	snop;
	(pc) =	sbr.rel @p1 .LBB2_1-.Ltmp23, $3  }
0x352: {  	_ =	sdelay $0x1  }
0x353: {  	[sflag:s0] =	ssyncset.done @!p0 $0x0  }
0x354: {  	[sflag:s0] =	ssyncadd.s32 @!p0 $0xFFFFFC00  }
0x355: {  	_ =	sfence.sel $0x180000  }
0x356: {  	[bflag:$0x0] =	sbarrier.arrive $0xFFFF  }
0x357: {  	_ =	strace $0x90000047  }
0x358: {  	[bflag:$0x2] =	sbarrier.arrive $0xFFFF  }
0x359: {  	s0 =	rddreg [dreg:$0x5]  }
0x35a: {  	s0 =	sadd.s32 @!p0 $0x100000, s0  }
0x35b: {  	[sflag:s0] =	ssyncadd.tile.s32 @!p0 $0x1;
	_ =	shalt  }
.Lfunc_end2:
_tile_overlayer_lowered:
.L_overlay_start_2:
0x35c: {  	(tag) =	ssettag $0x2  }
0x35d: {  	s0 =	rddreg [dreg:$0x0];
	s2 =	stileid.u32  }
0x35e: {  	s1 =	rddreg [dreg:$0x1];
	p0 =	sne.s32 s2, $0x0  }
0x35f: {  	s3 =	rddreg [dreg:$0x2];
	[bflag:$0x3] =	sbarrier.arrive $0xFFFF;
	s2 =	simm.s32 @!p0 $0x1C05  }
0x360: {  	[timem:s3], [sflag:s2] =	dma.local @!p0 [hbm:s0], s1  }
0x361: {  	s0 =	simm.s32 @!p0 $0x5  }
0x362: {  	_ =	swait.ge @!p0 [sflag:s0], s1  }
0x363: {  	s1 =	ssub.s32 @!p0 $0x0, s1;
	[sflag:s0] =	ssyncset.done @!p0 $0x0  }
0x364: {  	[sflag:s0] =	ssyncadd.s32 @!p0 s1  }
0x365: {  	[bflag:$0x3] =	sbarrier.arrive $0xFFFF  }
0x366: {  	_ =	shalt  }

</sc_bundles>
